<compile_context>
chip_gen: v7x
topology: tpu7x:2x2x1
jax: 0.10.2.dev20260603
libtpu: 0.0.44.dev20260713+nightly
codegen_flags: <defaults>
</compile_context>

<pallas_src>
import functools

import jax
import jax.numpy as jnp
from jax import lax
from jax.experimental import pallas as pl
from jax.experimental.pallas import tpu as pltpu
from jax.experimental.pallas import tpu_sc as plsc

N_NODES = 10000
N_EDGES = 320000
NFEAT = 128
NHID = 16
NHEADS = 8
NCLASS = 16
HID_ALL = NHEADS * NHID
ALPHA = 0.2

NC = 2
NS = 16
NW = NC * NS
CHUNK = 128
CHUNKS_PER_TILE = -(-N_EDGES // (NW * CHUNK))
EPT = CHUNKS_PER_TILE * CHUNK
E_PAD = NW * EPT
EPT1 = E_PAD // NS
NCH1 = EPT1 // CHUNK
NPAD = 10240
STRIPE = NPAD // NS

_f32 = jnp.float32
_i32 = jnp.int32

_SC_PARAMS = pltpu.CompilerParams(use_tc_tiling_on_sc=False)


def _tc1_body(x_ref, w_ref, a_ref, wh_ref, s_ref):
    wh = jnp.dot(x_ref[...], w_ref[...], preferred_element_type=_f32)
    wh_ref[...] = wh
    s_ref[...] = jnp.dot(wh, a_ref[...], preferred_element_type=_f32)


_tc1 = pl.pallas_call(
    _tc1_body,
    grid=(10,),
    in_specs=[
        pl.BlockSpec((1000, NFEAT), lambda i: (i, 0)),
        pl.BlockSpec((NFEAT, HID_ALL), lambda i: (0, 0)),
        pl.BlockSpec((NFEAT, 16), lambda i: (0, 0)),
    ],
    out_specs=[
        pl.BlockSpec((1000, HID_ALL), lambda i: (i, 0)),
        pl.BlockSpec((1000, 16), lambda i: (i, 0)),
    ],
    out_shape=[
        jax.ShapeDtypeStruct((N_NODES, HID_ALL), _f32),
        jax.ShapeDtypeStruct((N_NODES, 16), _f32),
    ],
)


def _tc2_body(acc_ref, den_ref, w2_ref, a2_ref, t2a_ref, t2b_ref):
    acc = acc_ref[...]
    den = den_ref[...]
    d8 = den[:, :NHEADS]
    col = lax.broadcasted_iota(_i32, (NHEADS, HID_ALL), 1) // NHID
    row = lax.broadcasted_iota(_i32, (NHEADS, HID_ALL), 0)
    rep = jnp.where(col == row, 1.0, 0.0).astype(_f32)
    db = jnp.dot(d8, rep, preferred_element_type=_f32)
    h = acc / (db + 1e-16)
    h = jnp.where(h > 0, h, jnp.exp(h) - 1.0)
    wh2 = jnp.dot(h, w2_ref[...], preferred_element_type=_f32)
    s2 = jnp.dot(wh2, a2_ref[...], preferred_element_type=_f32)
    bsrc = jnp.broadcast_to(s2[:, 0:1], (wh2.shape[0], 16))
    bdst = jnp.broadcast_to(s2[:, 1:2], (wh2.shape[0], 16))
    t2a_ref[...] = jnp.concatenate([wh2, bsrc], axis=1)
    t2b_ref[...] = bdst


_tc2 = pl.pallas_call(
    _tc2_body,
    grid=(8,),
    in_specs=[
        pl.BlockSpec((1280, HID_ALL), lambda i: (i, 0)),
        pl.BlockSpec((1280, 16), lambda i: (i, 0)),
        pl.BlockSpec((HID_ALL, NCLASS), lambda i: (0, 0)),
        pl.BlockSpec((NCLASS, 16), lambda i: (0, 0)),
    ],
    out_specs=[
        pl.BlockSpec((1280, 32), lambda i: (i, 0)),
        pl.BlockSpec((1280, 16), lambda i: (i, 0)),
    ],
    out_shape=[
        jax.ShapeDtypeStruct((NPAD, 32), _f32),
        jax.ShapeDtypeStruct((NPAD, 16), _f32),
    ],
)


def _tc3_body(p_ref, out_ref):
    acc = p_ref[0, :, :NCLASS] + p_ref[1, :, :NCLASS]
    den = p_ref[0, :, NCLASS:] + p_ref[1, :, NCLASS:]
    o = acc / (den[:, 0:1] + 1e-16)
    o = jnp.where(o > 0, o, jnp.exp(o) - 1.0)
    m = jnp.max(o, axis=1, keepdims=True)
    z = o - m
    lse = jnp.log(jnp.sum(jnp.exp(z), axis=1, keepdims=True))
    out_ref[...] = z - lse


_tc3 = pl.pallas_call(
    _tc3_body,
    grid=(8,),
    in_specs=[pl.BlockSpec((NC, 1280, 32), lambda i: (0, i, 0))],
    out_specs=pl.BlockSpec((1280, NCLASS), lambda i: (i, 0)),
    out_shape=jax.ShapeDtypeStruct((NPAD, NCLASS), _f32),
)


def _sc_gat1(wh_slab, sd_tab, srcp, dstp):
    mesh = plsc.VectorSubcoreMesh(core_axis_name="c", subcore_axis_name="s")

    @functools.partial(
        pl.kernel,
        mesh=mesh,
        out_type=jax.ShapeDtypeStruct((NC, NPAD, 80), _f32),
        scratch_types=[
            pltpu.VMEM((CHUNK,), _i32), pltpu.VMEM((CHUNK,), _i32),
            pltpu.VMEM((CHUNK,), _i32), pltpu.VMEM((CHUNK,), _i32),
            pltpu.VMEM((CHUNK, 80), _f32), pltpu.VMEM((CHUNK, 80), _f32),
            pltpu.VMEM((CHUNK, 16), _f32), pltpu.VMEM((CHUNK, 16), _f32),
            pltpu.VMEM_SHARED((NPAD, 80), _f32),
            pltpu.SemaphoreType.DMA, pltpu.SemaphoreType.DMA,
            pltpu.SemaphoreType.DMA, pltpu.SemaphoreType.DMA,
        ],
        compiler_params=_SC_PARAMS,
    )
    def k(wh_hbm, sd_hbm, src_hbm, dst_hbm, acc_out,
          idxsA, idxdA, idxsB, idxdB, gwA, gwB, gdA, gdB,
          acc_sh, semIA, semIB, semA, semB):
        cid = lax.axis_index("c")
        sid = lax.axis_index("s")

        zero16 = jnp.zeros((16,), _f32)

        @plsc.parallel_loop(0, CHUNK, unroll=8)
        def zrow(i):
            for j in range(5):
                gwA[i, pl.ds(j * 16, 16)] = zero16

        base_r = sid * STRIPE
        for t in range(STRIPE // CHUNK):
            pltpu.sync_copy(gwA, acc_sh.at[pl.ds(base_r + t * CHUNK, CHUNK)])
        plsc.subcore_barrier()

        ebase = sid * EPT1
        slab_off = cid * N_NODES
        head0 = cid * 4

        def rebase(isv):
            for q in range(CHUNK // 16):
                isv[pl.ds(q * 16, 16)] = isv[pl.ds(q * 16, 16)] + slab_off

        def compute(gw, gd):
            @plsc.parallel_loop(0, CHUNK, unroll=8)
            def edge(kk):
                vs = gw[kk, pl.ds(64, 16)]
                vd = gd[kk, :]
                e = vs + vd
                e = jnp.maximum(e, ALPHA * e)
                ex = jnp.exp(e)
                gw[kk, pl.ds(64, 16)] = ex
                for j in range(4):
                    sp = ex.at[jnp.full((16,), head0 + j, _i32)].get(
                        mode="promise_in_bounds")
                    gw[kk, pl.ds(j * 16, 16)] = gw[kk, pl.ds(j * 16, 16)] * sp

        def pair(p, carry):
            offa = ebase + (2 * p) * CHUNK
            offb = offa + CHUNK
            i1 = pltpu.async_copy(src_hbm.at[pl.ds(offa, CHUNK)], idxsA, semIA)
            i2 = pltpu.async_copy(dst_hbm.at[pl.ds(offa, CHUNK)], idxdA, semIA)
            i3 = pltpu.async_copy(src_hbm.at[pl.ds(offb, CHUNK)], idxsB, semIB)
            i4 = pltpu.async_copy(dst_hbm.at[pl.ds(offb, CHUNK)], idxdB, semIB)
            i1.wait()
            i2.wait()
            rebase(idxsA)
            a1 = pltpu.async_copy(wh_hbm.at[idxsA], gwA, semA)
            a2 = pltpu.async_copy(sd_hbm.at[idxdA], gdA, semA)
            i3.wait()
            i4.wait()
            rebase(idxsB)
            b1 = pltpu.async_copy(wh_hbm.at[idxsB], gwB, semB)
            b2 = pltpu.async_copy(sd_hbm.at[idxdB], gdB, semB)
            a1.wait()
            a2.wait()
            compute(gwA, gdA)
            pltpu.sync_copy(gwA, acc_sh.at[idxdA], add=True)
            b1.wait()
            b2.wait()
            compute(gwB, gdB)
            pltpu.sync_copy(gwB, acc_sh.at[idxdB], add=True)
            return carry

        lax.fori_loop(0, NCH1 // 2, pair, 0)
        plsc.subcore_barrier()
        pltpu.sync_copy(acc_sh.at[pl.ds(base_r, STRIPE)],
                        acc_out.at[cid, pl.ds(base_r, STRIPE)])

    return k(wh_slab, sd_tab, srcp, dstp)


def _sc_gat2(t2a, t2b, srcp, dstp):
    mesh = plsc.VectorSubcoreMesh(core_axis_name="c", subcore_axis_name="s")

    @functools.partial(
        pl.kernel,
        mesh=mesh,
        out_type=jax.ShapeDtypeStruct((NC, NPAD, 32), _f32),
        scratch_types=[
            pltpu.VMEM((CHUNK,), _i32), pltpu.VMEM((CHUNK,), _i32),
            pltpu.VMEM((CHUNK,), _i32), pltpu.VMEM((CHUNK,), _i32),
            pltpu.VMEM((CHUNK, 32), _f32), pltpu.VMEM((CHUNK, 32), _f32),
            pltpu.VMEM((CHUNK, 16), _f32), pltpu.VMEM((CHUNK, 16), _f32),
            pltpu.VMEM_SHARED((NPAD, 32), _f32),
            pltpu.SemaphoreType.DMA, pltpu.SemaphoreType.DMA,
            pltpu.SemaphoreType.DMA, pltpu.SemaphoreType.DMA,
        ],
        compiler_params=_SC_PARAMS,
    )
    def k(ta_hbm, tb_hbm, src_hbm, dst_hbm, acc_out,
          idxsA, idxdA, idxsB, idxdB, gaA, gaB, gbA, gbB,
          acc_sh, semIA, semIB, semA, semB):
        cid = lax.axis_index("c")
        sid = lax.axis_index("s")

        zero16 = jnp.zeros((16,), _f32)

        @plsc.parallel_loop(0, CHUNK, unroll=8)
        def zrow(i):
            gaA[i, pl.ds(0, 16)] = zero16
            gaA[i, pl.ds(16, 16)] = zero16

        base_r = sid * STRIPE
        for t in range(STRIPE // CHUNK):
            pltpu.sync_copy(gaA, acc_sh.at[pl.ds(base_r + t * CHUNK, CHUNK)])
        plsc.subcore_barrier()

        wid = cid * NS + sid
        ebase = wid * EPT

        def compute(ga, gb):
            @plsc.parallel_loop(0, CHUNK, unroll=8)
            def edge(kk):
                e = ga[kk, pl.ds(16, 16)] + gb[kk, :]
                e = jnp.maximum(e, ALPHA * e)
                ex = jnp.exp(e)
                ga[kk, pl.ds(0, 16)] = ga[kk, pl.ds(0, 16)] * ex
                ga[kk, pl.ds(16, 16)] = ex

        def pair(p, carry):
            offa = ebase + (2 * p) * CHUNK
            offb = offa + CHUNK
            i1 = pltpu.async_copy(src_hbm.at[pl.ds(offa, CHUNK)], idxsA, semIA)
            i2 = pltpu.async_copy(dst_hbm.at[pl.ds(offa, CHUNK)], idxdA, semIA)
            i3 = pltpu.async_copy(src_hbm.at[pl.ds(offb, CHUNK)], idxsB, semIB)
            i4 = pltpu.async_copy(dst_hbm.at[pl.ds(offb, CHUNK)], idxdB, semIB)
            i1.wait()
            i2.wait()
            a1 = pltpu.async_copy(ta_hbm.at[idxsA], gaA, semA)
            a2 = pltpu.async_copy(tb_hbm.at[idxdA], gbA, semA)
            i3.wait()
            i4.wait()
            b1 = pltpu.async_copy(ta_hbm.at[idxsB], gaB, semB)
            b2 = pltpu.async_copy(tb_hbm.at[idxdB], gbB, semB)
            a1.wait()
            a2.wait()
            compute(gaA, gbA)
            pltpu.sync_copy(gaA, acc_sh.at[idxdA], add=True)
            b1.wait()
            b2.wait()
            compute(gaB, gbB)
            pltpu.sync_copy(gaB, acc_sh.at[idxdB], add=True)
            return carry

        lax.fori_loop(0, CHUNKS_PER_TILE // 2, pair, 0)
        offt = ebase + (CHUNKS_PER_TILE - 1) * CHUNK
        pltpu.sync_copy(src_hbm.at[pl.ds(offt, CHUNK)], idxsA)
        pltpu.sync_copy(dst_hbm.at[pl.ds(offt, CHUNK)], idxdA)
        t1 = pltpu.async_copy(ta_hbm.at[idxsA], gaA, semA)
        t2 = pltpu.async_copy(tb_hbm.at[idxdA], gbA, semA)
        t1.wait()
        t2.wait()
        compute(gaA, gbA)
        pltpu.sync_copy(gaA, acc_sh.at[idxdA], add=True)
        plsc.subcore_barrier()
        pltpu.sync_copy(acc_sh.at[pl.ds(base_r, STRIPE)],
                        acc_out.at[cid, pl.ds(base_r, STRIPE)])

    return k(t2a, t2b, srcp, dstp)


def kernel(x, edge_index, W1, a1, W2, a2):
    x = x.astype(_f32)
    W1r = jnp.transpose(W1, (1, 0, 2)).reshape(NFEAT, HID_ALL).astype(_f32)
    a1s = a1[:, :NHID, 0]
    a1d = a1[:, NHID:, 0]
    eye8 = jnp.eye(NHEADS, dtype=_f32)
    A1 = jnp.concatenate(
        [
            (a1s[:, :, None] * eye8[:, None, :]).reshape(HID_ALL, NHEADS),
            (a1d[:, :, None] * eye8[:, None, :]).reshape(HID_ALL, NHEADS),
        ],
        axis=1,
    ).astype(_f32)
    A2 = jnp.concatenate(
        [a2[:NCLASS], a2[NCLASS:], jnp.zeros((NCLASS, 14), _f32)], axis=1
    ).astype(_f32)

    src = edge_index[0].astype(_i32)
    dst = edge_index[1].astype(_i32)
    pad = E_PAD - N_EDGES
    srcp = jnp.concatenate([src, jnp.zeros((pad,), _i32)])
    dstp = jnp.concatenate([dst, jnp.full((pad,), N_NODES, _i32)])

    wh1, s1 = _tc1(x, W1r, A1)
    wh_slab = jnp.zeros((NC * N_NODES, 80), _f32)
    wh_slab = wh_slab.at[:N_NODES, :64].set(wh1[:, :64])
    wh_slab = wh_slab.at[N_NODES:, :64].set(wh1[:, 64:])
    wh_slab = wh_slab.at[:N_NODES, 64:72].set(s1[:, :8])
    wh_slab = wh_slab.at[N_NODES:, 64:72].set(s1[:, :8])
    sd_tab = jnp.zeros((NPAD, 16), _f32).at[:N_NODES, :8].set(s1[:, 8:])

    acc1 = _sc_gat1(wh_slab, sd_tab, srcp, dstp)
    acc_full = jnp.concatenate([acc1[0, :, :64], acc1[1, :, :64]], axis=1)
    den1 = acc1[0, :, 64:]

    t2a, t2b = _tc2(acc_full, den1, W2.astype(_f32), A2)
    p2 = _sc_gat2(t2a, t2b, srcp, dstp)
    out = _tc3(p2)
    return out[:N_NODES]

# --- scband reference (transcript-rebuilt; emitter-appended) ---
"""Pipeline reference for scband-gat-27109833572874 (READ-ONLY COPY).

The authoritative reference and input builder live on the scoring server;
editing this copy changes nothing except your own understanding.
"""

import jax, jax.numpy as jnp
import numpy as np

ALPHA = 0.2
NHEADS = 8
NFEAT = 128
NHID = 16
NCLASS = 16


def _leaky_relu(x, alpha):
    return jnp.where(x > 0, x, alpha * x)


def _gat_layer(x, edge_index, W, a, alpha, n_nodes):
    # Wh = x @ W  (linear transform)
    Wh = x @ W  # [N, F']
    src = edge_index[0]
    dst = edge_index[1]
    F_out = Wh.shape[1]
    a_src = a[:F_out, 0]
    a_dst = a[F_out:, 0]
    # e_ij = LeakyReLU(a^T [Wh_i || Wh_j]) restricted to edges (sparse equivalent of adj-masked dense attention)
    e = Wh[src] @ a_src + Wh[dst] @ a_dst  # [E]
    e = _leaky_relu(e, alpha)
    # softmax over incoming edges of each dst node
    e_max = jax.ops.segment_max(e, dst, num_segments=n_nodes)
    e_max = jnp.where(jnp.isfinite(e_max), e_max, 0.0)
    ex = jnp.exp(e - e_max[dst])
    denom = jax.ops.segment_sum(ex, dst, num_segments=n_nodes)
    attn = ex / (denom[dst] + 1e-16)
    # aggregate: h'_i = sum_j attn_ij * Wh_j
    out = jax.ops.segment_sum(attn[:, None] * Wh[src], dst, num_segments=n_nodes)
    return out


def setup_inputs(seed: int = 0) -> dict:
    key = jax.random.key(seed)
    k1, k2, k3, k4, k5, k6 = jax.random.split(key, 6)
    n_nodes = 10000
    n_edges = 320000
    x = jax.random.normal(k1, (n_nodes, NFEAT), dtype=jnp.float32)
    edge_index = jax.random.randint(k2, (2, n_edges), 0, n_nodes, dtype=jnp.int64)
    W1 = jax.random.normal(k3, (NHEADS, NFEAT, NHID), dtype=jnp.float32) * 0.1
    a1 = jax.random.normal(k4, (NHEADS, 2 * NHID, 1), dtype=jnp.float32) * 0.1
    W2 = jax.random.normal(k5, (NHEADS * NHID, NCLASS), dtype=jnp.float32) * 0.1
    a2 = jax.random.normal(k6, (2 * NCLASS, 1), dtype=jnp.float32) * 0.1
    return {"x": x, "edge_index": edge_index, "W1": W1, "a1": a1, "W2": W2, "a2": a2}


def reference(x, edge_index, W1, a1, W2, a2):
    n_nodes = x.shape[0]
    # dropout is identity in eval mode
    heads = [jax.nn.elu(_gat_layer(x, edge_index, W1[i], a1[i], ALPHA, n_nodes)) for i in range(NHEADS)]
    h = jnp.concatenate(heads, axis=1)  # [N, nheads*nhid]
    out = _gat_layer(h, edge_index, W2, a2, ALPHA, n_nodes)  # concat=False -> no elu inside layer
    out = jax.nn.elu(out)
    return jax.nn.log_softmax(out, axis=1)

if __name__ == "__main__":
    import jax
    _d = setup_inputs()
    print(jax.jit(kernel)(*tuple(_d.values())))

</pallas_src>

<mosaic_0001>
#map = affine_map<(d0, d1) -> (0, 0)>
#map1 = affine_map<(d0, d1) -> (0)>
#map2 = affine_map<(d0, d1) -> (0, 0, 0)>
module attributes {stable_mosaic.version = 14 : i64} {
  func.func @k(%arg0: i32, %arg1: i32, %arg2: memref<20000x80xf32, #tpu.memory_space<hbm>>, %arg3: memref<10240x16xf32, #tpu.memory_space<hbm>>, %arg4: memref<323584xi32, #tpu.memory_space<hbm>>, %arg5: memref<323584xi32, #tpu.memory_space<hbm>>, %arg6: memref<2x10240x80xf32, #tpu.memory_space<hbm>>, %arg7: memref<128xi32, #tpu.memory_space<vmem>>, %arg8: memref<128xi32, #tpu.memory_space<vmem>>, %arg9: memref<128xi32, #tpu.memory_space<vmem>>, %arg10: memref<128xi32, #tpu.memory_space<vmem>>, %arg11: memref<128x80xf32, #tpu.memory_space<vmem>>, %arg12: memref<128x80xf32, #tpu.memory_space<vmem>>, %arg13: memref<128x16xf32, #tpu.memory_space<vmem>>, %arg14: memref<128x16xf32, #tpu.memory_space<vmem>>, %arg15: memref<10240x80xf32, #tpu.memory_space<vmem_shared>>, %arg16: memref<!tpu.dma_semaphore, #tpu.memory_space<semaphore_mem>>, %arg17: memref<!tpu.dma_semaphore, #tpu.memory_space<semaphore_mem>>, %arg18: memref<!tpu.dma_semaphore, #tpu.memory_space<semaphore_mem>>, %arg19: memref<!tpu.dma_semaphore, #tpu.memory_space<semaphore_mem>>) attributes {dimension_semantics = [#tpu.dimension_semantics<core_parallel>, #tpu.dimension_semantics<subcore_parallel>], iteration_bounds = array<i64: 2, 16>, scalar_prefetch = 0 : i64, scratch_operands = 13 : i64, tpu.core_type = #tpu.core_type<sc_vector_subcore>, window_params = [{transform_indices = #map}, {transform_indices = #map}, {transform_indices = #map1}, {transform_indices = #map1}, {transform_indices = #map2}]} {
    %broadcast_in_dim3A = arith.constant 0.000000e+00 : f32
    %broadcast_in_dim3A_0 = vector.broadcast %broadcast_in_dim3A : f32 to vector<16xf32>
    %parallel_loop3A = arith.constant 0 : i32
    %parallel_loop3A_1 = arith.constant 128 : i32
    %parallel_loop3A_2 = arith.constant 1 : i32
    scf.for %parallel_loop3A_25 = %parallel_loop3A to %parallel_loop3A_1 step %parallel_loop3A_2  : i32 {
      %parallel_loop3A_26 = arith.index_cast %parallel_loop3A_25 : i32 to index
      %parallel_loop3A_27 = arith.constant 0 : index
      %parallel_loop3A_28 = tpu.vector_load %arg11[%parallel_loop3A_26, %parallel_loop3A_27] {strides = array<i32>} : memref<128x80xf32, #tpu.memory_space<vmem>>, vector<1x16xf32>,
      %parallel_loop3A_29 = vector.shape_cast %parallel_loop3A_28 : vector<1x16xf32> to vector<16xf32>
      %parallel_loop3A_30 = vector.shape_cast %broadcast_in_dim3A_0 : vector<16xf32> to vector<1x16xf32>
      tpu.vector_store %arg11[%parallel_loop3A_26, %parallel_loop3A_27], %parallel_loop3A_30 {strides = array<i32>} : memref<128x80xf32, #tpu.memory_space<vmem>>, vector<1x16xf32>,
      %parallel_loop3A_31 = arith.index_cast %parallel_loop3A_25 : i32 to index
      %parallel_loop3A_32 = arith.constant 16 : index
      %parallel_loop3A_33 = tpu.vector_load %arg11[%parallel_loop3A_31, %parallel_loop3A_32] {strides = array<i32>} : memref<128x80xf32, #tpu.memory_space<vmem>>, vector<1x16xf32>,
      %parallel_loop3A_34 = vector.shape_cast %parallel_loop3A_33 : vector<1x16xf32> to vector<16xf32>
      %parallel_loop3A_35 = vector.shape_cast %broadcast_in_dim3A_0 : vector<16xf32> to vector<1x16xf32>
      tpu.vector_store %arg11[%parallel_loop3A_31, %parallel_loop3A_32], %parallel_loop3A_35 {strides = array<i32>} : memref<128x80xf32, #tpu.memory_space<vmem>>, vector<1x16xf32>,
      %parallel_loop3A_36 = arith.index_cast %parallel_loop3A_25 : i32 to index
      %parallel_loop3A_37 = arith.constant 32 : index
      %parallel_loop3A_38 = tpu.vector_load %arg11[%parallel_loop3A_36, %parallel_loop3A_37] {strides = array<i32>} : memref<128x80xf32, #tpu.memory_space<vmem>>, vector<1x16xf32>,
      %parallel_loop3A_39 = vector.shape_cast %parallel_loop3A_38 : vector<1x16xf32> to vector<16xf32>
      %parallel_loop3A_40 = vector.shape_cast %broadcast_in_dim3A_0 : vector<16xf32> to vector<1x16xf32>
      tpu.vector_store %arg11[%parallel_loop3A_36, %parallel_loop3A_37], %parallel_loop3A_40 {strides = array<i32>} : memref<128x80xf32, #tpu.memory_space<vmem>>, vector<1x16xf32>,
      %parallel_loop3A_41 = arith.index_cast %parallel_loop3A_25 : i32 to index
      %parallel_loop3A_42 = arith.constant 48 : index
      %parallel_loop3A_43 = tpu.vector_load %arg11[%parallel_loop3A_41, %parallel_loop3A_42] {strides = array<i32>} : memref<128x80xf32, #tpu.memory_space<vmem>>, vector<1x16xf32>,
      %parallel_loop3A_44 = vector.shape_cast %parallel_loop3A_43 : vector<1x16xf32> to vector<16xf32>
      %parallel_loop3A_45 = vector.shape_cast %broadcast_in_dim3A_0 : vector<16xf32> to vector<1x16xf32>
      tpu.vector_store %arg11[%parallel_loop3A_41, %parallel_loop3A_42], %parallel_loop3A_45 {strides = array<i32>} : memref<128x80xf32, #tpu.memory_space<vmem>>, vector<1x16xf32>,
      %parallel_loop3A_46 = arith.index_cast %parallel_loop3A_25 : i32 to index
      %parallel_loop3A_47 = arith.constant 64 : index
      %parallel_loop3A_48 = tpu.vector_load %arg11[%parallel_loop3A_46, %parallel_loop3A_47] {strides = array<i32>} : memref<128x80xf32, #tpu.memory_space<vmem>>, vector<1x16xf32>,
      %parallel_loop3A_49 = vector.shape_cast %parallel_loop3A_48 : vector<1x16xf32> to vector<16xf32>
      %parallel_loop3A_50 = vector.shape_cast %broadcast_in_dim3A_0 : vector<16xf32> to vector<1x16xf32>
      tpu.vector_store %arg11[%parallel_loop3A_46, %parallel_loop3A_47], %parallel_loop3A_50 {strides = array<i32>} : memref<128x80xf32, #tpu.memory_space<vmem>>, vector<1x16xf32>,
    } {sc.loop_unroll_factor = 8 : i64, sc.parallel_access}
    %mul3A = arith.constant 640 : i32
    %mul3A_3 = arith.muli %arg1, %mul3A : i32
    %add3A = arith.constant 0 : i32
    %add3A_4 = arith.addi %mul3A_3, %add3A : i32
    "tpu.region"() ({
      %run_scoped3A = tpu.sem_alloc : memref<!tpu.dma_semaphore, #tpu.memory_space<semaphore_mem>>
      %dma_start3A = arith.constant 0 : i32
      %dma_start3A_25 = tpu.memref_slice %arg15[%add3A_4, %dma_start3A] : memref<10240x80xf32, #tpu.memory_space<vmem_shared>> -> memref<128x80xf32, #tpu.memory_space<vmem_shared>>
      %dma_start3A_26 = arith.constant 0 : i32
      %dma_start3A_27 = tpu.memref_slice %arg15[%add3A_4, %dma_start3A_26] : memref<10240x80xf32, #tpu.memory_space<vmem_shared>> -> memref<128x80xf32, #tpu.memory_space<vmem_shared>>
      tpu.enqueue_dma source(%arg11 : memref<128x80xf32, #tpu.memory_space<vmem>>) target(%dma_start3A_27 : memref<128x80xf32, #tpu.memory_space<vmem_shared>>) target_semaphore(%run_scoped3A : memref<!tpu.dma_semaphore, #tpu.memory_space<semaphore_mem>>)
      %dma_wait3A = arith.constant 0 : i32
      %dma_wait3A_28 = tpu.memref_slice %arg15[%add3A_4, %dma_wait3A] : memref<10240x80xf32, #tpu.memory_space<vmem_shared>> -> memref<128x80xf32, #tpu.memory_space<vmem_shared>>
      %dma_wait3A_29 = arith.constant 0 : i32
      %dma_wait3A_30 = tpu.memref_slice %arg15[%add3A_4, %dma_wait3A_29] : memref<10240x80xf32, #tpu.memory_space<vmem_shared>> -> memref<128x80xf32, #tpu.memory_space<vmem_shared>>
      tpu.wait_dma2 semaphore(%run_scoped3A : memref<!tpu.dma_semaphore, #tpu.memory_space<semaphore_mem>>) src(%arg11 : memref<128x80xf32, #tpu.memory_space<vmem>>) dst(%dma_wait3A_30 : memref<128x80xf32, #tpu.memory_space<vmem_shared>>)
      tpu.yield
    }) : () -> ()
    %add3A_5 = arith.constant 128 : i32
    %add3A_6 = arith.addi %mul3A_3, %add3A_5 : i32
    "tpu.region"() ({
      %run_scoped3A = tpu.sem_alloc : memref<!tpu.dma_semaphore, #tpu.memory_space<semaphore_mem>>
      %dma_start3A = arith.constant 0 : i32
      %dma_start3A_25 = tpu.memref_slice %arg15[%add3A_6, %dma_start3A] : memref<10240x80xf32, #tpu.memory_space<vmem_shared>> -> memref<128x80xf32, #tpu.memory_space<vmem_shared>>
      %dma_start3A_26 = arith.constant 0 : i32
      %dma_start3A_27 = tpu.memref_slice %arg15[%add3A_6, %dma_start3A_26] : memref<10240x80xf32, #tpu.memory_space<vmem_shared>> -> memref<128x80xf32, #tpu.memory_space<vmem_shared>>
      tpu.enqueue_dma source(%arg11 : memref<128x80xf32, #tpu.memory_space<vmem>>) target(%dma_start3A_27 : memref<128x80xf32, #tpu.memory_space<vmem_shared>>) target_semaphore(%run_scoped3A : memref<!tpu.dma_semaphore, #tpu.memory_space<semaphore_mem>>)
      %dma_wait3A = arith.constant 0 : i32
      %dma_wait3A_28 = tpu.memref_slice %arg15[%add3A_6, %dma_wait3A] : memref<10240x80xf32, #tpu.memory_space<vmem_shared>> -> memref<128x80xf32, #tpu.memory_space<vmem_shared>>
      %dma_wait3A_29 = arith.constant 0 : i32
      %dma_wait3A_30 = tpu.memref_slice %arg15[%add3A_6, %dma_wait3A_29] : memref<10240x80xf32, #tpu.memory_space<vmem_shared>> -> memref<128x80xf32, #tpu.memory_space<vmem_shared>>
      tpu.wait_dma2 semaphore(%run_scoped3A : memref<!tpu.dma_semaphore, #tpu.memory_space<semaphore_mem>>) src(%arg11 : memref<128x80xf32, #tpu.memory_space<vmem>>) dst(%dma_wait3A_30 : memref<128x80xf32, #tpu.memory_space<vmem_shared>>)
      tpu.yield
    }) : () -> ()
    %add3A_7 = arith.constant 256 : i32
    %add3A_8 = arith.addi %mul3A_3, %add3A_7 : i32
    "tpu.region"() ({
      %run_scoped3A = tpu.sem_alloc : memref<!tpu.dma_semaphore, #tpu.memory_space<semaphore_mem>>
      %dma_start3A = arith.constant 0 : i32
      %dma_start3A_25 = tpu.memref_slice %arg15[%add3A_8, %dma_start3A] : memref<10240x80xf32, #tpu.memory_space<vmem_shared>> -> memref<128x80xf32, #tpu.memory_space<vmem_shared>>
      %dma_start3A_26 = arith.constant 0 : i32
      %dma_start3A_27 = tpu.memref_slice %arg15[%add3A_8, %dma_start3A_26] : memref<10240x80xf32, #tpu.memory_space<vmem_shared>> -> memref<128x80xf32, #tpu.memory_space<vmem_shared>>
      tpu.enqueue_dma source(%arg11 : memref<128x80xf32, #tpu.memory_space<vmem>>) target(%dma_start3A_27 : memref<128x80xf32, #tpu.memory_space<vmem_shared>>) target_semaphore(%run_scoped3A : memref<!tpu.dma_semaphore, #tpu.memory_space<semaphore_mem>>)
      %dma_wait3A = arith.constant 0 : i32
      %dma_wait3A_28 = tpu.memref_slice %arg15[%add3A_8, %dma_wait3A] : memref<10240x80xf32, #tpu.memory_space<vmem_shared>> -> memref<128x80xf32, #tpu.memory_space<vmem_shared>>
      %dma_wait3A_29 = arith.constant 0 : i32
      %dma_wait3A_30 = tpu.memref_slice %arg15[%add3A_8, %dma_wait3A_29] : memref<10240x80xf32, #tpu.memory_space<vmem_shared>> -> memref<128x80xf32, #tpu.memory_space<vmem_shared>>
      tpu.wait_dma2 semaphore(%run_scoped3A : memref<!tpu.dma_semaphore, #tpu.memory_space<semaphore_mem>>) src(%arg11 : memref<128x80xf32, #tpu.memory_space<vmem>>) dst(%dma_wait3A_30 : memref<128x80xf32, #tpu.memory_space<vmem_shared>>)
      tpu.yield
    }) : () -> ()
    %add3A_9 = arith.constant 384 : i32
    %add3A_10 = arith.addi %mul3A_3, %add3A_9 : i32
    "tpu.region"() ({
      %run_scoped3A = tpu.sem_alloc : memref<!tpu.dma_semaphore, #tpu.memory_space<semaphore_mem>>
      %dma_start3A = arith.constant 0 : i32
      %dma_start3A_25 = tpu.memref_slice %arg15[%add3A_10, %dma_start3A] : memref<10240x80xf32, #tpu.memory_space<vmem_shared>> -> memref<128x80xf32, #tpu.memory_space<vmem_shared>>
      %dma_start3A_26 = arith.constant 0 : i32
      %dma_start3A_27 = tpu.memref_slice %arg15[%add3A_10, %dma_start3A_26] : memref<10240x80xf32, #tpu.memory_space<vmem_shared>> -> memref<128x80xf32, #tpu.memory_space<vmem_shared>>
      tpu.enqueue_dma source(%arg11 : memref<128x80xf32, #tpu.memory_space<vmem>>) target(%dma_start3A_27 : memref<128x80xf32, #tpu.memory_space<vmem_shared>>) target_semaphore(%run_scoped3A : memref<!tpu.dma_semaphore, #tpu.memory_space<semaphore_mem>>)
      %dma_wait3A = arith.constant 0 : i32
      %dma_wait3A_28 = tpu.memref_slice %arg15[%add3A_10, %dma_wait3A] : memref<10240x80xf32, #tpu.memory_space<vmem_shared>> -> memref<128x80xf32, #tpu.memory_space<vmem_shared>>
      %dma_wait3A_29 = arith.constant 0 : i32
      %dma_wait3A_30 = tpu.memref_slice %arg15[%add3A_10, %dma_wait3A_29] : memref<10240x80xf32, #tpu.memory_space<vmem_shared>> -> memref<128x80xf32, #tpu.memory_space<vmem_shared>>
      tpu.wait_dma2 semaphore(%run_scoped3A : memref<!tpu.dma_semaphore, #tpu.memory_space<semaphore_mem>>) src(%arg11 : memref<128x80xf32, #tpu.memory_space<vmem>>) dst(%dma_wait3A_30 : memref<128x80xf32, #tpu.memory_space<vmem_shared>>)
      tpu.yield
    }) : () -> ()
    %add3A_11 = arith.constant 512 : i32
    %add3A_12 = arith.addi %mul3A_3, %add3A_11 : i32
    "tpu.region"() ({
      %run_scoped3A = tpu.sem_alloc : memref<!tpu.dma_semaphore, #tpu.memory_space<semaphore_mem>>
      %dma_start3A = arith.constant 0 : i32
      %dma_start3A_25 = tpu.memref_slice %arg15[%add3A_12, %dma_start3A] : memref<10240x80xf32, #tpu.memory_space<vmem_shared>> -> memref<128x80xf32, #tpu.memory_space<vmem_shared>>
      %dma_start3A_26 = arith.constant 0 : i32
      %dma_start3A_27 = tpu.memref_slice %arg15[%add3A_12, %dma_start3A_26] : memref<10240x80xf32, #tpu.memory_space<vmem_shared>> -> memref<128x80xf32, #tpu.memory_space<vmem_shared>>
      tpu.enqueue_dma source(%arg11 : memref<128x80xf32, #tpu.memory_space<vmem>>) target(%dma_start3A_27 : memref<128x80xf32, #tpu.memory_space<vmem_shared>>) target_semaphore(%run_scoped3A : memref<!tpu.dma_semaphore, #tpu.memory_space<semaphore_mem>>)
      %dma_wait3A = arith.constant 0 : i32
      %dma_wait3A_28 = tpu.memref_slice %arg15[%add3A_12, %dma_wait3A] : memref<10240x80xf32, #tpu.memory_space<vmem_shared>> -> memref<128x80xf32, #tpu.memory_space<vmem_shared>>
      %dma_wait3A_29 = arith.constant 0 : i32
      %dma_wait3A_30 = tpu.memref_slice %arg15[%add3A_12, %dma_wait3A_29] : memref<10240x80xf32, #tpu.memory_space<vmem_shared>> -> memref<128x80xf32, #tpu.memory_space<vmem_shared>>
      tpu.wait_dma2 semaphore(%run_scoped3A : memref<!tpu.dma_semaphore, #tpu.memory_space<semaphore_mem>>) src(%arg11 : memref<128x80xf32, #tpu.memory_space<vmem>>) dst(%dma_wait3A_30 : memref<128x80xf32, #tpu.memory_space<vmem_shared>>)
      tpu.yield
    }) : () -> ()
    %barrier3A = arith.constant 0 : index
    tpu.barrier barrier_id(%barrier3A)
    %mul3A_13 = arith.constant 20224 : i32
    %mul3A_14 = arith.muli %arg1, %mul3A_13 : i32
    %mul3A_15 = arith.constant 10000 : i32
    %mul3A_16 = arith.muli %arg0, %mul3A_15 : i32
    %mul3A_17 = arith.constant 4 : i32
    %mul3A_18 = arith.muli %arg0, %mul3A_17 : i32
    %scan3A = arith.constant 0 : i32
    %scan3A_19 = arith.constant 0 : i32
    %scan3A_20 = arith.constant 79 : i32
    %scan3A_21 = arith.addi %scan3A_19, %scan3A_20 : i32
    %scan3A_22 = arith.constant 1 : i32
    scf.for %scan3A_25 = %scan3A_19 to %scan3A_21 step %scan3A_22  : i32 {
      %mul3A_26 = arith.constant 2 : i32
      %mul3A_27 = arith.muli %mul3A_26, %scan3A_25 : i32
      %mul3A_28 = arith.constant 128 : i32
      %mul3A_29 = arith.muli %mul3A_27, %mul3A_28 : i32
      %add3A_30 = arith.addi %mul3A_14, %mul3A_29 : i32
      %add3A_31 = arith.constant 128 : i32
      %add3A_32 = arith.addi %add3A_30, %add3A_31 : i32
      %dma_start3A = tpu.memref_slice %arg4[%add3A_30] : memref<323584xi32, #tpu.memory_space<hbm>> -> memref<128xi32, #tpu.memory_space<hbm>>
      %dma_start3A_33 = tpu.memref_slice %arg4[%add3A_30] : memref<323584xi32, #tpu.memory_space<hbm>> -> memref<128xi32, #tpu.memory_space<hbm>>
      tpu.enqueue_dma source(%dma_start3A_33 : memref<128xi32, #tpu.memory_space<hbm>>) target(%arg7 : memref<128xi32, #tpu.memory_space<vmem>>) target_semaphore(%arg16 : memref<!tpu.dma_semaphore, #tpu.memory_space<semaphore_mem>>)
      %dma_start3A_34 = tpu.memref_slice %arg5[%add3A_30] : memref<323584xi32, #tpu.memory_space<hbm>> -> memref<128xi32, #tpu.memory_space<hbm>>
      %dma_start3A_35 = tpu.memref_slice %arg5[%add3A_30] : memref<323584xi32, #tpu.memory_space<hbm>> -> memref<128xi32, #tpu.memory_space<hbm>>
      tpu.enqueue_dma source(%dma_start3A_35 : memref<128xi32, #tpu.memory_space<hbm>>) target(%arg8 : memref<128xi32, #tpu.memory_space<vmem>>) target_semaphore(%arg16 : memref<!tpu.dma_semaphore, #tpu.memory_space<semaphore_mem>>)
      %dma_start3A_36 = tpu.memref_slice %arg4[%add3A_32] : memref<323584xi32, #tpu.memory_space<hbm>> -> memref<128xi32, #tpu.memory_space<hbm>>
      %dma_start3A_37 = tpu.memref_slice %arg4[%add3A_32] : memref<323584xi32, #tpu.memory_space<hbm>> -> memref<128xi32, #tpu.memory_space<hbm>>
      tpu.enqueue_dma source(%dma_start3A_37 : memref<128xi32, #tpu.memory_space<hbm>>) target(%arg9 : memref<128xi32, #tpu.memory_space<vmem>>) target_semaphore(%arg17 : memref<!tpu.dma_semaphore, #tpu.memory_space<semaphore_mem>>)
      %dma_start3A_38 = tpu.memref_slice %arg5[%add3A_32] : memref<323584xi32, #tpu.memory_space<hbm>> -> memref<128xi32, #tpu.memory_space<hbm>>
      %dma_start3A_39 = tpu.memref_slice %arg5[%add3A_32] : memref<323584xi32, #tpu.memory_space<hbm>> -> memref<128xi32, #tpu.memory_space<hbm>>
      tpu.enqueue_dma source(%dma_start3A_39 : memref<128xi32, #tpu.memory_space<hbm>>) target(%arg10 : memref<128xi32, #tpu.memory_space<vmem>>) target_semaphore(%arg17 : memref<!tpu.dma_semaphore, #tpu.memory_space<semaphore_mem>>)
      %dma_wait3A = tpu.memref_slice %arg4[%add3A_30] : memref<323584xi32, #tpu.memory_space<hbm>> -> memref<128xi32, #tpu.memory_space<hbm>>
      %dma_wait3A_40 = tpu.memref_slice %arg4[%add3A_30] : memref<323584xi32, #tpu.memory_space<hbm>> -> memref<128xi32, #tpu.memory_space<hbm>>
      tpu.wait_dma2 semaphore(%arg16 : memref<!tpu.dma_semaphore, #tpu.memory_space<semaphore_mem>>) src(%dma_wait3A_40 : memref<128xi32, #tpu.memory_space<hbm>>) dst(%arg7 : memref<128xi32, #tpu.memory_space<vmem>>)
      %dma_wait3A_41 = tpu.memref_slice %arg5[%add3A_30] : memref<323584xi32, #tpu.memory_space<hbm>> -> memref<128xi32, #tpu.memory_space<hbm>>
      %dma_wait3A_42 = tpu.memref_slice %arg5[%add3A_30] : memref<323584xi32, #tpu.memory_space<hbm>> -> memref<128xi32, #tpu.memory_space<hbm>>
      tpu.wait_dma2 semaphore(%arg16 : memref<!tpu.dma_semaphore, #tpu.memory_space<semaphore_mem>>) src(%dma_wait3A_42 : memref<128xi32, #tpu.memory_space<hbm>>) dst(%arg8 : memref<128xi32, #tpu.memory_space<vmem>>)
      %get3A = arith.constant 0 : index
      %get3A_43 = tpu.vector_load %arg7[%get3A] {strides = array<i32>} : memref<128xi32, #tpu.memory_space<vmem>>, vector<16xi32>,
      %get3A_44 = vector.shape_cast %get3A_43 : vector<16xi32> to vector<16xi32>
      %add3A_45 = vector.broadcast %mul3A_16 : i32 to vector<16xi32>
      %add3A_46 = arith.addi %get3A_44, %add3A_45 : vector<16xi32>
      %swap3A = arith.constant 0 : index
      %swap3A_47 = tpu.vector_load %arg7[%swap3A] {strides = array<i32>} : memref<128xi32, #tpu.memory_space<vmem>>, vector<16xi32>,
      %swap3A_48 = vector.shape_cast %swap3A_47 : vector<16xi32> to vector<16xi32>
      %swap3A_49 = vector.shape_cast %add3A_46 : vector<16xi32> to vector<16xi32>
      tpu.vector_store %arg7[%swap3A], %swap3A_49 {strides = array<i32>} : memref<128xi32, #tpu.memory_space<vmem>>, vector<16xi32>,
      %get3A_50 = arith.constant 16 : index
      %get3A_51 = tpu.vector_load %arg7[%get3A_50] {strides = array<i32>} : memref<128xi32, #tpu.memory_space<vmem>>, vector<16xi32>,
      %get3A_52 = vector.shape_cast %get3A_51 : vector<16xi32> to vector<16xi32>
      %add3A_53 = vector.broadcast %mul3A_16 : i32 to vector<16xi32>
      %add3A_54 = arith.addi %get3A_52, %add3A_53 : vector<16xi32>
      %swap3A_55 = arith.constant 16 : index
      %swap3A_56 = tpu.vector_load %arg7[%swap3A_55] {strides = array<i32>} : memref<128xi32, #tpu.memory_space<vmem>>, vector<16xi32>,
      %swap3A_57 = vector.shape_cast %swap3A_56 : vector<16xi32> to vector<16xi32>
      %swap3A_58 = vector.shape_cast %add3A_54 : vector<16xi32> to vector<16xi32>
      tpu.vector_store %arg7[%swap3A_55], %swap3A_58 {strides = array<i32>} : memref<128xi32, #tpu.memory_space<vmem>>, vector<16xi32>,
      %get3A_59 = arith.constant 32 : index
      %get3A_60 = tpu.vector_load %arg7[%get3A_59] {strides = array<i32>} : memref<128xi32, #tpu.memory_space<vmem>>, vector<16xi32>,
      %get3A_61 = vector.shape_cast %get3A_60 : vector<16xi32> to vector<16xi32>
      %add3A_62 = vector.broadcast %mul3A_16 : i32 to vector<16xi32>
      %add3A_63 = arith.addi %get3A_61, %add3A_62 : vector<16xi32>
      %swap3A_64 = arith.constant 32 : index
      %swap3A_65 = tpu.vector_load %arg7[%swap3A_64] {strides = array<i32>} : memref<128xi32, #tpu.memory_space<vmem>>, vector<16xi32>,
      %swap3A_66 = vector.shape_cast %swap3A_65 : vector<16xi32> to vector<16xi32>
      %swap3A_67 = vector.shape_cast %add3A_63 : vector<16xi32> to vector<16xi32>
      tpu.vector_store %arg7[%swap3A_64], %swap3A_67 {strides = array<i32>} : memref<128xi32, #tpu.memory_space<vmem>>, vector<16xi32>,
      %get3A_68 = arith.constant 48 : index
      %get3A_69 = tpu.vector_load %arg7[%get3A_68] {strides = array<i32>} : memref<128xi32, #tpu.memory_space<vmem>>, vector<16xi32>,
      %get3A_70 = vector.shape_cast %get3A_69 : vector<16xi32> to vector<16xi32>
      %add3A_71 = vector.broadcast %mul3A_16 : i32 to vector<16xi32>
      %add3A_72 = arith.addi %get3A_70, %add3A_71 : vector<16xi32>
      %swap3A_73 = arith.constant 48 : index
      %swap3A_74 = tpu.vector_load %arg7[%swap3A_73] {strides = array<i32>} : memref<128xi32, #tpu.memory_space<vmem>>, vector<16xi32>,
      %swap3A_75 = vector.shape_cast %swap3A_74 : vector<16xi32> to vector<16xi32>
      %swap3A_76 = vector.shape_cast %add3A_72 : vector<16xi32> to vector<16xi32>
      tpu.vector_store %arg7[%swap3A_73], %swap3A_76 {strides = array<i32>} : memref<128xi32, #tpu.memory_space<vmem>>, vector<16xi32>,
      %get3A_77 = arith.constant 64 : index
      %get3A_78 = tpu.vector_load %arg7[%get3A_77] {strides = array<i32>} : memref<128xi32, #tpu.memory_space<vmem>>, vector<16xi32>,
      %get3A_79 = vector.shape_cast %get3A_78 : vector<16xi32> to vector<16xi32>
      %add3A_80 = vector.broadcast %mul3A_16 : i32 to vector<16xi32>
      %add3A_81 = arith.addi %get3A_79, %add3A_80 : vector<16xi32>
      %swap3A_82 = arith.constant 64 : index
      %swap3A_83 = tpu.vector_load %arg7[%swap3A_82] {strides = array<i32>} : memref<128xi32, #tpu.memory_space<vmem>>, vector<16xi32>,
      %swap3A_84 = vector.shape_cast %swap3A_83 : vector<16xi32> to vector<16xi32>
      %swap3A_85 = vector.shape_cast %add3A_81 : vector<16xi32> to vector<16xi32>
      tpu.vector_store %arg7[%swap3A_82], %swap3A_85 {strides = array<i32>} : memref<128xi32, #tpu.memory_space<vmem>>, vector<16xi32>,
      %get3A_86 = arith.constant 80 : index
      %get3A_87 = tpu.vector_load %arg7[%get3A_86] {strides = array<i32>} : memref<128xi32, #tpu.memory_space<vmem>>, vector<16xi32>,
      %get3A_88 = vector.shape_cast %get3A_87 : vector<16xi32> to vector<16xi32>
      %add3A_89 = vector.broadcast %mul3A_16 : i32 to vector<16xi32>
      %add3A_90 = arith.addi %get3A_88, %add3A_89 : vector<16xi32>
      %swap3A_91 = arith.constant 80 : index
      %swap3A_92 = tpu.vector_load %arg7[%swap3A_91] {strides = array<i32>} : memref<128xi32, #tpu.memory_space<vmem>>, vector<16xi32>,
      %swap3A_93 = vector.shape_cast %swap3A_92 : vector<16xi32> to vector<16xi32>
      %swap3A_94 = vector.shape_cast %add3A_90 : vector<16xi32> to vector<16xi32>
      tpu.vector_store %arg7[%swap3A_91], %swap3A_94 {strides = array<i32>} : memref<128xi32, #tpu.memory_space<vmem>>, vector<16xi32>,
      %get3A_95 = arith.constant 96 : index
      %get3A_96 = tpu.vector_load %arg7[%get3A_95] {strides = array<i32>} : memref<128xi32, #tpu.memory_space<vmem>>, vector<16xi32>,
      %get3A_97 = vector.shape_cast %get3A_96 : vector<16xi32> to vector<16xi32>
      %add3A_98 = vector.broadcast %mul3A_16 : i32 to vector<16xi32>
      %add3A_99 = arith.addi %get3A_97, %add3A_98 : vector<16xi32>
      %swap3A_100 = arith.constant 96 : index
      %swap3A_101 = tpu.vector_load %arg7[%swap3A_100] {strides = array<i32>} : memref<128xi32, #tpu.memory_space<vmem>>, vector<16xi32>,
      %swap3A_102 = vector.shape_cast %swap3A_101 : vector<16xi32> to vector<16xi32>
      %swap3A_103 = vector.shape_cast %add3A_99 : vector<16xi32> to vector<16xi32>
      tpu.vector_store %arg7[%swap3A_100], %swap3A_103 {strides = array<i32>} : memref<128xi32, #tpu.memory_space<vmem>>, vector<16xi32>,
      %get3A_104 = arith.constant 112 : index
      %get3A_105 = tpu.vector_load %arg7[%get3A_104] {strides = array<i32>} : memref<128xi32, #tpu.memory_space<vmem>>, vector<16xi32>,
      %get3A_106 = vector.shape_cast %get3A_105 : vector<16xi32> to vector<16xi32>
      %add3A_107 = vector.broadcast %mul3A_16 : i32 to vector<16xi32>
      %add3A_108 = arith.addi %get3A_106, %add3A_107 : vector<16xi32>
      %swap3A_109 = arith.constant 112 : index
      %swap3A_110 = tpu.vector_load %arg7[%swap3A_109] {strides = array<i32>} : memref<128xi32, #tpu.memory_space<vmem>>, vector<16xi32>,
      %swap3A_111 = vector.shape_cast %swap3A_110 : vector<16xi32> to vector<16xi32>
      %swap3A_112 = vector.shape_cast %add3A_108 : vector<16xi32> to vector<16xi32>
      tpu.vector_store %arg7[%swap3A_109], %swap3A_112 {strides = array<i32>} : memref<128xi32, #tpu.memory_space<vmem>>, vector<16xi32>,
      %dma_start3A_113 = arith.constant 0 : i32
      %dma_start3A_114 = arith.constant 0 : i32
      %dma_start3A_115 = tpu.memref_slice %arg2[%dma_start3A_113, %dma_start3A_114] : memref<20000x80xf32, #tpu.memory_space<hbm>> -> memref<20000x80xf32, #tpu.memory_space<hbm>>
      tpu.enqueue_indirect_dma source(%dma_start3A_115 : memref<20000x80xf32, #tpu.memory_space<hbm>>) target(%arg11 : memref<128x80xf32, #tpu.memory_space<vmem>>) offsets(%arg7 : memref<128xi32, #tpu.memory_space<vmem>>) semaphore(%arg18 : memref<!tpu.dma_semaphore, #tpu.memory_space<semaphore_mem>>)
      %dma_start3A_116 = arith.constant 0 : i32
      %dma_start3A_117 = arith.constant 0 : i32
      %dma_start3A_118 = tpu.memref_slice %arg3[%dma_start3A_116, %dma_start3A_117] : memref<10240x16xf32, #tpu.memory_space<hbm>> -> memref<10240x16xf32, #tpu.memory_space<hbm>>
      tpu.enqueue_indirect_dma source(%dma_start3A_118 : memref<10240x16xf32, #tpu.memory_space<hbm>>) target(%arg13 : memref<128x16xf32, #tpu.memory_space<vmem>>) offsets(%arg8 : memref<128xi32, #tpu.memory_space<vmem>>) semaphore(%arg18 : memref<!tpu.dma_semaphore, #tpu.memory_space<semaphore_mem>>)
      %dma_wait3A_119 = tpu.memref_slice %arg4[%add3A_32] : memref<323584xi32, #tpu.memory_space<hbm>> -> memref<128xi32, #tpu.memory_space<hbm>>
      %dma_wait3A_120 = tpu.memref_slice %arg4[%add3A_32] : memref<323584xi32, #tpu.memory_space<hbm>> -> memref<128xi32, #tpu.memory_space<hbm>>
      tpu.wait_dma2 semaphore(%arg17 : memref<!tpu.dma_semaphore, #tpu.memory_space<semaphore_mem>>) src(%dma_wait3A_120 : memref<128xi32, #tpu.memory_space<hbm>>) dst(%arg9 : memref<128xi32, #tpu.memory_space<vmem>>)
      %dma_wait3A_121 = tpu.memref_slice %arg5[%add3A_32] : memref<323584xi32, #tpu.memory_space<hbm>> -> memref<128xi32, #tpu.memory_space<hbm>>
      %dma_wait3A_122 = tpu.memref_slice %arg5[%add3A_32] : memref<323584xi32, #tpu.memory_space<hbm>> -> memref<128xi32, #tpu.memory_space<hbm>>
      tpu.wait_dma2 semaphore(%arg17 : memref<!tpu.dma_semaphore, #tpu.memory_space<semaphore_mem>>) src(%dma_wait3A_122 : memref<128xi32, #tpu.memory_space<hbm>>) dst(%arg10 : memref<128xi32, #tpu.memory_space<vmem>>)
      %get3A_123 = arith.constant 0 : index
      %get3A_124 = tpu.vector_load %arg9[%get3A_123] {strides = array<i32>} : memref<128xi32, #tpu.memory_space<vmem>>, vector<16xi32>,
      %get3A_125 = vector.shape_cast %get3A_124 : vector<16xi32> to vector<16xi32>
      %add3A_126 = vector.broadcast %mul3A_16 : i32 to vector<16xi32>
      %add3A_127 = arith.addi %get3A_125, %add3A_126 : vector<16xi32>
      %swap3A_128 = arith.constant 0 : index
      %swap3A_129 = tpu.vector_load %arg9[%swap3A_128] {strides = array<i32>} : memref<128xi32, #tpu.memory_space<vmem>>, vector<16xi32>,
      %swap3A_130 = vector.shape_cast %swap3A_129 : vector<16xi32> to vector<16xi32>
      %swap3A_131 = vector.shape_cast %add3A_127 : vector<16xi32> to vector<16xi32>
      tpu.vector_store %arg9[%swap3A_128], %swap3A_131 {strides = array<i32>} : memref<128xi32, #tpu.memory_space<vmem>>, vector<16xi32>,
      %get3A_132 = arith.constant 16 : index
      %get3A_133 = tpu.vector_load %arg9[%get3A_132] {strides = array<i32>} : memref<128xi32, #tpu.memory_space<vmem>>, vector<16xi32>,
      %get3A_134 = vector.shape_cast %get3A_133 : vector<16xi32> to vector<16xi32>
      %add3A_135 = vector.broadcast %mul3A_16 : i32 to vector<16xi32>
      %add3A_136 = arith.addi %get3A_134, %add3A_135 : vector<16xi32>
      %swap3A_137 = arith.constant 16 : index
      %swap3A_138 = tpu.vector_load %arg9[%swap3A_137] {strides = array<i32>} : memref<128xi32, #tpu.memory_space<vmem>>, vector<16xi32>,
      %swap3A_139 = vector.shape_cast %swap3A_138 : vector<16xi32> to vector<16xi32>
      %swap3A_140 = vector.shape_cast %add3A_136 : vector<16xi32> to vector<16xi32>
      tpu.vector_store %arg9[%swap3A_137], %swap3A_140 {strides = array<i32>} : memref<128xi32, #tpu.memory_space<vmem>>, vector<16xi32>,
      %get3A_141 = arith.constant 32 : index
      %get3A_142 = tpu.vector_load %arg9[%get3A_141] {strides = array<i32>} : memref<128xi32, #tpu.memory_space<vmem>>, vector<16xi32>,
      %get3A_143 = vector.shape_cast %get3A_142 : vector<16xi32> to vector<16xi32>
      %add3A_144 = vector.broadcast %mul3A_16 : i32 to vector<16xi32>
      %add3A_145 = arith.addi %get3A_143, %add3A_144 : vector<16xi32>
      %swap3A_146 = arith.constant 32 : index
      %swap3A_147 = tpu.vector_load %arg9[%swap3A_146] {strides = array<i32>} : memref<128xi32, #tpu.memory_space<vmem>>, vector<16xi32>,
      %swap3A_148 = vector.shape_cast %swap3A_147 : vector<16xi32> to vector<16xi32>
      %swap3A_149 = vector.shape_cast %add3A_145 : vector<16xi32> to vector<16xi32>
      tpu.vector_store %arg9[%swap3A_146], %swap3A_149 {strides = array<i32>} : memref<128xi32, #tpu.memory_space<vmem>>, vector<16xi32>,
      %get3A_150 = arith.constant 48 : index
      %get3A_151 = tpu.vector_load %arg9[%get3A_150] {strides = array<i32>} : memref<128xi32, #tpu.memory_space<vmem>>, vector<16xi32>,
      %get3A_152 = vector.shape_cast %get3A_151 : vector<16xi32> to vector<16xi32>
      %add3A_153 = vector.broadcast %mul3A_16 : i32 to vector<16xi32>
      %add3A_154 = arith.addi %get3A_152, %add3A_153 : vector<16xi32>
      %swap3A_155 = arith.constant 48 : index
      %swap3A_156 = tpu.vector_load %arg9[%swap3A_155] {strides = array<i32>} : memref<128xi32, #tpu.memory_space<vmem>>, vector<16xi32>,
      %swap3A_157 = vector.shape_cast %swap3A_156 : vector<16xi32> to vector<16xi32>
      %swap3A_158 = vector.shape_cast %add3A_154 : vector<16xi32> to vector<16xi32>
      tpu.vector_store %arg9[%swap3A_155], %swap3A_158 {strides = array<i32>} : memref<128xi32, #tpu.memory_space<vmem>>, vector<16xi32>,
      %get3A_159 = arith.constant 64 : index
      %get3A_160 = tpu.vector_load %arg9[%get3A_159] {strides = array<i32>} : memref<128xi32, #tpu.memory_space<vmem>>, vector<16xi32>,
      %get3A_161 = vector.shape_cast %get3A_160 : vector<16xi32> to vector<16xi32>
      %add3A_162 = vector.broadcast %mul3A_16 : i32 to vector<16xi32>
      %add3A_163 = arith.addi %get3A_161, %add3A_162 : vector<16xi32>
      %swap3A_164 = arith.constant 64 : index
      %swap3A_165 = tpu.vector_load %arg9[%swap3A_164] {strides = array<i32>} : memref<128xi32, #tpu.memory_space<vmem>>, vector<16xi32>,
      %swap3A_166 = vector.shape_cast %swap3A_165 : vector<16xi32> to vector<16xi32>
      %swap3A_167 = vector.shape_cast %add3A_163 : vector<16xi32> to vector<16xi32>
      tpu.vector_store %arg9[%swap3A_164], %swap3A_167 {strides = array<i32>} : memref<128xi32, #tpu.memory_space<vmem>>, vector<16xi32>,
      %get3A_168 = arith.constant 80 : index
      %get3A_169 = tpu.vector_load %arg9[%get3A_168] {strides = array<i32>} : memref<128xi32, #tpu.memory_space<vmem>>, vector<16xi32>,
      %get3A_170 = vector.shape_cast %get3A_169 : vector<16xi32> to vector<16xi32>
      %add3A_171 = vector.broadcast %mul3A_16 : i32 to vector<16xi32>
      %add3A_172 = arith.addi %get3A_170, %add3A_171 : vector<16xi32>
      %swap3A_173 = arith.constant 80 : index
      %swap3A_174 = tpu.vector_load %arg9[%swap3A_173] {strides = array<i32>} : memref<128xi32, #tpu.memory_space<vmem>>, vector<16xi32>,
      %swap3A_175 = vector.shape_cast %swap3A_174 : vector<16xi32> to vector<16xi32>
      %swap3A_176 = vector.shape_cast %add3A_172 : vector<16xi32> to vector<16xi32>
      tpu.vector_store %arg9[%swap3A_173], %swap3A_176 {strides = array<i32>} : memref<128xi32, #tpu.memory_space<vmem>>, vector<16xi32>,
      %get3A_177 = arith.constant 96 : index
      %get3A_178 = tpu.vector_load %arg9[%get3A_177] {strides = array<i32>} : memref<128xi32, #tpu.memory_space<vmem>>, vector<16xi32>,
      %get3A_179 = vector.shape_cast %get3A_178 : vector<16xi32> to vector<16xi32>
      %add3A_180 = vector.broadcast %mul3A_16 : i32 to vector<16xi32>
      %add3A_181 = arith.addi %get3A_179, %add3A_180 : vector<16xi32>
      %swap3A_182 = arith.constant 96 : index
      %swap3A_183 = tpu.vector_load %arg9[%swap3A_182] {strides = array<i32>} : memref<128xi32, #tpu.memory_space<vmem>>, vector<16xi32>,
      %swap3A_184 = vector.shape_cast %swap3A_183 : vector<16xi32> to vector<16xi32>
      %swap3A_185 = vector.shape_cast %add3A_181 : vector<16xi32> to vector<16xi32>
      tpu.vector_store %arg9[%swap3A_182], %swap3A_185 {strides = array<i32>} : memref<128xi32, #tpu.memory_space<vmem>>, vector<16xi32>,
      %get3A_186 = arith.constant 112 : index
      %get3A_187 = tpu.vector_load %arg9[%get3A_186] {strides = array<i32>} : memref<128xi32, #tpu.memory_space<vmem>>, vector<16xi32>,
      %get3A_188 = vector.shape_cast %get3A_187 : vector<16xi32> to vector<16xi32>
      %add3A_189 = vector.broadcast %mul3A_16 : i32 to vector<16xi32>
      %add3A_190 = arith.addi %get3A_188, %add3A_189 : vector<16xi32>
      %swap3A_191 = arith.constant 112 : index
      %swap3A_192 = tpu.vector_load %arg9[%swap3A_191] {strides = array<i32>} : memref<128xi32, #tpu.memory_space<vmem>>, vector<16xi32>,
      %swap3A_193 = vector.shape_cast %swap3A_192 : vector<16xi32> to vector<16xi32>
      %swap3A_194 = vector.shape_cast %add3A_190 : vector<16xi32> to vector<16xi32>
      tpu.vector_store %arg9[%swap3A_191], %swap3A_194 {strides = array<i32>} : memref<128xi32, #tpu.memory_space<vmem>>, vector<16xi32>,
      %dma_start3A_195 = arith.constant 0 : i32
      %dma_start3A_196 = arith.constant 0 : i32
      %dma_start3A_197 = tpu.memref_slice %arg2[%dma_start3A_195, %dma_start3A_196] : memref<20000x80xf32, #tpu.memory_space<hbm>> -> memref<20000x80xf32, #tpu.memory_space<hbm>>
      tpu.enqueue_indirect_dma source(%dma_start3A_197 : memref<20000x80xf32, #tpu.memory_space<hbm>>) target(%arg12 : memref<128x80xf32, #tpu.memory_space<vmem>>) offsets(%arg9 : memref<128xi32, #tpu.memory_space<vmem>>) semaphore(%arg19 : memref<!tpu.dma_semaphore, #tpu.memory_space<semaphore_mem>>)
      %dma_start3A_198 = arith.constant 0 : i32
      %dma_start3A_199 = arith.constant 0 : i32
      %dma_start3A_200 = tpu.memref_slice %arg3[%dma_start3A_198, %dma_start3A_199] : memref<10240x16xf32, #tpu.memory_space<hbm>> -> memref<10240x16xf32, #tpu.memory_space<hbm>>
      tpu.enqueue_indirect_dma source(%dma_start3A_200 : memref<10240x16xf32, #tpu.memory_space<hbm>>) target(%arg14 : memref<128x16xf32, #tpu.memory_space<vmem>>) offsets(%arg10 : memref<128xi32, #tpu.memory_space<vmem>>) semaphore(%arg19 : memref<!tpu.dma_semaphore, #tpu.memory_space<semaphore_mem>>)
      %dma_wait3A_201 = arith.constant 0 : i32
      %dma_wait3A_202 = arith.constant 0 : i32
      %dma_wait3A_203 = tpu.memref_slice %arg2[%dma_wait3A_201, %dma_wait3A_202] : memref<20000x80xf32, #tpu.memory_space<hbm>> -> memref<20000x80xf32, #tpu.memory_space<hbm>>
      tpu.wait_indirect_dma semaphore(%arg18 : memref<!tpu.dma_semaphore, #tpu.memory_space<semaphore_mem>>) src(%dma_wait3A_203 : memref<20000x80xf32, #tpu.memory_space<hbm>>) dst(%arg11 : memref<128x80xf32, #tpu.memory_space<vmem>>)
      %dma_wait3A_204 = arith.constant 0 : i32
      %dma_wait3A_205 = arith.constant 0 : i32
      %dma_wait3A_206 = tpu.memref_slice %arg3[%dma_wait3A_204, %dma_wait3A_205] : memref<10240x16xf32, #tpu.memory_space<hbm>> -> memref<10240x16xf32, #tpu.memory_space<hbm>>
      tpu.wait_indirect_dma semaphore(%arg18 : memref<!tpu.dma_semaphore, #tpu.memory_space<semaphore_mem>>) src(%dma_wait3A_206 : memref<10240x16xf32, #tpu.memory_space<hbm>>) dst(%arg13 : memref<128x16xf32, #tpu.memory_space<vmem>>)
      %parallel_loop3A_207 = arith.constant 0 : i32
      %parallel_loop3A_208 = arith.constant 128 : i32
      %parallel_loop3A_209 = arith.constant 1 : i32
      scf.for %parallel_loop3A_219 = %parallel_loop3A_207 to %parallel_loop3A_208 step %parallel_loop3A_209  : i32 {
        %parallel_loop3A_220 = arith.index_cast %parallel_loop3A_219 : i32 to index
        %parallel_loop3A_221 = arith.constant 64 : index
        %parallel_loop3A_222 = tpu.vector_load %arg11[%parallel_loop3A_220, %parallel_loop3A_221] {strides = array<i32>} : memref<128x80xf32, #tpu.memory_space<vmem>>, vector<1x16xf32>,
        %parallel_loop3A_223 = vector.shape_cast %parallel_loop3A_222 : vector<1x16xf32> to vector<16xf32>
        %parallel_loop3A_224 = arith.index_cast %parallel_loop3A_219 : i32 to index
        %parallel_loop3A_225 = arith.constant 0 : index
        %parallel_loop3A_226 = tpu.vector_load %arg13[%parallel_loop3A_224, %parallel_loop3A_225] {strides = array<i32>} : memref<128x16xf32, #tpu.memory_space<vmem>>, vector<1x16xf32>,
        %parallel_loop3A_227 = vector.shape_cast %parallel_loop3A_226 : vector<1x16xf32> to vector<16xf32>
        %parallel_loop3A_228 = arith.addf %parallel_loop3A_223, %parallel_loop3A_227 : vector<16xf32>
        %parallel_loop3A_229 = arith.constant 2.000000e-01 : f32
        %parallel_loop3A_230 = vector.broadcast %parallel_loop3A_229 : f32 to vector<16xf32>
        %parallel_loop3A_231 = arith.mulf %parallel_loop3A_230, %parallel_loop3A_228 : vector<16xf32>
        %parallel_loop3A_232 = arith.maximumf %parallel_loop3A_228, %parallel_loop3A_231 : vector<16xf32>
        %parallel_loop3A_233 = math.exp %parallel_loop3A_232 : vector<16xf32>
        %parallel_loop3A_234 = arith.index_cast %parallel_loop3A_219 : i32 to index
        %parallel_loop3A_235 = arith.constant 64 : index
        %parallel_loop3A_236 = tpu.vector_load %arg11[%parallel_loop3A_234, %parallel_loop3A_235] {strides = array<i32>} : memref<128x80xf32, #tpu.memory_space<vmem>>, vector<1x16xf32>,
        %parallel_loop3A_237 = vector.shape_cast %parallel_loop3A_236 : vector<1x16xf32> to vector<16xf32>
        %parallel_loop3A_238 = vector.shape_cast %parallel_loop3A_233 : vector<16xf32> to vector<1x16xf32>
        tpu.vector_store %arg11[%parallel_loop3A_234, %parallel_loop3A_235], %parallel_loop3A_238 {strides = array<i32>} : memref<128x80xf32, #tpu.memory_space<vmem>>, vector<1x16xf32>,
        %parallel_loop3A_239 = arith.constant 0 : i32
        %parallel_loop3A_240 = arith.addi %mul3A_18, %parallel_loop3A_239 : i32
        %parallel_loop3A_241 = vector.broadcast %parallel_loop3A_240 : i32 to vector<16xi32>
        %parallel_loop3A_242 = arith.constant 0 : i32
        %parallel_loop3A_243 = vector.broadcast %parallel_loop3A_242 : i32 to vector<16xi32>
        %parallel_loop3A_244 = arith.cmpi slt, %parallel_loop3A_241, %parallel_loop3A_243 : vector<16xi32>
        %parallel_loop3A_245 = arith.constant 16 : i32
        %parallel_loop3A_246 = vector.broadcast %parallel_loop3A_245 : i32 to vector<16xi32>
        %parallel_loop3A_247 = arith.addi %parallel_loop3A_241, %parallel_loop3A_246 : vector<16xi32>
        %parallel_loop3A_248 = arith.select %parallel_loop3A_244, %parallel_loop3A_247, %parallel_loop3A_241 : vector<16xi1>, vector<16xi32>
        %parallel_loop3A_249 = vector.shape_cast %parallel_loop3A_248 : vector<16xi32> to vector<16x1xi32>
        %parallel_loop3A_250 = vector.shape_cast %parallel_loop3A_249 : vector<16x1xi32> to vector<16xi32>
        %parallel_loop3A_251 = tpu.dynamic_gather %parallel_loop3A_233[%parallel_loop3A_250] in [0] : vector<16xf32>, vector<16xi32> -> vector<16xf32>
        %parallel_loop3A_252 = arith.index_cast %parallel_loop3A_219 : i32 to index
        %parallel_loop3A_253 = arith.constant 0 : index
        %parallel_loop3A_254 = tpu.vector_load %arg11[%parallel_loop3A_252, %parallel_loop3A_253] {strides = array<i32>} : memref<128x80xf32, #tpu.memory_space<vmem>>, vector<1x16xf32>,
        %parallel_loop3A_255 = vector.shape_cast %parallel_loop3A_254 : vector<1x16xf32> to vector<16xf32>
        %parallel_loop3A_256 = arith.mulf %parallel_loop3A_255, %parallel_loop3A_251 : vector<16xf32>
        %parallel_loop3A_257 = arith.index_cast %parallel_loop3A_219 : i32 to index
        %parallel_loop3A_258 = arith.constant 0 : index
        %parallel_loop3A_259 = tpu.vector_load %arg11[%parallel_loop3A_257, %parallel_loop3A_258] {strides = array<i32>} : memref<128x80xf32, #tpu.memory_space<vmem>>, vector<1x16xf32>,
        %parallel_loop3A_260 = vector.shape_cast %parallel_loop3A_259 : vector<1x16xf32> to vector<16xf32>
        %parallel_loop3A_261 = vector.shape_cast %parallel_loop3A_256 : vector<16xf32> to vector<1x16xf32>
        tpu.vector_store %arg11[%parallel_loop3A_257, %parallel_loop3A_258], %parallel_loop3A_261 {strides = array<i32>} : memref<128x80xf32, #tpu.memory_space<vmem>>, vector<1x16xf32>,
        %parallel_loop3A_262 = arith.constant 1 : i32
        %parallel_loop3A_263 = arith.addi %mul3A_18, %parallel_loop3A_262 : i32
        %parallel_loop3A_264 = vector.broadcast %parallel_loop3A_263 : i32 to vector<16xi32>
        %parallel_loop3A_265 = arith.constant 0 : i32
        %parallel_loop3A_266 = vector.broadcast %parallel_loop3A_265 : i32 to vector<16xi32>
        %parallel_loop3A_267 = arith.cmpi slt, %parallel_loop3A_264, %parallel_loop3A_266 : vector<16xi32>
        %parallel_loop3A_268 = arith.constant 16 : i32
        %parallel_loop3A_269 = vector.broadcast %parallel_loop3A_268 : i32 to vector<16xi32>
        %parallel_loop3A_270 = arith.addi %parallel_loop3A_264, %parallel_loop3A_269 : vector<16xi32>
        %parallel_loop3A_271 = arith.select %parallel_loop3A_267, %parallel_loop3A_270, %parallel_loop3A_264 : vector<16xi1>, vector<16xi32>
        %parallel_loop3A_272 = vector.shape_cast %parallel_loop3A_271 : vector<16xi32> to vector<16x1xi32>
        %parallel_loop3A_273 = vector.shape_cast %parallel_loop3A_272 : vector<16x1xi32> to vector<16xi32>
        %parallel_loop3A_274 = tpu.dynamic_gather %parallel_loop3A_233[%parallel_loop3A_273] in [0] : vector<16xf32>, vector<16xi32> -> vector<16xf32>
        %parallel_loop3A_275 = arith.index_cast %parallel_loop3A_219 : i32 to index
        %parallel_loop3A_276 = arith.constant 16 : index
        %parallel_loop3A_277 = tpu.vector_load %arg11[%parallel_loop3A_275, %parallel_loop3A_276] {strides = array<i32>} : memref<128x80xf32, #tpu.memory_space<vmem>>, vector<1x16xf32>,
        %parallel_loop3A_278 = vector.shape_cast %parallel_loop3A_277 : vector<1x16xf32> to vector<16xf32>
        %parallel_loop3A_279 = arith.mulf %parallel_loop3A_278, %parallel_loop3A_274 : vector<16xf32>
        %parallel_loop3A_280 = arith.index_cast %parallel_loop3A_219 : i32 to index
        %parallel_loop3A_281 = arith.constant 16 : index
        %parallel_loop3A_282 = tpu.vector_load %arg11[%parallel_loop3A_280, %parallel_loop3A_281] {strides = array<i32>} : memref<128x80xf32, #tpu.memory_space<vmem>>, vector<1x16xf32>,
        %parallel_loop3A_283 = vector.shape_cast %parallel_loop3A_282 : vector<1x16xf32> to vector<16xf32>
        %parallel_loop3A_284 = vector.shape_cast %parallel_loop3A_279 : vector<16xf32> to vector<1x16xf32>
        tpu.vector_store %arg11[%parallel_loop3A_280, %parallel_loop3A_281], %parallel_loop3A_284 {strides = array<i32>} : memref<128x80xf32, #tpu.memory_space<vmem>>, vector<1x16xf32>,
        %parallel_loop3A_285 = arith.constant 2 : i32
        %parallel_loop3A_286 = arith.addi %mul3A_18, %parallel_loop3A_285 : i32
        %parallel_loop3A_287 = vector.broadcast %parallel_loop3A_286 : i32 to vector<16xi32>
        %parallel_loop3A_288 = arith.constant 0 : i32
        %parallel_loop3A_289 = vector.broadcast %parallel_loop3A_288 : i32 to vector<16xi32>
        %parallel_loop3A_290 = arith.cmpi slt, %parallel_loop3A_287, %parallel_loop3A_289 : vector<16xi32>
        %parallel_loop3A_291 = arith.constant 16 : i32
        %parallel_loop3A_292 = vector.broadcast %parallel_loop3A_291 : i32 to vector<16xi32>
        %parallel_loop3A_293 = arith.addi %parallel_loop3A_287, %parallel_loop3A_292 : vector<16xi32>
        %parallel_loop3A_294 = arith.select %parallel_loop3A_290, %parallel_loop3A_293, %parallel_loop3A_287 : vector<16xi1>, vector<16xi32>
        %parallel_loop3A_295 = vector.shape_cast %parallel_loop3A_294 : vector<16xi32> to vector<16x1xi32>
        %parallel_loop3A_296 = vector.shape_cast %parallel_loop3A_295 : vector<16x1xi32> to vector<16xi32>
        %parallel_loop3A_297 = tpu.dynamic_gather %parallel_loop3A_233[%parallel_loop3A_296] in [0] : vector<16xf32>, vector<16xi32> -> vector<16xf32>
        %parallel_loop3A_298 = arith.index_cast %parallel_loop3A_219 : i32 to index
        %parallel_loop3A_299 = arith.constant 32 : index
        %parallel_loop3A_300 = tpu.vector_load %arg11[%parallel_loop3A_298, %parallel_loop3A_299] {strides = array<i32>} : memref<128x80xf32, #tpu.memory_space<vmem>>, vector<1x16xf32>,
        %parallel_loop3A_301 = vector.shape_cast %parallel_loop3A_300 : vector<1x16xf32> to vector<16xf32>
        %parallel_loop3A_302 = arith.mulf %parallel_loop3A_301, %parallel_loop3A_297 : vector<16xf32>
        %parallel_loop3A_303 = arith.index_cast %parallel_loop3A_219 : i32 to index
        %parallel_loop3A_304 = arith.constant 32 : index
        %parallel_loop3A_305 = tpu.vector_load %arg11[%parallel_loop3A_303, %parallel_loop3A_304] {strides = array<i32>} : memref<128x80xf32, #tpu.memory_space<vmem>>, vector<1x16xf32>,
        %parallel_loop3A_306 = vector.shape_cast %parallel_loop3A_305 : vector<1x16xf32> to vector<16xf32>
        %parallel_loop3A_307 = vector.shape_cast %parallel_loop3A_302 : vector<16xf32> to vector<1x16xf32>
        tpu.vector_store %arg11[%parallel_loop3A_303, %parallel_loop3A_304], %parallel_loop3A_307 {strides = array<i32>} : memref<128x80xf32, #tpu.memory_space<vmem>>, vector<1x16xf32>,
        %parallel_loop3A_308 = arith.constant 3 : i32
        %parallel_loop3A_309 = arith.addi %mul3A_18, %parallel_loop3A_308 : i32
        %parallel_loop3A_310 = vector.broadcast %parallel_loop3A_309 : i32 to vector<16xi32>
        %parallel_loop3A_311 = arith.constant 0 : i32
        %parallel_loop3A_312 = vector.broadcast %parallel_loop3A_311 : i32 to vector<16xi32>
        %parallel_loop3A_313 = arith.cmpi slt, %parallel_loop3A_310, %parallel_loop3A_312 : vector<16xi32>
        %parallel_loop3A_314 = arith.constant 16 : i32
        %parallel_loop3A_315 = vector.broadcast %parallel_loop3A_314 : i32 to vector<16xi32>
        %parallel_loop3A_316 = arith.addi %parallel_loop3A_310, %parallel_loop3A_315 : vector<16xi32>
        %parallel_loop3A_317 = arith.select %parallel_loop3A_313, %parallel_loop3A_316, %parallel_loop3A_310 : vector<16xi1>, vector<16xi32>
        %parallel_loop3A_318 = vector.shape_cast %parallel_loop3A_317 : vector<16xi32> to vector<16x1xi32>
        %parallel_loop3A_319 = vector.shape_cast %parallel_loop3A_318 : vector<16x1xi32> to vector<16xi32>
        %parallel_loop3A_320 = tpu.dynamic_gather %parallel_loop3A_233[%parallel_loop3A_319] in [0] : vector<16xf32>, vector<16xi32> -> vector<16xf32>
        %parallel_loop3A_321 = arith.index_cast %parallel_loop3A_219 : i32 to index
        %parallel_loop3A_322 = arith.constant 48 : index
        %parallel_loop3A_323 = tpu.vector_load %arg11[%parallel_loop3A_321, %parallel_loop3A_322] {strides = array<i32>} : memref<128x80xf32, #tpu.memory_space<vmem>>, vector<1x16xf32>,
        %parallel_loop3A_324 = vector.shape_cast %parallel_loop3A_323 : vector<1x16xf32> to vector<16xf32>
        %parallel_loop3A_325 = arith.mulf %parallel_loop3A_324, %parallel_loop3A_320 : vector<16xf32>
        %parallel_loop3A_326 = arith.index_cast %parallel_loop3A_219 : i32 to index
        %parallel_loop3A_327 = arith.constant 48 : index
        %parallel_loop3A_328 = tpu.vector_load %arg11[%parallel_loop3A_326, %parallel_loop3A_327] {strides = array<i32>} : memref<128x80xf32, #tpu.memory_space<vmem>>, vector<1x16xf32>,
        %parallel_loop3A_329 = vector.shape_cast %parallel_loop3A_328 : vector<1x16xf32> to vector<16xf32>
        %parallel_loop3A_330 = vector.shape_cast %parallel_loop3A_325 : vector<16xf32> to vector<1x16xf32>
        tpu.vector_store %arg11[%parallel_loop3A_326, %parallel_loop3A_327], %parallel_loop3A_330 {strides = array<i32>} : memref<128x80xf32, #tpu.memory_space<vmem>>, vector<1x16xf32>,
      } {sc.loop_unroll_factor = 8 : i64, sc.parallel_access}
      "tpu.region"() ({
        %run_scoped3A = tpu.sem_alloc : memref<!tpu.dma_semaphore, #tpu.memory_space<semaphore_mem>>
        %dma_start3A_219 = arith.constant 0 : i32
        %dma_start3A_220 = arith.constant 0 : i32
        %dma_start3A_221 = tpu.memref_slice %arg15[%dma_start3A_219, %dma_start3A_220] : memref<10240x80xf32, #tpu.memory_space<vmem_shared>> -> memref<10240x80xf32, #tpu.memory_space<vmem_shared>>
        tpu.enqueue_indirect_dma source(%arg11 : memref<128x80xf32, #tpu.memory_space<vmem>>) target(%dma_start3A_221 : memref<10240x80xf32, #tpu.memory_space<vmem_shared>>) offsets(%arg8 : memref<128xi32, #tpu.memory_space<vmem>>) semaphore(%run_scoped3A : memref<!tpu.dma_semaphore, #tpu.memory_space<semaphore_mem>>) {add = true}
        %dma_wait3A_222 = arith.constant 0 : i32
        %dma_wait3A_223 = arith.constant 0 : i32
        %dma_wait3A_224 = tpu.memref_slice %arg15[%dma_wait3A_222, %dma_wait3A_223] : memref<10240x80xf32, #tpu.memory_space<vmem_shared>> -> memref<10240x80xf32, #tpu.memory_space<vmem_shared>>
        tpu.wait_indirect_dma semaphore(%run_scoped3A : memref<!tpu.dma_semaphore, #tpu.memory_space<semaphore_mem>>) src(%arg11 : memref<128x80xf32, #tpu.memory_space<vmem>>) dst(%dma_wait3A_224 : memref<10240x80xf32, #tpu.memory_space<vmem_shared>>)
        tpu.yield
      }) : () -> ()
      %dma_wait3A_210 = arith.constant 0 : i32
      %dma_wait3A_211 = arith.constant 0 : i32
      %dma_wait3A_212 = tpu.memref_slice %arg2[%dma_wait3A_210, %dma_wait3A_211] : memref<20000x80xf32, #tpu.memory_space<hbm>> -> memref<20000x80xf32, #tpu.memory_space<hbm>>
      tpu.wait_indirect_dma semaphore(%arg19 : memref<!tpu.dma_semaphore, #tpu.memory_space<semaphore_mem>>) src(%dma_wait3A_212 : memref<20000x80xf32, #tpu.memory_space<hbm>>) dst(%arg12 : memref<128x80xf32, #tpu.memory_space<vmem>>)
      %dma_wait3A_213 = arith.constant 0 : i32
      %dma_wait3A_214 = arith.constant 0 : i32
      %dma_wait3A_215 = tpu.memref_slice %arg3[%dma_wait3A_213, %dma_wait3A_214] : memref<10240x16xf32, #tpu.memory_space<hbm>> -> memref<10240x16xf32, #tpu.memory_space<hbm>>
      tpu.wait_indirect_dma semaphore(%arg19 : memref<!tpu.dma_semaphore, #tpu.memory_space<semaphore_mem>>) src(%dma_wait3A_215 : memref<10240x16xf32, #tpu.memory_space<hbm>>) dst(%arg14 : memref<128x16xf32, #tpu.memory_space<vmem>>)
      %parallel_loop3A_216 = arith.constant 0 : i32
      %parallel_loop3A_217 = arith.constant 128 : i32
      %parallel_loop3A_218 = arith.constant 1 : i32
      scf.for %parallel_loop3A_219 = %parallel_loop3A_216 to %parallel_loop3A_217 step %parallel_loop3A_218  : i32 {
        %parallel_loop3A_220 = arith.index_cast %parallel_loop3A_219 : i32 to index
        %parallel_loop3A_221 = arith.constant 64 : index
        %parallel_loop3A_222 = tpu.vector_load %arg12[%parallel_loop3A_220, %parallel_loop3A_221] {strides = array<i32>} : memref<128x80xf32, #tpu.memory_space<vmem>>, vector<1x16xf32>,
        %parallel_loop3A_223 = vector.shape_cast %parallel_loop3A_222 : vector<1x16xf32> to vector<16xf32>
        %parallel_loop3A_224 = arith.index_cast %parallel_loop3A_219 : i32 to index
        %parallel_loop3A_225 = arith.constant 0 : index
        %parallel_loop3A_226 = tpu.vector_load %arg14[%parallel_loop3A_224, %parallel_loop3A_225] {strides = array<i32>} : memref<128x16xf32, #tpu.memory_space<vmem>>, vector<1x16xf32>,
        %parallel_loop3A_227 = vector.shape_cast %parallel_loop3A_226 : vector<1x16xf32> to vector<16xf32>
        %parallel_loop3A_228 = arith.addf %parallel_loop3A_223, %parallel_loop3A_227 : vector<16xf32>
        %parallel_loop3A_229 = arith.constant 2.000000e-01 : f32
        %parallel_loop3A_230 = vector.broadcast %parallel_loop3A_229 : f32 to vector<16xf32>
        %parallel_loop3A_231 = arith.mulf %parallel_loop3A_230, %parallel_loop3A_228 : vector<16xf32>
        %parallel_loop3A_232 = arith.maximumf %parallel_loop3A_228, %parallel_loop3A_231 : vector<16xf32>
        %parallel_loop3A_233 = math.exp %parallel_loop3A_232 : vector<16xf32>
        %parallel_loop3A_234 = arith.index_cast %parallel_loop3A_219 : i32 to index
        %parallel_loop3A_235 = arith.constant 64 : index
        %parallel_loop3A_236 = tpu.vector_load %arg12[%parallel_loop3A_234, %parallel_loop3A_235] {strides = array<i32>} : memref<128x80xf32, #tpu.memory_space<vmem>>, vector<1x16xf32>,
        %parallel_loop3A_237 = vector.shape_cast %parallel_loop3A_236 : vector<1x16xf32> to vector<16xf32>
        %parallel_loop3A_238 = vector.shape_cast %parallel_loop3A_233 : vector<16xf32> to vector<1x16xf32>
        tpu.vector_store %arg12[%parallel_loop3A_234, %parallel_loop3A_235], %parallel_loop3A_238 {strides = array<i32>} : memref<128x80xf32, #tpu.memory_space<vmem>>, vector<1x16xf32>,
        %parallel_loop3A_239 = arith.constant 0 : i32
        %parallel_loop3A_240 = arith.addi %mul3A_18, %parallel_loop3A_239 : i32
        %parallel_loop3A_241 = vector.broadcast %parallel_loop3A_240 : i32 to vector<16xi32>
        %parallel_loop3A_242 = arith.constant 0 : i32
        %parallel_loop3A_243 = vector.broadcast %parallel_loop3A_242 : i32 to vector<16xi32>
        %parallel_loop3A_244 = arith.cmpi slt, %parallel_loop3A_241, %parallel_loop3A_243 : vector<16xi32>
        %parallel_loop3A_245 = arith.constant 16 : i32
        %parallel_loop3A_246 = vector.broadcast %parallel_loop3A_245 : i32 to vector<16xi32>
        %parallel_loop3A_247 = arith.addi %parallel_loop3A_241, %parallel_loop3A_246 : vector<16xi32>
        %parallel_loop3A_248 = arith.select %parallel_loop3A_244, %parallel_loop3A_247, %parallel_loop3A_241 : vector<16xi1>, vector<16xi32>
        %parallel_loop3A_249 = vector.shape_cast %parallel_loop3A_248 : vector<16xi32> to vector<16x1xi32>
        %parallel_loop3A_250 = vector.shape_cast %parallel_loop3A_249 : vector<16x1xi32> to vector<16xi32>
        %parallel_loop3A_251 = tpu.dynamic_gather %parallel_loop3A_233[%parallel_loop3A_250] in [0] : vector<16xf32>, vector<16xi32> -> vector<16xf32>
        %parallel_loop3A_252 = arith.index_cast %parallel_loop3A_219 : i32 to index
        %parallel_loop3A_253 = arith.constant 0 : index
        %parallel_loop3A_254 = tpu.vector_load %arg12[%parallel_loop3A_252, %parallel_loop3A_253] {strides = array<i32>} : memref<128x80xf32, #tpu.memory_space<vmem>>, vector<1x16xf32>,
        %parallel_loop3A_255 = vector.shape_cast %parallel_loop3A_254 : vector<1x16xf32> to vector<16xf32>
        %parallel_loop3A_256 = arith.mulf %parallel_loop3A_255, %parallel_loop3A_251 : vector<16xf32>
        %parallel_loop3A_257 = arith.index_cast %parallel_loop3A_219 : i32 to index
        %parallel_loop3A_258 = arith.constant 0 : index
        %parallel_loop3A_259 = tpu.vector_load %arg12[%parallel_loop3A_257, %parallel_loop3A_258] {strides = array<i32>} : memref<128x80xf32, #tpu.memory_space<vmem>>, vector<1x16xf32>,
        %parallel_loop3A_260 = vector.shape_cast %parallel_loop3A_259 : vector<1x16xf32> to vector<16xf32>
        %parallel_loop3A_261 = vector.shape_cast %parallel_loop3A_256 : vector<16xf32> to vector<1x16xf32>
        tpu.vector_store %arg12[%parallel_loop3A_257, %parallel_loop3A_258], %parallel_loop3A_261 {strides = array<i32>} : memref<128x80xf32, #tpu.memory_space<vmem>>, vector<1x16xf32>,
        %parallel_loop3A_262 = arith.constant 1 : i32
        %parallel_loop3A_263 = arith.addi %mul3A_18, %parallel_loop3A_262 : i32
        %parallel_loop3A_264 = vector.broadcast %parallel_loop3A_263 : i32 to vector<16xi32>
        %parallel_loop3A_265 = arith.constant 0 : i32
        %parallel_loop3A_266 = vector.broadcast %parallel_loop3A_265 : i32 to vector<16xi32>
        %parallel_loop3A_267 = arith.cmpi slt, %parallel_loop3A_264, %parallel_loop3A_266 : vector<16xi32>
        %parallel_loop3A_268 = arith.constant 16 : i32
        %parallel_loop3A_269 = vector.broadcast %parallel_loop3A_268 : i32 to vector<16xi32>
        %parallel_loop3A_270 = arith.addi %parallel_loop3A_264, %parallel_loop3A_269 : vector<16xi32>
        %parallel_loop3A_271 = arith.select %parallel_loop3A_267, %parallel_loop3A_270, %parallel_loop3A_264 : vector<16xi1>, vector<16xi32>
        %parallel_loop3A_272 = vector.shape_cast %parallel_loop3A_271 : vector<16xi32> to vector<16x1xi32>
        %parallel_loop3A_273 = vector.shape_cast %parallel_loop3A_272 : vector<16x1xi32> to vector<16xi32>
        %parallel_loop3A_274 = tpu.dynamic_gather %parallel_loop3A_233[%parallel_loop3A_273] in [0] : vector<16xf32>, vector<16xi32> -> vector<16xf32>
        %parallel_loop3A_275 = arith.index_cast %parallel_loop3A_219 : i32 to index
        %parallel_loop3A_276 = arith.constant 16 : index
        %parallel_loop3A_277 = tpu.vector_load %arg12[%parallel_loop3A_275, %parallel_loop3A_276] {strides = array<i32>} : memref<128x80xf32, #tpu.memory_space<vmem>>, vector<1x16xf32>,
        %parallel_loop3A_278 = vector.shape_cast %parallel_loop3A_277 : vector<1x16xf32> to vector<16xf32>
        %parallel_loop3A_279 = arith.mulf %parallel_loop3A_278, %parallel_loop3A_274 : vector<16xf32>
        %parallel_loop3A_280 = arith.index_cast %parallel_loop3A_219 : i32 to index
        %parallel_loop3A_281 = arith.constant 16 : index
        %parallel_loop3A_282 = tpu.vector_load %arg12[%parallel_loop3A_280, %parallel_loop3A_281] {strides = array<i32>} : memref<128x80xf32, #tpu.memory_space<vmem>>, vector<1x16xf32>,
        %parallel_loop3A_283 = vector.shape_cast %parallel_loop3A_282 : vector<1x16xf32> to vector<16xf32>
        %parallel_loop3A_284 = vector.shape_cast %parallel_loop3A_279 : vector<16xf32> to vector<1x16xf32>
        tpu.vector_store %arg12[%parallel_loop3A_280, %parallel_loop3A_281], %parallel_loop3A_284 {strides = array<i32>} : memref<128x80xf32, #tpu.memory_space<vmem>>, vector<1x16xf32>,
        %parallel_loop3A_285 = arith.constant 2 : i32
        %parallel_loop3A_286 = arith.addi %mul3A_18, %parallel_loop3A_285 : i32
        %parallel_loop3A_287 = vector.broadcast %parallel_loop3A_286 : i32 to vector<16xi32>
        %parallel_loop3A_288 = arith.constant 0 : i32
        %parallel_loop3A_289 = vector.broadcast %parallel_loop3A_288 : i32 to vector<16xi32>
        %parallel_loop3A_290 = arith.cmpi slt, %parallel_loop3A_287, %parallel_loop3A_289 : vector<16xi32>
        %parallel_loop3A_291 = arith.constant 16 : i32
        %parallel_loop3A_292 = vector.broadcast %parallel_loop3A_291 : i32 to vector<16xi32>
        %parallel_loop3A_293 = arith.addi %parallel_loop3A_287, %parallel_loop3A_292 : vector<16xi32>
        %parallel_loop3A_294 = arith.select %parallel_loop3A_290, %parallel_loop3A_293, %parallel_loop3A_287 : vector<16xi1>, vector<16xi32>
        %parallel_loop3A_295 = vector.shape_cast %parallel_loop3A_294 : vector<16xi32> to vector<16x1xi32>
        %parallel_loop3A_296 = vector.shape_cast %parallel_loop3A_295 : vector<16x1xi32> to vector<16xi32>
        %parallel_loop3A_297 = tpu.dynamic_gather %parallel_loop3A_233[%parallel_loop3A_296] in [0] : vector<16xf32>, vector<16xi32> -> vector<16xf32>
        %parallel_loop3A_298 = arith.index_cast %parallel_loop3A_219 : i32 to index
        %parallel_loop3A_299 = arith.constant 32 : index
        %parallel_loop3A_300 = tpu.vector_load %arg12[%parallel_loop3A_298, %parallel_loop3A_299] {strides = array<i32>} : memref<128x80xf32, #tpu.memory_space<vmem>>, vector<1x16xf32>,
        %parallel_loop3A_301 = vector.shape_cast %parallel_loop3A_300 : vector<1x16xf32> to vector<16xf32>
        %parallel_loop3A_302 = arith.mulf %parallel_loop3A_301, %parallel_loop3A_297 : vector<16xf32>
        %parallel_loop3A_303 = arith.index_cast %parallel_loop3A_219 : i32 to index
        %parallel_loop3A_304 = arith.constant 32 : index
        %parallel_loop3A_305 = tpu.vector_load %arg12[%parallel_loop3A_303, %parallel_loop3A_304] {strides = array<i32>} : memref<128x80xf32, #tpu.memory_space<vmem>>, vector<1x16xf32>,
        %parallel_loop3A_306 = vector.shape_cast %parallel_loop3A_305 : vector<1x16xf32> to vector<16xf32>
        %parallel_loop3A_307 = vector.shape_cast %parallel_loop3A_302 : vector<16xf32> to vector<1x16xf32>
        tpu.vector_store %arg12[%parallel_loop3A_303, %parallel_loop3A_304], %parallel_loop3A_307 {strides = array<i32>} : memref<128x80xf32, #tpu.memory_space<vmem>>, vector<1x16xf32>,
        %parallel_loop3A_308 = arith.constant 3 : i32
        %parallel_loop3A_309 = arith.addi %mul3A_18, %parallel_loop3A_308 : i32
        %parallel_loop3A_310 = vector.broadcast %parallel_loop3A_309 : i32 to vector<16xi32>
        %parallel_loop3A_311 = arith.constant 0 : i32
        %parallel_loop3A_312 = vector.broadcast %parallel_loop3A_311 : i32 to vector<16xi32>
        %parallel_loop3A_313 = arith.cmpi slt, %parallel_loop3A_310, %parallel_loop3A_312 : vector<16xi32>
        %parallel_loop3A_314 = arith.constant 16 : i32
        %parallel_loop3A_315 = vector.broadcast %parallel_loop3A_314 : i32 to vector<16xi32>
        %parallel_loop3A_316 = arith.addi %parallel_loop3A_310, %parallel_loop3A_315 : vector<16xi32>
        %parallel_loop3A_317 = arith.select %parallel_loop3A_313, %parallel_loop3A_316, %parallel_loop3A_310 : vector<16xi1>, vector<16xi32>
        %parallel_loop3A_318 = vector.shape_cast %parallel_loop3A_317 : vector<16xi32> to vector<16x1xi32>
        %parallel_loop3A_319 = vector.shape_cast %parallel_loop3A_318 : vector<16x1xi32> to vector<16xi32>
        %parallel_loop3A_320 = tpu.dynamic_gather %parallel_loop3A_233[%parallel_loop3A_319] in [0] : vector<16xf32>, vector<16xi32> -> vector<16xf32>
        %parallel_loop3A_321 = arith.index_cast %parallel_loop3A_219 : i32 to index
        %parallel_loop3A_322 = arith.constant 48 : index
        %parallel_loop3A_323 = tpu.vector_load %arg12[%parallel_loop3A_321, %parallel_loop3A_322] {strides = array<i32>} : memref<128x80xf32, #tpu.memory_space<vmem>>, vector<1x16xf32>,
        %parallel_loop3A_324 = vector.shape_cast %parallel_loop3A_323 : vector<1x16xf32> to vector<16xf32>
        %parallel_loop3A_325 = arith.mulf %parallel_loop3A_324, %parallel_loop3A_320 : vector<16xf32>
        %parallel_loop3A_326 = arith.index_cast %parallel_loop3A_219 : i32 to index
        %parallel_loop3A_327 = arith.constant 48 : index
        %parallel_loop3A_328 = tpu.vector_load %arg12[%parallel_loop3A_326, %parallel_loop3A_327] {strides = array<i32>} : memref<128x80xf32, #tpu.memory_space<vmem>>, vector<1x16xf32>,
        %parallel_loop3A_329 = vector.shape_cast %parallel_loop3A_328 : vector<1x16xf32> to vector<16xf32>
        %parallel_loop3A_330 = vector.shape_cast %parallel_loop3A_325 : vector<16xf32> to vector<1x16xf32>
        tpu.vector_store %arg12[%parallel_loop3A_326, %parallel_loop3A_327], %parallel_loop3A_330 {strides = array<i32>} : memref<128x80xf32, #tpu.memory_space<vmem>>, vector<1x16xf32>,
      } {sc.loop_unroll_factor = 8 : i64, sc.parallel_access}
      "tpu.region"() ({
        %run_scoped3A = tpu.sem_alloc : memref<!tpu.dma_semaphore, #tpu.memory_space<semaphore_mem>>
        %dma_start3A_219 = arith.constant 0 : i32
        %dma_start3A_220 = arith.constant 0 : i32
        %dma_start3A_221 = tpu.memref_slice %arg15[%dma_start3A_219, %dma_start3A_220] : memref<10240x80xf32, #tpu.memory_space<vmem_shared>> -> memref<10240x80xf32, #tpu.memory_space<vmem_shared>>
        tpu.enqueue_indirect_dma source(%arg12 : memref<128x80xf32, #tpu.memory_space<vmem>>) target(%dma_start3A_221 : memref<10240x80xf32, #tpu.memory_space<vmem_shared>>) offsets(%arg10 : memref<128xi32, #tpu.memory_space<vmem>>) semaphore(%run_scoped3A : memref<!tpu.dma_semaphore, #tpu.memory_space<semaphore_mem>>) {add = true}
        %dma_wait3A_222 = arith.constant 0 : i32
        %dma_wait3A_223 = arith.constant 0 : i32
        %dma_wait3A_224 = tpu.memref_slice %arg15[%dma_wait3A_222, %dma_wait3A_223] : memref<10240x80xf32, #tpu.memory_space<vmem_shared>> -> memref<10240x80xf32, #tpu.memory_space<vmem_shared>>
        tpu.wait_indirect_dma semaphore(%run_scoped3A : memref<!tpu.dma_semaphore, #tpu.memory_space<semaphore_mem>>) src(%arg12 : memref<128x80xf32, #tpu.memory_space<vmem>>) dst(%dma_wait3A_224 : memref<10240x80xf32, #tpu.memory_space<vmem_shared>>)
        tpu.yield
      }) : () -> ()
    }
    %scan3A_23 = arith.constant 79 : i32
    %barrier3A_24 = arith.constant 0 : index
    tpu.barrier barrier_id(%barrier3A_24)
    "tpu.region"() ({
      %run_scoped3A = tpu.sem_alloc : memref<!tpu.dma_semaphore, #tpu.memory_space<semaphore_mem>>
      %dma_start3A = arith.constant 0 : i32
      %dma_start3A_25 = tpu.memref_slice %arg6[%arg0, %mul3A_3, %dma_start3A] : memref<2x10240x80xf32, #tpu.memory_space<hbm>> -> memref<1x640x80xf32, #tpu.memory_space<hbm>>
      %dma_start3A_26 = tpu.memref_squeeze %dma_start3A_25 : memref<1x640x80xf32, #tpu.memory_space<hbm>> -> memref<640x80xf32, #tpu.memory_space<hbm>>
      %dma_start3A_27 = arith.constant 0 : i32
      %dma_start3A_28 = tpu.memref_slice %arg15[%mul3A_3, %dma_start3A_27] : memref<10240x80xf32, #tpu.memory_space<vmem_shared>> -> memref<640x80xf32, #tpu.memory_space<vmem_shared>>
      tpu.enqueue_dma source(%dma_start3A_28 : memref<640x80xf32, #tpu.memory_space<vmem_shared>>) target(%dma_start3A_26 : memref<640x80xf32, #tpu.memory_space<hbm>>) target_semaphore(%run_scoped3A : memref<!tpu.dma_semaphore, #tpu.memory_space<semaphore_mem>>)
      %dma_wait3A = arith.constant 0 : i32
      %dma_wait3A_29 = tpu.memref_slice %arg6[%arg0, %mul3A_3, %dma_wait3A] : memref<2x10240x80xf32, #tpu.memory_space<hbm>> -> memref<1x640x80xf32, #tpu.memory_space<hbm>>
      %dma_wait3A_30 = tpu.memref_squeeze %dma_wait3A_29 : memref<1x640x80xf32, #tpu.memory_space<hbm>> -> memref<640x80xf32, #tpu.memory_space<hbm>>
      %dma_wait3A_31 = arith.constant 0 : i32
      %dma_wait3A_32 = tpu.memref_slice %arg15[%mul3A_3, %dma_wait3A_31] : memref<10240x80xf32, #tpu.memory_space<vmem_shared>> -> memref<640x80xf32, #tpu.memory_space<vmem_shared>>
      tpu.wait_dma2 semaphore(%run_scoped3A : memref<!tpu.dma_semaphore, #tpu.memory_space<semaphore_mem>>) src(%dma_wait3A_32 : memref<640x80xf32, #tpu.memory_space<vmem_shared>>) dst(%dma_wait3A_30 : memref<640x80xf32, #tpu.memory_space<hbm>>)
      tpu.yield
    }) : () -> ()
    return
  }
}

#map = affine_map<(d0, d1) -> (0, 0)>
#map1 = affine_map<(d0, d1) -> (0)>
#map2 = affine_map<(d0, d1) -> (0, 0, 0)>
module attributes {stable_mosaic.version = 14 : i64} {
  func.func @k(%arg0: i32, %arg1: i32, %arg2: memref<10240x32xf32, #tpu.memory_space<hbm>>, %arg3: memref<10240x16xf32, #tpu.memory_space<hbm>>, %arg4: memref<323584xi32, #tpu.memory_space<hbm>>, %arg5: memref<323584xi32, #tpu.memory_space<hbm>>, %arg6: memref<2x10240x32xf32, #tpu.memory_space<hbm>>, %arg7: memref<128xi32, #tpu.memory_space<vmem>>, %arg8: memref<128xi32, #tpu.memory_space<vmem>>, %arg9: memref<128xi32, #tpu.memory_space<vmem>>, %arg10: memref<128xi32, #tpu.memory_space<vmem>>, %arg11: memref<128x32xf32, #tpu.memory_space<vmem>>, %arg12: memref<128x32xf32, #tpu.memory_space<vmem>>, %arg13: memref<128x16xf32, #tpu.memory_space<vmem>>, %arg14: memref<128x16xf32, #tpu.memory_space<vmem>>, %arg15: memref<10240x32xf32, #tpu.memory_space<vmem_shared>>, %arg16: memref<!tpu.dma_semaphore, #tpu.memory_space<semaphore_mem>>, %arg17: memref<!tpu.dma_semaphore, #tpu.memory_space<semaphore_mem>>, %arg18: memref<!tpu.dma_semaphore, #tpu.memory_space<semaphore_mem>>, %arg19: memref<!tpu.dma_semaphore, #tpu.memory_space<semaphore_mem>>) attributes {dimension_semantics = [#tpu.dimension_semantics<core_parallel>, #tpu.dimension_semantics<subcore_parallel>], iteration_bounds = array<i64: 2, 16>, scalar_prefetch = 0 : i64, scratch_operands = 13 : i64, tpu.core_type = #tpu.core_type<sc_vector_subcore>, window_params = [{transform_indices = #map}, {transform_indices = #map}, {transform_indices = #map1}, {transform_indices = #map1}, {transform_indices = #map2}]} {
    %broadcast_in_dim3A = arith.constant 0.000000e+00 : f32
    %broadcast_in_dim3A_0 = vector.broadcast %broadcast_in_dim3A : f32 to vector<16xf32>
    %parallel_loop3A = arith.constant 0 : i32
    %parallel_loop3A_1 = arith.constant 128 : i32
    %parallel_loop3A_2 = arith.constant 1 : i32
    scf.for %parallel_loop3A_39 = %parallel_loop3A to %parallel_loop3A_1 step %parallel_loop3A_2  : i32 {
      %parallel_loop3A_40 = arith.index_cast %parallel_loop3A_39 : i32 to index
      %parallel_loop3A_41 = arith.constant 0 : index
      %parallel_loop3A_42 = tpu.vector_load %arg11[%parallel_loop3A_40, %parallel_loop3A_41] {strides = array<i32>} : memref<128x32xf32, #tpu.memory_space<vmem>>, vector<1x16xf32>,
      %parallel_loop3A_43 = vector.shape_cast %parallel_loop3A_42 : vector<1x16xf32> to vector<16xf32>
      %parallel_loop3A_44 = vector.shape_cast %broadcast_in_dim3A_0 : vector<16xf32> to vector<1x16xf32>
      tpu.vector_store %arg11[%parallel_loop3A_40, %parallel_loop3A_41], %parallel_loop3A_44 {strides = array<i32>} : memref<128x32xf32, #tpu.memory_space<vmem>>, vector<1x16xf32>,
      %parallel_loop3A_45 = arith.index_cast %parallel_loop3A_39 : i32 to index
      %parallel_loop3A_46 = arith.constant 16 : index
      %parallel_loop3A_47 = tpu.vector_load %arg11[%parallel_loop3A_45, %parallel_loop3A_46] {strides = array<i32>} : memref<128x32xf32, #tpu.memory_space<vmem>>, vector<1x16xf32>,
      %parallel_loop3A_48 = vector.shape_cast %parallel_loop3A_47 : vector<1x16xf32> to vector<16xf32>
      %parallel_loop3A_49 = vector.shape_cast %broadcast_in_dim3A_0 : vector<16xf32> to vector<1x16xf32>
      tpu.vector_store %arg11[%parallel_loop3A_45, %parallel_loop3A_46], %parallel_loop3A_49 {strides = array<i32>} : memref<128x32xf32, #tpu.memory_space<vmem>>, vector<1x16xf32>,
    } {sc.loop_unroll_factor = 8 : i64, sc.parallel_access}
    %mul3A = arith.constant 640 : i32
    %mul3A_3 = arith.muli %arg1, %mul3A : i32
    %add3A = arith.constant 0 : i32
    %add3A_4 = arith.addi %mul3A_3, %add3A : i32
    "tpu.region"() ({
      %run_scoped3A = tpu.sem_alloc : memref<!tpu.dma_semaphore, #tpu.memory_space<semaphore_mem>>
      %dma_start3A_39 = arith.constant 0 : i32
      %dma_start3A_40 = tpu.memref_slice %arg15[%add3A_4, %dma_start3A_39] : memref<10240x32xf32, #tpu.memory_space<vmem_shared>> -> memref<128x32xf32, #tpu.memory_space<vmem_shared>>
      %dma_start3A_41 = arith.constant 0 : i32
      %dma_start3A_42 = tpu.memref_slice %arg15[%add3A_4, %dma_start3A_41] : memref<10240x32xf32, #tpu.memory_space<vmem_shared>> -> memref<128x32xf32, #tpu.memory_space<vmem_shared>>
      tpu.enqueue_dma source(%arg11 : memref<128x32xf32, #tpu.memory_space<vmem>>) target(%dma_start3A_42 : memref<128x32xf32, #tpu.memory_space<vmem_shared>>) target_semaphore(%run_scoped3A : memref<!tpu.dma_semaphore, #tpu.memory_space<semaphore_mem>>)
      %dma_wait3A_43 = arith.constant 0 : i32
      %dma_wait3A_44 = tpu.memref_slice %arg15[%add3A_4, %dma_wait3A_43] : memref<10240x32xf32, #tpu.memory_space<vmem_shared>> -> memref<128x32xf32, #tpu.memory_space<vmem_shared>>
      %dma_wait3A_45 = arith.constant 0 : i32
      %dma_wait3A_46 = tpu.memref_slice %arg15[%add3A_4, %dma_wait3A_45] : memref<10240x32xf32, #tpu.memory_space<vmem_shared>> -> memref<128x32xf32, #tpu.memory_space<vmem_shared>>
      tpu.wait_dma2 semaphore(%run_scoped3A : memref<!tpu.dma_semaphore, #tpu.memory_space<semaphore_mem>>) src(%arg11 : memref<128x32xf32, #tpu.memory_space<vmem>>) dst(%dma_wait3A_46 : memref<128x32xf32, #tpu.memory_space<vmem_shared>>)
      tpu.yield
    }) : () -> ()
    %add3A_5 = arith.constant 128 : i32
    %add3A_6 = arith.addi %mul3A_3, %add3A_5 : i32
    "tpu.region"() ({
      %run_scoped3A = tpu.sem_alloc : memref<!tpu.dma_semaphore, #tpu.memory_space<semaphore_mem>>
      %dma_start3A_39 = arith.constant 0 : i32
      %dma_start3A_40 = tpu.memref_slice %arg15[%add3A_6, %dma_start3A_39] : memref<10240x32xf32, #tpu.memory_space<vmem_shared>> -> memref<128x32xf32, #tpu.memory_space<vmem_shared>>
      %dma_start3A_41 = arith.constant 0 : i32
      %dma_start3A_42 = tpu.memref_slice %arg15[%add3A_6, %dma_start3A_41] : memref<10240x32xf32, #tpu.memory_space<vmem_shared>> -> memref<128x32xf32, #tpu.memory_space<vmem_shared>>
      tpu.enqueue_dma source(%arg11 : memref<128x32xf32, #tpu.memory_space<vmem>>) target(%dma_start3A_42 : memref<128x32xf32, #tpu.memory_space<vmem_shared>>) target_semaphore(%run_scoped3A : memref<!tpu.dma_semaphore, #tpu.memory_space<semaphore_mem>>)
      %dma_wait3A_43 = arith.constant 0 : i32
      %dma_wait3A_44 = tpu.memref_slice %arg15[%add3A_6, %dma_wait3A_43] : memref<10240x32xf32, #tpu.memory_space<vmem_shared>> -> memref<128x32xf32, #tpu.memory_space<vmem_shared>>
      %dma_wait3A_45 = arith.constant 0 : i32
      %dma_wait3A_46 = tpu.memref_slice %arg15[%add3A_6, %dma_wait3A_45] : memref<10240x32xf32, #tpu.memory_space<vmem_shared>> -> memref<128x32xf32, #tpu.memory_space<vmem_shared>>
      tpu.wait_dma2 semaphore(%run_scoped3A : memref<!tpu.dma_semaphore, #tpu.memory_space<semaphore_mem>>) src(%arg11 : memref<128x32xf32, #tpu.memory_space<vmem>>) dst(%dma_wait3A_46 : memref<128x32xf32, #tpu.memory_space<vmem_shared>>)
      tpu.yield
    }) : () -> ()
    %add3A_7 = arith.constant 256 : i32
    %add3A_8 = arith.addi %mul3A_3, %add3A_7 : i32
    "tpu.region"() ({
      %run_scoped3A = tpu.sem_alloc : memref<!tpu.dma_semaphore, #tpu.memory_space<semaphore_mem>>
      %dma_start3A_39 = arith.constant 0 : i32
      %dma_start3A_40 = tpu.memref_slice %arg15[%add3A_8, %dma_start3A_39] : memref<10240x32xf32, #tpu.memory_space<vmem_shared>> -> memref<128x32xf32, #tpu.memory_space<vmem_shared>>
      %dma_start3A_41 = arith.constant 0 : i32
      %dma_start3A_42 = tpu.memref_slice %arg15[%add3A_8, %dma_start3A_41] : memref<10240x32xf32, #tpu.memory_space<vmem_shared>> -> memref<128x32xf32, #tpu.memory_space<vmem_shared>>
      tpu.enqueue_dma source(%arg11 : memref<128x32xf32, #tpu.memory_space<vmem>>) target(%dma_start3A_42 : memref<128x32xf32, #tpu.memory_space<vmem_shared>>) target_semaphore(%run_scoped3A : memref<!tpu.dma_semaphore, #tpu.memory_space<semaphore_mem>>)
      %dma_wait3A_43 = arith.constant 0 : i32
      %dma_wait3A_44 = tpu.memref_slice %arg15[%add3A_8, %dma_wait3A_43] : memref<10240x32xf32, #tpu.memory_space<vmem_shared>> -> memref<128x32xf32, #tpu.memory_space<vmem_shared>>
      %dma_wait3A_45 = arith.constant 0 : i32
      %dma_wait3A_46 = tpu.memref_slice %arg15[%add3A_8, %dma_wait3A_45] : memref<10240x32xf32, #tpu.memory_space<vmem_shared>> -> memref<128x32xf32, #tpu.memory_space<vmem_shared>>
      tpu.wait_dma2 semaphore(%run_scoped3A : memref<!tpu.dma_semaphore, #tpu.memory_space<semaphore_mem>>) src(%arg11 : memref<128x32xf32, #tpu.memory_space<vmem>>) dst(%dma_wait3A_46 : memref<128x32xf32, #tpu.memory_space<vmem_shared>>)
      tpu.yield
    }) : () -> ()
    %add3A_9 = arith.constant 384 : i32
    %add3A_10 = arith.addi %mul3A_3, %add3A_9 : i32
    "tpu.region"() ({
      %run_scoped3A = tpu.sem_alloc : memref<!tpu.dma_semaphore, #tpu.memory_space<semaphore_mem>>
      %dma_start3A_39 = arith.constant 0 : i32
      %dma_start3A_40 = tpu.memref_slice %arg15[%add3A_10, %dma_start3A_39] : memref<10240x32xf32, #tpu.memory_space<vmem_shared>> -> memref<128x32xf32, #tpu.memory_space<vmem_shared>>
      %dma_start3A_41 = arith.constant 0 : i32
      %dma_start3A_42 = tpu.memref_slice %arg15[%add3A_10, %dma_start3A_41] : memref<10240x32xf32, #tpu.memory_space<vmem_shared>> -> memref<128x32xf32, #tpu.memory_space<vmem_shared>>
      tpu.enqueue_dma source(%arg11 : memref<128x32xf32, #tpu.memory_space<vmem>>) target(%dma_start3A_42 : memref<128x32xf32, #tpu.memory_space<vmem_shared>>) target_semaphore(%run_scoped3A : memref<!tpu.dma_semaphore, #tpu.memory_space<semaphore_mem>>)
      %dma_wait3A_43 = arith.constant 0 : i32
      %dma_wait3A_44 = tpu.memref_slice %arg15[%add3A_10, %dma_wait3A_43] : memref<10240x32xf32, #tpu.memory_space<vmem_shared>> -> memref<128x32xf32, #tpu.memory_space<vmem_shared>>
      %dma_wait3A_45 = arith.constant 0 : i32
      %dma_wait3A_46 = tpu.memref_slice %arg15[%add3A_10, %dma_wait3A_45] : memref<10240x32xf32, #tpu.memory_space<vmem_shared>> -> memref<128x32xf32, #tpu.memory_space<vmem_shared>>
      tpu.wait_dma2 semaphore(%run_scoped3A : memref<!tpu.dma_semaphore, #tpu.memory_space<semaphore_mem>>) src(%arg11 : memref<128x32xf32, #tpu.memory_space<vmem>>) dst(%dma_wait3A_46 : memref<128x32xf32, #tpu.memory_space<vmem_shared>>)
      tpu.yield
    }) : () -> ()
    %add3A_11 = arith.constant 512 : i32
    %add3A_12 = arith.addi %mul3A_3, %add3A_11 : i32
    "tpu.region"() ({
      %run_scoped3A = tpu.sem_alloc : memref<!tpu.dma_semaphore, #tpu.memory_space<semaphore_mem>>
      %dma_start3A_39 = arith.constant 0 : i32
      %dma_start3A_40 = tpu.memref_slice %arg15[%add3A_12, %dma_start3A_39] : memref<10240x32xf32, #tpu.memory_space<vmem_shared>> -> memref<128x32xf32, #tpu.memory_space<vmem_shared>>
      %dma_start3A_41 = arith.constant 0 : i32
      %dma_start3A_42 = tpu.memref_slice %arg15[%add3A_12, %dma_start3A_41] : memref<10240x32xf32, #tpu.memory_space<vmem_shared>> -> memref<128x32xf32, #tpu.memory_space<vmem_shared>>
      tpu.enqueue_dma source(%arg11 : memref<128x32xf32, #tpu.memory_space<vmem>>) target(%dma_start3A_42 : memref<128x32xf32, #tpu.memory_space<vmem_shared>>) target_semaphore(%run_scoped3A : memref<!tpu.dma_semaphore, #tpu.memory_space<semaphore_mem>>)
      %dma_wait3A_43 = arith.constant 0 : i32
      %dma_wait3A_44 = tpu.memref_slice %arg15[%add3A_12, %dma_wait3A_43] : memref<10240x32xf32, #tpu.memory_space<vmem_shared>> -> memref<128x32xf32, #tpu.memory_space<vmem_shared>>
      %dma_wait3A_45 = arith.constant 0 : i32
      %dma_wait3A_46 = tpu.memref_slice %arg15[%add3A_12, %dma_wait3A_45] : memref<10240x32xf32, #tpu.memory_space<vmem_shared>> -> memref<128x32xf32, #tpu.memory_space<vmem_shared>>
      tpu.wait_dma2 semaphore(%run_scoped3A : memref<!tpu.dma_semaphore, #tpu.memory_space<semaphore_mem>>) src(%arg11 : memref<128x32xf32, #tpu.memory_space<vmem>>) dst(%dma_wait3A_46 : memref<128x32xf32, #tpu.memory_space<vmem_shared>>)
      tpu.yield
    }) : () -> ()
    %barrier3A = arith.constant 0 : index
    tpu.barrier barrier_id(%barrier3A)
    %mul3A_13 = arith.constant 16 : i32
    %mul3A_14 = arith.muli %arg0, %mul3A_13 : i32
    %add3A_15 = arith.addi %mul3A_14, %arg1 : i32
    %mul3A_16 = arith.constant 10112 : i32
    %mul3A_17 = arith.muli %add3A_15, %mul3A_16 : i32
    %scan3A = arith.constant 0 : i32
    %scan3A_18 = arith.constant 0 : i32
    %scan3A_19 = arith.constant 39 : i32
    %scan3A_20 = arith.addi %scan3A_18, %scan3A_19 : i32
    %scan3A_21 = arith.constant 1 : i32
    scf.for %scan3A_39 = %scan3A_18 to %scan3A_20 step %scan3A_21  : i32 {
      %mul3A_40 = arith.constant 2 : i32
      %mul3A_41 = arith.muli %mul3A_40, %scan3A_39 : i32
      %mul3A_42 = arith.constant 128 : i32
      %mul3A_43 = arith.muli %mul3A_41, %mul3A_42 : i32
      %add3A_44 = arith.addi %mul3A_17, %mul3A_43 : i32
      %add3A_45 = arith.constant 128 : i32
      %add3A_46 = arith.addi %add3A_44, %add3A_45 : i32
      %dma_start3A_47 = tpu.memref_slice %arg4[%add3A_44] : memref<323584xi32, #tpu.memory_space<hbm>> -> memref<128xi32, #tpu.memory_space<hbm>>
      %dma_start3A_48 = tpu.memref_slice %arg4[%add3A_44] : memref<323584xi32, #tpu.memory_space<hbm>> -> memref<128xi32, #tpu.memory_space<hbm>>
      tpu.enqueue_dma source(%dma_start3A_48 : memref<128xi32, #tpu.memory_space<hbm>>) target(%arg7 : memref<128xi32, #tpu.memory_space<vmem>>) target_semaphore(%arg16 : memref<!tpu.dma_semaphore, #tpu.memory_space<semaphore_mem>>)
      %dma_start3A_49 = tpu.memref_slice %arg5[%add3A_44] : memref<323584xi32, #tpu.memory_space<hbm>> -> memref<128xi32, #tpu.memory_space<hbm>>
      %dma_start3A_50 = tpu.memref_slice %arg5[%add3A_44] : memref<323584xi32, #tpu.memory_space<hbm>> -> memref<128xi32, #tpu.memory_space<hbm>>
      tpu.enqueue_dma source(%dma_start3A_50 : memref<128xi32, #tpu.memory_space<hbm>>) target(%arg8 : memref<128xi32, #tpu.memory_space<vmem>>) target_semaphore(%arg16 : memref<!tpu.dma_semaphore, #tpu.memory_space<semaphore_mem>>)
      %dma_start3A_51 = tpu.memref_slice %arg4[%add3A_46] : memref<323584xi32, #tpu.memory_space<hbm>> -> memref<128xi32, #tpu.memory_space<hbm>>
      %dma_start3A_52 = tpu.memref_slice %arg4[%add3A_46] : memref<323584xi32, #tpu.memory_space<hbm>> -> memref<128xi32, #tpu.memory_space<hbm>>
      tpu.enqueue_dma source(%dma_start3A_52 : memref<128xi32, #tpu.memory_space<hbm>>) target(%arg9 : memref<128xi32, #tpu.memory_space<vmem>>) target_semaphore(%arg17 : memref<!tpu.dma_semaphore, #tpu.memory_space<semaphore_mem>>)
      %dma_start3A_53 = tpu.memref_slice %arg5[%add3A_46] : memref<323584xi32, #tpu.memory_space<hbm>> -> memref<128xi32, #tpu.memory_space<hbm>>
      %dma_start3A_54 = tpu.memref_slice %arg5[%add3A_46] : memref<323584xi32, #tpu.memory_space<hbm>> -> memref<128xi32, #tpu.memory_space<hbm>>
      tpu.enqueue_dma source(%dma_start3A_54 : memref<128xi32, #tpu.memory_space<hbm>>) target(%arg10 : memref<128xi32, #tpu.memory_space<vmem>>) target_semaphore(%arg17 : memref<!tpu.dma_semaphore, #tpu.memory_space<semaphore_mem>>)
      %dma_wait3A_55 = tpu.memref_slice %arg4[%add3A_44] : memref<323584xi32, #tpu.memory_space<hbm>> -> memref<128xi32, #tpu.memory_space<hbm>>
      %dma_wait3A_56 = tpu.memref_slice %arg4[%add3A_44] : memref<323584xi32, #tpu.memory_space<hbm>> -> memref<128xi32, #tpu.memory_space<hbm>>
      tpu.wait_dma2 semaphore(%arg16 : memref<!tpu.dma_semaphore, #tpu.memory_space<semaphore_mem>>) src(%dma_wait3A_56 : memref<128xi32, #tpu.memory_space<hbm>>) dst(%arg7 : memref<128xi32, #tpu.memory_space<vmem>>)
      %dma_wait3A_57 = tpu.memref_slice %arg5[%add3A_44] : memref<323584xi32, #tpu.memory_space<hbm>> -> memref<128xi32, #tpu.memory_space<hbm>>
      %dma_wait3A_58 = tpu.memref_slice %arg5[%add3A_44] : memref<323584xi32, #tpu.memory_space<hbm>> -> memref<128xi32, #tpu.memory_space<hbm>>
      tpu.wait_dma2 semaphore(%arg16 : memref<!tpu.dma_semaphore, #tpu.memory_space<semaphore_mem>>) src(%dma_wait3A_58 : memref<128xi32, #tpu.memory_space<hbm>>) dst(%arg8 : memref<128xi32, #tpu.memory_space<vmem>>)
      %dma_start3A_59 = arith.constant 0 : i32
      %dma_start3A_60 = arith.constant 0 : i32
      %dma_start3A_61 = tpu.memref_slice %arg2[%dma_start3A_59, %dma_start3A_60] : memref<10240x32xf32, #tpu.memory_space<hbm>> -> memref<10240x32xf32, #tpu.memory_space<hbm>>
      tpu.enqueue_indirect_dma source(%dma_start3A_61 : memref<10240x32xf32, #tpu.memory_space<hbm>>) target(%arg11 : memref<128x32xf32, #tpu.memory_space<vmem>>) offsets(%arg7 : memref<128xi32, #tpu.memory_space<vmem>>) semaphore(%arg18 : memref<!tpu.dma_semaphore, #tpu.memory_space<semaphore_mem>>)
      %dma_start3A_62 = arith.constant 0 : i32
      %dma_start3A_63 = arith.constant 0 : i32
      %dma_start3A_64 = tpu.memref_slice %arg3[%dma_start3A_62, %dma_start3A_63] : memref<10240x16xf32, #tpu.memory_space<hbm>> -> memref<10240x16xf32, #tpu.memory_space<hbm>>
      tpu.enqueue_indirect_dma source(%dma_start3A_64 : memref<10240x16xf32, #tpu.memory_space<hbm>>) target(%arg13 : memref<128x16xf32, #tpu.memory_space<vmem>>) offsets(%arg8 : memref<128xi32, #tpu.memory_space<vmem>>) semaphore(%arg18 : memref<!tpu.dma_semaphore, #tpu.memory_space<semaphore_mem>>)
      %dma_wait3A_65 = tpu.memref_slice %arg4[%add3A_46] : memref<323584xi32, #tpu.memory_space<hbm>> -> memref<128xi32, #tpu.memory_space<hbm>>
      %dma_wait3A_66 = tpu.memref_slice %arg4[%add3A_46] : memref<323584xi32, #tpu.memory_space<hbm>> -> memref<128xi32, #tpu.memory_space<hbm>>
      tpu.wait_dma2 semaphore(%arg17 : memref<!tpu.dma_semaphore, #tpu.memory_space<semaphore_mem>>) src(%dma_wait3A_66 : memref<128xi32, #tpu.memory_space<hbm>>) dst(%arg9 : memref<128xi32, #tpu.memory_space<vmem>>)
      %dma_wait3A_67 = tpu.memref_slice %arg5[%add3A_46] : memref<323584xi32, #tpu.memory_space<hbm>> -> memref<128xi32, #tpu.memory_space<hbm>>
      %dma_wait3A_68 = tpu.memref_slice %arg5[%add3A_46] : memref<323584xi32, #tpu.memory_space<hbm>> -> memref<128xi32, #tpu.memory_space<hbm>>
      tpu.wait_dma2 semaphore(%arg17 : memref<!tpu.dma_semaphore, #tpu.memory_space<semaphore_mem>>) src(%dma_wait3A_68 : memref<128xi32, #tpu.memory_space<hbm>>) dst(%arg10 : memref<128xi32, #tpu.memory_space<vmem>>)
      %dma_start3A_69 = arith.constant 0 : i32
      %dma_start3A_70 = arith.constant 0 : i32
      %dma_start3A_71 = tpu.memref_slice %arg2[%dma_start3A_69, %dma_start3A_70] : memref<10240x32xf32, #tpu.memory_space<hbm>> -> memref<10240x32xf32, #tpu.memory_space<hbm>>
      tpu.enqueue_indirect_dma source(%dma_start3A_71 : memref<10240x32xf32, #tpu.memory_space<hbm>>) target(%arg12 : memref<128x32xf32, #tpu.memory_space<vmem>>) offsets(%arg9 : memref<128xi32, #tpu.memory_space<vmem>>) semaphore(%arg19 : memref<!tpu.dma_semaphore, #tpu.memory_space<semaphore_mem>>)
      %dma_start3A_72 = arith.constant 0 : i32
      %dma_start3A_73 = arith.constant 0 : i32
      %dma_start3A_74 = tpu.memref_slice %arg3[%dma_start3A_72, %dma_start3A_73] : memref<10240x16xf32, #tpu.memory_space<hbm>> -> memref<10240x16xf32, #tpu.memory_space<hbm>>
      tpu.enqueue_indirect_dma source(%dma_start3A_74 : memref<10240x16xf32, #tpu.memory_space<hbm>>) target(%arg14 : memref<128x16xf32, #tpu.memory_space<vmem>>) offsets(%arg10 : memref<128xi32, #tpu.memory_space<vmem>>) semaphore(%arg19 : memref<!tpu.dma_semaphore, #tpu.memory_space<semaphore_mem>>)
      %dma_wait3A_75 = arith.constant 0 : i32
      %dma_wait3A_76 = arith.constant 0 : i32
      %dma_wait3A_77 = tpu.memref_slice %arg2[%dma_wait3A_75, %dma_wait3A_76] : memref<10240x32xf32, #tpu.memory_space<hbm>> -> memref<10240x32xf32, #tpu.memory_space<hbm>>
      tpu.wait_indirect_dma semaphore(%arg18 : memref<!tpu.dma_semaphore, #tpu.memory_space<semaphore_mem>>) src(%dma_wait3A_77 : memref<10240x32xf32, #tpu.memory_space<hbm>>) dst(%arg11 : memref<128x32xf32, #tpu.memory_space<vmem>>)
      %dma_wait3A_78 = arith.constant 0 : i32
      %dma_wait3A_79 = arith.constant 0 : i32
      %dma_wait3A_80 = tpu.memref_slice %arg3[%dma_wait3A_78, %dma_wait3A_79] : memref<10240x16xf32, #tpu.memory_space<hbm>> -> memref<10240x16xf32, #tpu.memory_space<hbm>>
      tpu.wait_indirect_dma semaphore(%arg18 : memref<!tpu.dma_semaphore, #tpu.memory_space<semaphore_mem>>) src(%dma_wait3A_80 : memref<10240x16xf32, #tpu.memory_space<hbm>>) dst(%arg13 : memref<128x16xf32, #tpu.memory_space<vmem>>)
      %parallel_loop3A_81 = arith.constant 0 : i32
      %parallel_loop3A_82 = arith.constant 128 : i32
      %parallel_loop3A_83 = arith.constant 1 : i32
      scf.for %parallel_loop3A_93 = %parallel_loop3A_81 to %parallel_loop3A_82 step %parallel_loop3A_83  : i32 {
        %parallel_loop3A_94 = arith.index_cast %parallel_loop3A_93 : i32 to index
        %parallel_loop3A_95 = arith.constant 16 : index
        %parallel_loop3A_96 = tpu.vector_load %arg11[%parallel_loop3A_94, %parallel_loop3A_95] {strides = array<i32>} : memref<128x32xf32, #tpu.memory_space<vmem>>, vector<1x16xf32>,
        %parallel_loop3A_97 = vector.shape_cast %parallel_loop3A_96 : vector<1x16xf32> to vector<16xf32>
        %parallel_loop3A_98 = arith.index_cast %parallel_loop3A_93 : i32 to index
        %parallel_loop3A_99 = arith.constant 0 : index
        %parallel_loop3A_100 = tpu.vector_load %arg13[%parallel_loop3A_98, %parallel_loop3A_99] {strides = array<i32>} : memref<128x16xf32, #tpu.memory_space<vmem>>, vector<1x16xf32>,
        %parallel_loop3A_101 = vector.shape_cast %parallel_loop3A_100 : vector<1x16xf32> to vector<16xf32>
        %parallel_loop3A_102 = arith.addf %parallel_loop3A_97, %parallel_loop3A_101 : vector<16xf32>
        %parallel_loop3A_103 = arith.constant 2.000000e-01 : f32
        %parallel_loop3A_104 = vector.broadcast %parallel_loop3A_103 : f32 to vector<16xf32>
        %parallel_loop3A_105 = arith.mulf %parallel_loop3A_104, %parallel_loop3A_102 : vector<16xf32>
        %parallel_loop3A_106 = arith.maximumf %parallel_loop3A_102, %parallel_loop3A_105 : vector<16xf32>
        %parallel_loop3A_107 = math.exp %parallel_loop3A_106 : vector<16xf32>
        %parallel_loop3A_108 = arith.index_cast %parallel_loop3A_93 : i32 to index
        %parallel_loop3A_109 = arith.constant 0 : index
        %parallel_loop3A_110 = tpu.vector_load %arg11[%parallel_loop3A_108, %parallel_loop3A_109] {strides = array<i32>} : memref<128x32xf32, #tpu.memory_space<vmem>>, vector<1x16xf32>,
        %parallel_loop3A_111 = vector.shape_cast %parallel_loop3A_110 : vector<1x16xf32> to vector<16xf32>
        %parallel_loop3A_112 = arith.mulf %parallel_loop3A_111, %parallel_loop3A_107 : vector<16xf32>
        %parallel_loop3A_113 = arith.index_cast %parallel_loop3A_93 : i32 to index
        %parallel_loop3A_114 = arith.constant 0 : index
        %parallel_loop3A_115 = tpu.vector_load %arg11[%parallel_loop3A_113, %parallel_loop3A_114] {strides = array<i32>} : memref<128x32xf32, #tpu.memory_space<vmem>>, vector<1x16xf32>,
        %parallel_loop3A_116 = vector.shape_cast %parallel_loop3A_115 : vector<1x16xf32> to vector<16xf32>
        %parallel_loop3A_117 = vector.shape_cast %parallel_loop3A_112 : vector<16xf32> to vector<1x16xf32>
        tpu.vector_store %arg11[%parallel_loop3A_113, %parallel_loop3A_114], %parallel_loop3A_117 {strides = array<i32>} : memref<128x32xf32, #tpu.memory_space<vmem>>, vector<1x16xf32>,
        %parallel_loop3A_118 = arith.index_cast %parallel_loop3A_93 : i32 to index
        %parallel_loop3A_119 = arith.constant 16 : index
        %parallel_loop3A_120 = tpu.vector_load %arg11[%parallel_loop3A_118, %parallel_loop3A_119] {strides = array<i32>} : memref<128x32xf32, #tpu.memory_space<vmem>>, vector<1x16xf32>,
        %parallel_loop3A_121 = vector.shape_cast %parallel_loop3A_120 : vector<1x16xf32> to vector<16xf32>
        %parallel_loop3A_122 = vector.shape_cast %parallel_loop3A_107 : vector<16xf32> to vector<1x16xf32>
        tpu.vector_store %arg11[%parallel_loop3A_118, %parallel_loop3A_119], %parallel_loop3A_122 {strides = array<i32>} : memref<128x32xf32, #tpu.memory_space<vmem>>, vector<1x16xf32>,
      } {sc.loop_unroll_factor = 8 : i64, sc.parallel_access}
      "tpu.region"() ({
        %run_scoped3A = tpu.sem_alloc : memref<!tpu.dma_semaphore, #tpu.memory_space<semaphore_mem>>
        %dma_start3A_93 = arith.constant 0 : i32
        %dma_start3A_94 = arith.constant 0 : i32
        %dma_start3A_95 = tpu.memref_slice %arg15[%dma_start3A_93, %dma_start3A_94] : memref<10240x32xf32, #tpu.memory_space<vmem_shared>> -> memref<10240x32xf32, #tpu.memory_space<vmem_shared>>
        tpu.enqueue_indirect_dma source(%arg11 : memref<128x32xf32, #tpu.memory_space<vmem>>) target(%dma_start3A_95 : memref<10240x32xf32, #tpu.memory_space<vmem_shared>>) offsets(%arg8 : memref<128xi32, #tpu.memory_space<vmem>>) semaphore(%run_scoped3A : memref<!tpu.dma_semaphore, #tpu.memory_space<semaphore_mem>>) {add = true}
        %dma_wait3A_96 = arith.constant 0 : i32
        %dma_wait3A_97 = arith.constant 0 : i32
        %dma_wait3A_98 = tpu.memref_slice %arg15[%dma_wait3A_96, %dma_wait3A_97] : memref<10240x32xf32, #tpu.memory_space<vmem_shared>> -> memref<10240x32xf32, #tpu.memory_space<vmem_shared>>
        tpu.wait_indirect_dma semaphore(%run_scoped3A : memref<!tpu.dma_semaphore, #tpu.memory_space<semaphore_mem>>) src(%arg11 : memref<128x32xf32, #tpu.memory_space<vmem>>) dst(%dma_wait3A_98 : memref<10240x32xf32, #tpu.memory_space<vmem_shared>>)
        tpu.yield
      }) : () -> ()
      %dma_wait3A_84 = arith.constant 0 : i32
      %dma_wait3A_85 = arith.constant 0 : i32
      %dma_wait3A_86 = tpu.memref_slice %arg2[%dma_wait3A_84, %dma_wait3A_85] : memref<10240x32xf32, #tpu.memory_space<hbm>> -> memref<10240x32xf32, #tpu.memory_space<hbm>>
      tpu.wait_indirect_dma semaphore(%arg19 : memref<!tpu.dma_semaphore, #tpu.memory_space<semaphore_mem>>) src(%dma_wait3A_86 : memref<10240x32xf32, #tpu.memory_space<hbm>>) dst(%arg12 : memref<128x32xf32, #tpu.memory_space<vmem>>)
      %dma_wait3A_87 = arith.constant 0 : i32
      %dma_wait3A_88 = arith.constant 0 : i32
      %dma_wait3A_89 = tpu.memref_slice %arg3[%dma_wait3A_87, %dma_wait3A_88] : memref<10240x16xf32, #tpu.memory_space<hbm>> -> memref<10240x16xf32, #tpu.memory_space<hbm>>
      tpu.wait_indirect_dma semaphore(%arg19 : memref<!tpu.dma_semaphore, #tpu.memory_space<semaphore_mem>>) src(%dma_wait3A_89 : memref<10240x16xf32, #tpu.memory_space<hbm>>) dst(%arg14 : memref<128x16xf32, #tpu.memory_space<vmem>>)
      %parallel_loop3A_90 = arith.constant 0 : i32
      %parallel_loop3A_91 = arith.constant 128 : i32
      %parallel_loop3A_92 = arith.constant 1 : i32
      scf.for %parallel_loop3A_93 = %parallel_loop3A_90 to %parallel_loop3A_91 step %parallel_loop3A_92  : i32 {
        %parallel_loop3A_94 = arith.index_cast %parallel_loop3A_93 : i32 to index
        %parallel_loop3A_95 = arith.constant 16 : index
        %parallel_loop3A_96 = tpu.vector_load %arg12[%parallel_loop3A_94, %parallel_loop3A_95] {strides = array<i32>} : memref<128x32xf32, #tpu.memory_space<vmem>>, vector<1x16xf32>,
        %parallel_loop3A_97 = vector.shape_cast %parallel_loop3A_96 : vector<1x16xf32> to vector<16xf32>
        %parallel_loop3A_98 = arith.index_cast %parallel_loop3A_93 : i32 to index
        %parallel_loop3A_99 = arith.constant 0 : index
        %parallel_loop3A_100 = tpu.vector_load %arg14[%parallel_loop3A_98, %parallel_loop3A_99] {strides = array<i32>} : memref<128x16xf32, #tpu.memory_space<vmem>>, vector<1x16xf32>,
        %parallel_loop3A_101 = vector.shape_cast %parallel_loop3A_100 : vector<1x16xf32> to vector<16xf32>
        %parallel_loop3A_102 = arith.addf %parallel_loop3A_97, %parallel_loop3A_101 : vector<16xf32>
        %parallel_loop3A_103 = arith.constant 2.000000e-01 : f32
        %parallel_loop3A_104 = vector.broadcast %parallel_loop3A_103 : f32 to vector<16xf32>
        %parallel_loop3A_105 = arith.mulf %parallel_loop3A_104, %parallel_loop3A_102 : vector<16xf32>
        %parallel_loop3A_106 = arith.maximumf %parallel_loop3A_102, %parallel_loop3A_105 : vector<16xf32>
        %parallel_loop3A_107 = math.exp %parallel_loop3A_106 : vector<16xf32>
        %parallel_loop3A_108 = arith.index_cast %parallel_loop3A_93 : i32 to index
        %parallel_loop3A_109 = arith.constant 0 : index
        %parallel_loop3A_110 = tpu.vector_load %arg12[%parallel_loop3A_108, %parallel_loop3A_109] {strides = array<i32>} : memref<128x32xf32, #tpu.memory_space<vmem>>, vector<1x16xf32>,
        %parallel_loop3A_111 = vector.shape_cast %parallel_loop3A_110 : vector<1x16xf32> to vector<16xf32>
        %parallel_loop3A_112 = arith.mulf %parallel_loop3A_111, %parallel_loop3A_107 : vector<16xf32>
        %parallel_loop3A_113 = arith.index_cast %parallel_loop3A_93 : i32 to index
        %parallel_loop3A_114 = arith.constant 0 : index
        %parallel_loop3A_115 = tpu.vector_load %arg12[%parallel_loop3A_113, %parallel_loop3A_114] {strides = array<i32>} : memref<128x32xf32, #tpu.memory_space<vmem>>, vector<1x16xf32>,
        %parallel_loop3A_116 = vector.shape_cast %parallel_loop3A_115 : vector<1x16xf32> to vector<16xf32>
        %parallel_loop3A_117 = vector.shape_cast %parallel_loop3A_112 : vector<16xf32> to vector<1x16xf32>
        tpu.vector_store %arg12[%parallel_loop3A_113, %parallel_loop3A_114], %parallel_loop3A_117 {strides = array<i32>} : memref<128x32xf32, #tpu.memory_space<vmem>>, vector<1x16xf32>,
        %parallel_loop3A_118 = arith.index_cast %parallel_loop3A_93 : i32 to index
        %parallel_loop3A_119 = arith.constant 16 : index
        %parallel_loop3A_120 = tpu.vector_load %arg12[%parallel_loop3A_118, %parallel_loop3A_119] {strides = array<i32>} : memref<128x32xf32, #tpu.memory_space<vmem>>, vector<1x16xf32>,
        %parallel_loop3A_121 = vector.shape_cast %parallel_loop3A_120 : vector<1x16xf32> to vector<16xf32>
        %parallel_loop3A_122 = vector.shape_cast %parallel_loop3A_107 : vector<16xf32> to vector<1x16xf32>
        tpu.vector_store %arg12[%parallel_loop3A_118, %parallel_loop3A_119], %parallel_loop3A_122 {strides = array<i32>} : memref<128x32xf32, #tpu.memory_space<vmem>>, vector<1x16xf32>,
      } {sc.loop_unroll_factor = 8 : i64, sc.parallel_access}
      "tpu.region"() ({
        %run_scoped3A = tpu.sem_alloc : memref<!tpu.dma_semaphore, #tpu.memory_space<semaphore_mem>>
        %dma_start3A_93 = arith.constant 0 : i32
        %dma_start3A_94 = arith.constant 0 : i32
        %dma_start3A_95 = tpu.memref_slice %arg15[%dma_start3A_93, %dma_start3A_94] : memref<10240x32xf32, #tpu.memory_space<vmem_shared>> -> memref<10240x32xf32, #tpu.memory_space<vmem_shared>>
        tpu.enqueue_indirect_dma source(%arg12 : memref<128x32xf32, #tpu.memory_space<vmem>>) target(%dma_start3A_95 : memref<10240x32xf32, #tpu.memory_space<vmem_shared>>) offsets(%arg10 : memref<128xi32, #tpu.memory_space<vmem>>) semaphore(%run_scoped3A : memref<!tpu.dma_semaphore, #tpu.memory_space<semaphore_mem>>) {add = true}
        %dma_wait3A_96 = arith.constant 0 : i32
        %dma_wait3A_97 = arith.constant 0 : i32
        %dma_wait3A_98 = tpu.memref_slice %arg15[%dma_wait3A_96, %dma_wait3A_97] : memref<10240x32xf32, #tpu.memory_space<vmem_shared>> -> memref<10240x32xf32, #tpu.memory_space<vmem_shared>>
        tpu.wait_indirect_dma semaphore(%run_scoped3A : memref<!tpu.dma_semaphore, #tpu.memory_space<semaphore_mem>>) src(%arg12 : memref<128x32xf32, #tpu.memory_space<vmem>>) dst(%dma_wait3A_98 : memref<10240x32xf32, #tpu.memory_space<vmem_shared>>)
        tpu.yield
      }) : () -> ()
    }
    %scan3A_22 = arith.constant 39 : i32
    %add3A_23 = arith.constant 9984 : i32
    %add3A_24 = arith.addi %mul3A_17, %add3A_23 : i32
    "tpu.region"() ({
      %run_scoped3A = tpu.sem_alloc : memref<!tpu.dma_semaphore, #tpu.memory_space<semaphore_mem>>
      %dma_start3A_39 = tpu.memref_slice %arg4[%add3A_24] : memref<323584xi32, #tpu.memory_space<hbm>> -> memref<128xi32, #tpu.memory_space<hbm>>
      %dma_start3A_40 = tpu.memref_slice %arg4[%add3A_24] : memref<323584xi32, #tpu.memory_space<hbm>> -> memref<128xi32, #tpu.memory_space<hbm>>
      tpu.enqueue_dma source(%dma_start3A_40 : memref<128xi32, #tpu.memory_space<hbm>>) target(%arg7 : memref<128xi32, #tpu.memory_space<vmem>>) target_semaphore(%run_scoped3A : memref<!tpu.dma_semaphore, #tpu.memory_space<semaphore_mem>>)
      %dma_wait3A_41 = tpu.memref_slice %arg4[%add3A_24] : memref<323584xi32, #tpu.memory_space<hbm>> -> memref<128xi32, #tpu.memory_space<hbm>>
      %dma_wait3A_42 = tpu.memref_slice %arg4[%add3A_24] : memref<323584xi32, #tpu.memory_space<hbm>> -> memref<128xi32, #tpu.memory_space<hbm>>
      tpu.wait_dma2 semaphore(%run_scoped3A : memref<!tpu.dma_semaphore, #tpu.memory_space<semaphore_mem>>) src(%dma_wait3A_42 : memref<128xi32, #tpu.memory_space<hbm>>) dst(%arg7 : memref<128xi32, #tpu.memory_space<vmem>>)
      tpu.yield
    }) : () -> ()
    "tpu.region"() ({
      %run_scoped3A = tpu.sem_alloc : memref<!tpu.dma_semaphore, #tpu.memory_space<semaphore_mem>>
      %dma_start3A_39 = tpu.memref_slice %arg5[%add3A_24] : memref<323584xi32, #tpu.memory_space<hbm>> -> memref<128xi32, #tpu.memory_space<hbm>>
      %dma_start3A_40 = tpu.memref_slice %arg5[%add3A_24] : memref<323584xi32, #tpu.memory_space<hbm>> -> memref<128xi32, #tpu.memory_space<hbm>>
      tpu.enqueue_dma source(%dma_start3A_40 : memref<128xi32, #tpu.memory_space<hbm>>) target(%arg8 : memref<128xi32, #tpu.memory_space<vmem>>) target_semaphore(%run_scoped3A : memref<!tpu.dma_semaphore, #tpu.memory_space<semaphore_mem>>)
      %dma_wait3A_41 = tpu.memref_slice %arg5[%add3A_24] : memref<323584xi32, #tpu.memory_space<hbm>> -> memref<128xi32, #tpu.memory_space<hbm>>
      %dma_wait3A_42 = tpu.memref_slice %arg5[%add3A_24] : memref<323584xi32, #tpu.memory_space<hbm>> -> memref<128xi32, #tpu.memory_space<hbm>>
      tpu.wait_dma2 semaphore(%run_scoped3A : memref<!tpu.dma_semaphore, #tpu.memory_space<semaphore_mem>>) src(%dma_wait3A_42 : memref<128xi32, #tpu.memory_space<hbm>>) dst(%arg8 : memref<128xi32, #tpu.memory_space<vmem>>)
      tpu.yield
    }) : () -> ()
    %dma_start3A = arith.constant 0 : i32
    %dma_start3A_25 = arith.constant 0 : i32
    %dma_start3A_26 = tpu.memref_slice %arg2[%dma_start3A, %dma_start3A_25] : memref<10240x32xf32, #tpu.memory_space<hbm>> -> memref<10240x32xf32, #tpu.memory_space<hbm>>
    tpu.enqueue_indirect_dma source(%dma_start3A_26 : memref<10240x32xf32, #tpu.memory_space<hbm>>) target(%arg11 : memref<128x32xf32, #tpu.memory_space<vmem>>) offsets(%arg7 : memref<128xi32, #tpu.memory_space<vmem>>) semaphore(%arg18 : memref<!tpu.dma_semaphore, #tpu.memory_space<semaphore_mem>>)
    %dma_start3A_27 = arith.constant 0 : i32
    %dma_start3A_28 = arith.constant 0 : i32
    %dma_start3A_29 = tpu.memref_slice %arg3[%dma_start3A_27, %dma_start3A_28] : memref<10240x16xf32, #tpu.memory_space<hbm>> -> memref<10240x16xf32, #tpu.memory_space<hbm>>
    tpu.enqueue_indirect_dma source(%dma_start3A_29 : memref<10240x16xf32, #tpu.memory_space<hbm>>) target(%arg13 : memref<128x16xf32, #tpu.memory_space<vmem>>) offsets(%arg8 : memref<128xi32, #tpu.memory_space<vmem>>) semaphore(%arg18 : memref<!tpu.dma_semaphore, #tpu.memory_space<semaphore_mem>>)
    %dma_wait3A = arith.constant 0 : i32
    %dma_wait3A_30 = arith.constant 0 : i32
    %dma_wait3A_31 = tpu.memref_slice %arg2[%dma_wait3A, %dma_wait3A_30] : memref<10240x32xf32, #tpu.memory_space<hbm>> -> memref<10240x32xf32, #tpu.memory_space<hbm>>
    tpu.wait_indirect_dma semaphore(%arg18 : memref<!tpu.dma_semaphore, #tpu.memory_space<semaphore_mem>>) src(%dma_wait3A_31 : memref<10240x32xf32, #tpu.memory_space<hbm>>) dst(%arg11 : memref<128x32xf32, #tpu.memory_space<vmem>>)
    %dma_wait3A_32 = arith.constant 0 : i32
    %dma_wait3A_33 = arith.constant 0 : i32
    %dma_wait3A_34 = tpu.memref_slice %arg3[%dma_wait3A_32, %dma_wait3A_33] : memref<10240x16xf32, #tpu.memory_space<hbm>> -> memref<10240x16xf32, #tpu.memory_space<hbm>>
    tpu.wait_indirect_dma semaphore(%arg18 : memref<!tpu.dma_semaphore, #tpu.memory_space<semaphore_mem>>) src(%dma_wait3A_34 : memref<10240x16xf32, #tpu.memory_space<hbm>>) dst(%arg13 : memref<128x16xf32, #tpu.memory_space<vmem>>)
    %parallel_loop3A_35 = arith.constant 0 : i32
    %parallel_loop3A_36 = arith.constant 128 : i32
    %parallel_loop3A_37 = arith.constant 1 : i32
    scf.for %parallel_loop3A_39 = %parallel_loop3A_35 to %parallel_loop3A_36 step %parallel_loop3A_37  : i32 {
      %parallel_loop3A_40 = arith.index_cast %parallel_loop3A_39 : i32 to index
      %parallel_loop3A_41 = arith.constant 16 : index
      %parallel_loop3A_42 = tpu.vector_load %arg11[%parallel_loop3A_40, %parallel_loop3A_41] {strides = array<i32>} : memref<128x32xf32, #tpu.memory_space<vmem>>, vector<1x16xf32>,
      %parallel_loop3A_43 = vector.shape_cast %parallel_loop3A_42 : vector<1x16xf32> to vector<16xf32>
      %parallel_loop3A_44 = arith.index_cast %parallel_loop3A_39 : i32 to index
      %parallel_loop3A_45 = arith.constant 0 : index
      %parallel_loop3A_46 = tpu.vector_load %arg13[%parallel_loop3A_44, %parallel_loop3A_45] {strides = array<i32>} : memref<128x16xf32, #tpu.memory_space<vmem>>, vector<1x16xf32>,
      %parallel_loop3A_47 = vector.shape_cast %parallel_loop3A_46 : vector<1x16xf32> to vector<16xf32>
      %parallel_loop3A_48 = arith.addf %parallel_loop3A_43, %parallel_loop3A_47 : vector<16xf32>
      %parallel_loop3A_49 = arith.constant 2.000000e-01 : f32
      %parallel_loop3A_50 = vector.broadcast %parallel_loop3A_49 : f32 to vector<16xf32>
      %parallel_loop3A_51 = arith.mulf %parallel_loop3A_50, %parallel_loop3A_48 : vector<16xf32>
      %parallel_loop3A_52 = arith.maximumf %parallel_loop3A_48, %parallel_loop3A_51 : vector<16xf32>
      %parallel_loop3A_53 = math.exp %parallel_loop3A_52 : vector<16xf32>
      %parallel_loop3A_54 = arith.index_cast %parallel_loop3A_39 : i32 to index
      %parallel_loop3A_55 = arith.constant 0 : index
      %parallel_loop3A_56 = tpu.vector_load %arg11[%parallel_loop3A_54, %parallel_loop3A_55] {strides = array<i32>} : memref<128x32xf32, #tpu.memory_space<vmem>>, vector<1x16xf32>,
      %parallel_loop3A_57 = vector.shape_cast %parallel_loop3A_56 : vector<1x16xf32> to vector<16xf32>
      %parallel_loop3A_58 = arith.mulf %parallel_loop3A_57, %parallel_loop3A_53 : vector<16xf32>
      %parallel_loop3A_59 = arith.index_cast %parallel_loop3A_39 : i32 to index
      %parallel_loop3A_60 = arith.constant 0 : index
      %parallel_loop3A_61 = tpu.vector_load %arg11[%parallel_loop3A_59, %parallel_loop3A_60] {strides = array<i32>} : memref<128x32xf32, #tpu.memory_space<vmem>>, vector<1x16xf32>,
      %parallel_loop3A_62 = vector.shape_cast %parallel_loop3A_61 : vector<1x16xf32> to vector<16xf32>
      %parallel_loop3A_63 = vector.shape_cast %parallel_loop3A_58 : vector<16xf32> to vector<1x16xf32>
      tpu.vector_store %arg11[%parallel_loop3A_59, %parallel_loop3A_60], %parallel_loop3A_63 {strides = array<i32>} : memref<128x32xf32, #tpu.memory_space<vmem>>, vector<1x16xf32>,
      %parallel_loop3A_64 = arith.index_cast %parallel_loop3A_39 : i32 to index
      %parallel_loop3A_65 = arith.constant 16 : index
      %parallel_loop3A_66 = tpu.vector_load %arg11[%parallel_loop3A_64, %parallel_loop3A_65] {strides = array<i32>} : memref<128x32xf32, #tpu.memory_space<vmem>>, vector<1x16xf32>,
      %parallel_loop3A_67 = vector.shape_cast %parallel_loop3A_66 : vector<1x16xf32> to vector<16xf32>
      %parallel_loop3A_68 = vector.shape_cast %parallel_loop3A_53 : vector<16xf32> to vector<1x16xf32>
      tpu.vector_store %arg11[%parallel_loop3A_64, %parallel_loop3A_65], %parallel_loop3A_68 {strides = array<i32>} : memref<128x32xf32, #tpu.memory_space<vmem>>, vector<1x16xf32>,
    } {sc.loop_unroll_factor = 8 : i64, sc.parallel_access}
    "tpu.region"() ({
      %run_scoped3A = tpu.sem_alloc : memref<!tpu.dma_semaphore, #tpu.memory_space<semaphore_mem>>
      %dma_start3A_39 = arith.constant 0 : i32
      %dma_start3A_40 = arith.constant 0 : i32
      %dma_start3A_41 = tpu.memref_slice %arg15[%dma_start3A_39, %dma_start3A_40] : memref<10240x32xf32, #tpu.memory_space<vmem_shared>> -> memref<10240x32xf32, #tpu.memory_space<vmem_shared>>
      tpu.enqueue_indirect_dma source(%arg11 : memref<128x32xf32, #tpu.memory_space<vmem>>) target(%dma_start3A_41 : memref<10240x32xf32, #tpu.memory_space<vmem_shared>>) offsets(%arg8 : memref<128xi32, #tpu.memory_space<vmem>>) semaphore(%run_scoped3A : memref<!tpu.dma_semaphore, #tpu.memory_space<semaphore_mem>>) {add = true}
      %dma_wait3A_42 = arith.constant 0 : i32
      %dma_wait3A_43 = arith.constant 0 : i32
      %dma_wait3A_44 = tpu.memref_slice %arg15[%dma_wait3A_42, %dma_wait3A_43] : memref<10240x32xf32, #tpu.memory_space<vmem_shared>> -> memref<10240x32xf32, #tpu.memory_space<vmem_shared>>
      tpu.wait_indirect_dma semaphore(%run_scoped3A : memref<!tpu.dma_semaphore, #tpu.memory_space<semaphore_mem>>) src(%arg11 : memref<128x32xf32, #tpu.memory_space<vmem>>) dst(%dma_wait3A_44 : memref<10240x32xf32, #tpu.memory_space<vmem_shared>>)
      tpu.yield
    }) : () -> ()
    %barrier3A_38 = arith.constant 0 : index
    tpu.barrier barrier_id(%barrier3A_38)
    "tpu.region"() ({
      %run_scoped3A = tpu.sem_alloc : memref<!tpu.dma_semaphore, #tpu.memory_space<semaphore_mem>>
      %dma_start3A_39 = arith.constant 0 : i32
      %dma_start3A_40 = tpu.memref_slice %arg6[%arg0, %mul3A_3, %dma_start3A_39] : memref<2x10240x32xf32, #tpu.memory_space<hbm>> -> memref<1x640x32xf32, #tpu.memory_space<hbm>>
      %dma_start3A_41 = tpu.memref_squeeze %dma_start3A_40 : memref<1x640x32xf32, #tpu.memory_space<hbm>> -> memref<640x32xf32, #tpu.memory_space<hbm>>
      %dma_start3A_42 = arith.constant 0 : i32
      %dma_start3A_43 = tpu.memref_slice %arg15[%mul3A_3, %dma_start3A_42] : memref<10240x32xf32, #tpu.memory_space<vmem_shared>> -> memref<640x32xf32, #tpu.memory_space<vmem_shared>>
      tpu.enqueue_dma source(%dma_start3A_43 : memref<640x32xf32, #tpu.memory_space<vmem_shared>>) target(%dma_start3A_41 : memref<640x32xf32, #tpu.memory_space<hbm>>) target_semaphore(%run_scoped3A : memref<!tpu.dma_semaphore, #tpu.memory_space<semaphore_mem>>)
      %dma_wait3A_44 = arith.constant 0 : i32
      %dma_wait3A_45 = tpu.memref_slice %arg6[%arg0, %mul3A_3, %dma_wait3A_44] : memref<2x10240x32xf32, #tpu.memory_space<hbm>> -> memref<1x640x32xf32, #tpu.memory_space<hbm>>
      %dma_wait3A_46 = tpu.memref_squeeze %dma_wait3A_45 : memref<1x640x32xf32, #tpu.memory_space<hbm>> -> memref<640x32xf32, #tpu.memory_space<hbm>>
      %dma_wait3A_47 = arith.constant 0 : i32
      %dma_wait3A_48 = tpu.memref_slice %arg15[%mul3A_3, %dma_wait3A_47] : memref<10240x32xf32, #tpu.memory_space<vmem_shared>> -> memref<640x32xf32, #tpu.memory_space<vmem_shared>>
      tpu.wait_dma2 semaphore(%run_scoped3A : memref<!tpu.dma_semaphore, #tpu.memory_space<semaphore_mem>>) src(%dma_wait3A_48 : memref<640x32xf32, #tpu.memory_space<vmem_shared>>) dst(%dma_wait3A_46 : memref<640x32xf32, #tpu.memory_space<hbm>>)
      tpu.yield
    }) : () -> ()
    return
  }
}

module attributes {stable_mosaic.version = 14 : i64} {
  func.func @_tc1_body(%arg0: i32, %arg1: memref<1000x128xf32, #tpu.memory_space<vmem>>, %arg2: memref<128x128xf32, #tpu.memory_space<vmem>>, %arg3: memref<128x16xf32, #tpu.memory_space<vmem>>, %arg4: memref<1000x128xf32, #tpu.memory_space<vmem>>, %arg5: memref<1000x16xf32, #tpu.memory_space<vmem>>) attributes {dimension_semantics = [#tpu.dimension_semantics<arbitrary>], iteration_bounds = array<i64: 10>, scalar_prefetch = 0 : i64, scratch_operands = 0 : i64, tpu.core_type = #tpu.core_type<tc>, window_params = [{transform_indices = @transform_0, window_bounds = array<i64: 1000, 128>}, {pipeline_mode = #tpu.pipeline_mode<synchronous>, transform_indices = @transform_1, window_bounds = array<i64: 128, 128>}, {pipeline_mode = #tpu.pipeline_mode<synchronous>, transform_indices = @transform_2, window_bounds = array<i64: 128, 16>}, {transform_indices = @transform_3, window_bounds = array<i64: 1000, 128>}, {transform_indices = @transform_4, window_bounds = array<i64: 1000, 16>}]} {
    %get3A = arith.constant 0 : index
    %get3A_0 = arith.constant 0 : index
    %get3A_1 = vector.load %arg1[%get3A, %get3A_0] : memref<1000x128xf32, #tpu.memory_space<vmem>>, vector<1000x128xf32>
    %get3A_2 = arith.constant 0 : index
    %get3A_3 = arith.constant 0 : index
    %get3A_4 = vector.load %arg2[%get3A_2, %get3A_3] : memref<128x128xf32, #tpu.memory_space<vmem>>, vector<128x128xf32>
    %dot_general3A = arith.constant dense<0.000000e+00> : vector<1000x128xf32>
    %dot_general3A_5 = tpu.matmul %get3A_1, %get3A_4, %dot_general3A {dimension_numbers = #tpu.dot_dimension_numbers<[1], [0], [0], [1], [0, 0, 1, 1], [], []>, transpose_lhs_hint = false} : vector<1000x128xf32>, vector<128x128xf32>, vector<1000x128xf32> -> vector<1000x128xf32>
    %swap3A = arith.constant 0 : index
    %swap3A_6 = arith.constant 0 : index
    %swap3A_7 = vector.load %arg4[%swap3A, %swap3A_6] : memref<1000x128xf32, #tpu.memory_space<vmem>>, vector<1000x128xf32>
    tpu.vector_store %arg4[%swap3A, %swap3A_6], %dot_general3A_5 {strides = array<i32>} : memref<1000x128xf32, #tpu.memory_space<vmem>>, vector<1000x128xf32>,
    %get3A_8 = arith.constant 0 : index
    %get3A_9 = arith.constant 0 : index
    %get3A_10 = vector.load %arg3[%get3A_8, %get3A_9] : memref<128x16xf32, #tpu.memory_space<vmem>>, vector<128x16xf32>
    %dot_general3A_11 = arith.constant dense<0.000000e+00> : vector<1000x16xf32>
    %dot_general3A_12 = tpu.matmul %dot_general3A_5, %get3A_10, %dot_general3A_11 {dimension_numbers = #tpu.dot_dimension_numbers<[1], [0], [0], [1], [0, 0, 1, 1], [], []>, transpose_lhs_hint = false} : vector<1000x128xf32>, vector<128x16xf32>, vector<1000x16xf32> -> vector<1000x16xf32>
    %swap3A_13 = arith.constant 0 : index
    %swap3A_14 = arith.constant 0 : index
    %swap3A_15 = vector.load %arg5[%swap3A_13, %swap3A_14] : memref<1000x16xf32, #tpu.memory_space<vmem>>, vector<1000x16xf32>
    tpu.vector_store %arg5[%swap3A_13, %swap3A_14], %dot_general3A_12 {strides = array<i32>} : memref<1000x16xf32, #tpu.memory_space<vmem>>, vector<1000x16xf32>,
    return
  }
  func.func @transform_0(%arg0: i32) -> (i32, i32) {
    %c0_i32 = arith.constant 0 : i32
    %c0_i32_0 = arith.constant 0 : i32
    return %arg0, %c0_i32 : i32, i32
  }
  func.func @transform_1(%arg0: i32) -> (i32, i32) {
    %c0_i32 = arith.constant 0 : i32
    %c0_i32_0 = arith.constant 0 : i32
    %c0_i32_1 = arith.constant 0 : i32
    return %c0_i32, %c0_i32_0 : i32, i32
  }
  func.func @transform_2(%arg0: i32) -> (i32, i32) {
    %c0_i32 = arith.constant 0 : i32
    %c0_i32_0 = arith.constant 0 : i32
    %c0_i32_1 = arith.constant 0 : i32
    return %c0_i32, %c0_i32_0 : i32, i32
  }
  func.func @transform_3(%arg0: i32) -> (i32, i32) {
    %c0_i32 = arith.constant 0 : i32
    %c0_i32_0 = arith.constant 0 : i32
    return %arg0, %c0_i32 : i32, i32
  }
  func.func @transform_4(%arg0: i32) -> (i32, i32) {
    %c0_i32 = arith.constant 0 : i32
    %c0_i32_0 = arith.constant 0 : i32
    return %arg0, %c0_i32 : i32, i32
  }
}

module attributes {stable_mosaic.version = 14 : i64} {
  func.func @_tc2_body(%arg0: i32, %arg1: memref<1280x128xf32, #tpu.memory_space<vmem>>, %arg2: memref<1280x16xf32, #tpu.memory_space<vmem>>, %arg3: memref<128x16xf32, #tpu.memory_space<vmem>>, %arg4: memref<16x16xf32, #tpu.memory_space<vmem>>, %arg5: memref<1280x32xf32, #tpu.memory_space<vmem>>, %arg6: memref<1280x16xf32, #tpu.memory_space<vmem>>) attributes {dimension_semantics = [#tpu.dimension_semantics<arbitrary>], iteration_bounds = array<i64: 8>, scalar_prefetch = 0 : i64, scratch_operands = 0 : i64, tpu.core_type = #tpu.core_type<tc>, window_params = [{transform_indices = @transform_0, window_bounds = array<i64: 1280, 128>}, {transform_indices = @transform_1, window_bounds = array<i64: 1280, 16>}, {pipeline_mode = #tpu.pipeline_mode<synchronous>, transform_indices = @transform_2, window_bounds = array<i64: 128, 16>}, {pipeline_mode = #tpu.pipeline_mode<synchronous>, transform_indices = @transform_3, window_bounds = array<i64: 16, 16>}, {transform_indices = @transform_4, window_bounds = array<i64: 1280, 32>}, {transform_indices = @transform_5, window_bounds = array<i64: 1280, 16>}]} {
    %get3A = arith.constant 0 : index
    %get3A_0 = arith.constant 0 : index
    %get3A_1 = vector.load %arg1[%get3A, %get3A_0] : memref<1280x128xf32, #tpu.memory_space<vmem>>, vector<1280x128xf32>
    %get3A_2 = arith.constant 0 : index
    %get3A_3 = arith.constant 0 : index
    %get3A_4 = vector.load %arg2[%get3A_2, %get3A_3] : memref<1280x16xf32, #tpu.memory_space<vmem>>, vector<1280x16xf32>
    %slice3A = vector.extract_strided_slice %get3A_4 {offsets = [0, 0], sizes = [1280, 8], strides = [1, 1]} : vector<1280x16xf32> to vector<1280x8xf32>
    %iota3A = tpu.iota {dimensions = array<i32: 1>} : vector<8x128xi32>
    %jit3A = arith.constant 16 : i32
    %div3A = vector.broadcast %jit3A : i32 to vector<8x128xi32>
    %div3A_5 = arith.divsi %iota3A, %div3A : vector<8x128xi32>
    %sign3A = arith.constant 0 : i32
    %sign3A_6 = vector.broadcast %sign3A : i32 to vector<8x128xi32>
    %sign3A_7 = arith.cmpi sgt, %iota3A, %sign3A_6 : vector<8x128xi32>
    %sign3A_8 = arith.extui %sign3A_7 : vector<8x128xi1> to vector<8x128xi32>
    %sign3A_9 = arith.constant 0 : i32
    %sign3A_10 = vector.broadcast %sign3A_9 : i32 to vector<8x128xi32>
    %sign3A_11 = arith.cmpi slt, %iota3A, %sign3A_10 : vector<8x128xi32>
    %sign3A_12 = arith.extui %sign3A_11 : vector<8x128xi1> to vector<8x128xi32>
    %sign3A_13 = arith.subi %sign3A_8, %sign3A_12 : vector<8x128xi32>
    %sign3A_14 = arith.constant 0 : i32
    %sign3A_15 = arith.cmpi sgt, %jit3A, %sign3A_14 : i32
    %sign3A_16 = arith.extui %sign3A_15 : i1 to i32
    %sign3A_17 = arith.constant 0 : i32
    %sign3A_18 = arith.cmpi slt, %jit3A, %sign3A_17 : i32
    %sign3A_19 = arith.extui %sign3A_18 : i1 to i32
    %sign3A_20 = arith.subi %sign3A_16, %sign3A_19 : i32
    %ne3A = vector.broadcast %sign3A_20 : i32 to vector<8x128xi32>
    %ne3A_21 = arith.cmpi ne, %sign3A_13, %ne3A : vector<8x128xi32>
    %rem3A = vector.broadcast %jit3A : i32 to vector<8x128xi32>
    %rem3A_22 = arith.remsi %iota3A, %rem3A : vector<8x128xi32>
    %ne3A_23 = arith.constant 0 : i32
    %ne3A_24 = vector.broadcast %ne3A_23 : i32 to vector<8x128xi32>
    %ne3A_25 = arith.cmpi ne, %rem3A_22, %ne3A_24 : vector<8x128xi32>
    %and3A = arith.andi %ne3A_21, %ne3A_25 : vector<8x128xi1>
    %sub3A = arith.constant 1 : i32
    %sub3A_26 = vector.broadcast %sub3A : i32 to vector<8x128xi32>
    %sub3A_27 = arith.subi %div3A_5, %sub3A_26 : vector<8x128xi32>
    %select_n3A = arith.select %and3A, %sub3A_27, %div3A_5 : vector<8x128xi1>, vector<8x128xi32>
    %iota3A_28 = tpu.iota {dimensions = array<i32: 0>} : vector<8x128xi32>
    %eq3A = arith.cmpi eq, %select_n3A, %iota3A_28 : vector<8x128xi32>
    %jit3A_29 = arith.constant 1.000000e+00 : f32
    %jit3A_30 = arith.constant 0.000000e+00 : f32
    %broadcast_in_dim3A = vector.broadcast %jit3A_29 : f32 to vector<8x128xf32>
    %broadcast_in_dim3A_31 = vector.broadcast %jit3A_30 : f32 to vector<8x128xf32>
    %select_n3A_32 = arith.select %eq3A, %broadcast_in_dim3A, %broadcast_in_dim3A_31 : vector<8x128xi1>, vector<8x128xf32>
    %dot_general3A = arith.constant dense<0.000000e+00> : vector<1280x128xf32>
    %dot_general3A_33 = tpu.matmul %slice3A, %select_n3A_32, %dot_general3A {dimension_numbers = #tpu.dot_dimension_numbers<[1], [0], [0], [1], [0, 0, 1, 1], [], []>, transpose_lhs_hint = false} : vector<1280x8xf32>, vector<8x128xf32>, vector<1280x128xf32> -> vector<1280x128xf32>
    %add3A = arith.constant 1.000000e-16 : f32
    %add3A_34 = vector.broadcast %add3A : f32 to vector<1280x128xf32>
    %add3A_35 = arith.addf %dot_general3A_33, %add3A_34 : vector<1280x128xf32>
    %div3A_36 = arith.divf %get3A_1, %add3A_35 : vector<1280x128xf32>
    %gt3A = arith.constant 0.000000e+00 : f32
    %gt3A_37 = vector.broadcast %gt3A : f32 to vector<1280x128xf32>
    %gt3A_38 = arith.cmpf ogt, %div3A_36, %gt3A_37 : vector<1280x128xf32>
    %exp3A = math.exp %div3A_36 : vector<1280x128xf32>
    %sub3A_39 = arith.constant 1.000000e+00 : f32
    %sub3A_40 = vector.broadcast %sub3A_39 : f32 to vector<1280x128xf32>
    %sub3A_41 = arith.subf %exp3A, %sub3A_40 : vector<1280x128xf32>
    %select_n3A_42 = arith.select %gt3A_38, %div3A_36, %sub3A_41 : vector<1280x128xi1>, vector<1280x128xf32>
    %get3A_43 = arith.constant 0 : index
    %get3A_44 = arith.constant 0 : index
    %get3A_45 = vector.load %arg3[%get3A_43, %get3A_44] : memref<128x16xf32, #tpu.memory_space<vmem>>, vector<128x16xf32>
    %dot_general3A_46 = arith.constant dense<0.000000e+00> : vector<1280x16xf32>
    %dot_general3A_47 = tpu.matmul %select_n3A_42, %get3A_45, %dot_general3A_46 {dimension_numbers = #tpu.dot_dimension_numbers<[1], [0], [0], [1], [0, 0, 1, 1], [], []>, transpose_lhs_hint = false} : vector<1280x128xf32>, vector<128x16xf32>, vector<1280x16xf32> -> vector<1280x16xf32>
    %get3A_48 = arith.constant 0 : index
    %get3A_49 = arith.constant 0 : index
    %get3A_50 = vector.load %arg4[%get3A_48, %get3A_49] : memref<16x16xf32, #tpu.memory_space<vmem>>, vector<16x16xf32>
    %dot_general3A_51 = arith.constant dense<0.000000e+00> : vector<1280x16xf32>
    %dot_general3A_52 = tpu.matmul %dot_general3A_47, %get3A_50, %dot_general3A_51 {dimension_numbers = #tpu.dot_dimension_numbers<[1], [0], [0], [1], [0, 0, 1, 1], [], []>, transpose_lhs_hint = false} : vector<1280x16xf32>, vector<16x16xf32>, vector<1280x16xf32> -> vector<1280x16xf32>
    %slice3A_53 = vector.extract_strided_slice %dot_general3A_52 {offsets = [0, 0], sizes = [1280, 1], strides = [1, 1]} : vector<1280x16xf32> to vector<1280x1xf32>
    %broadcast_in_dim3A_54 = vector.shape_cast %slice3A_53 : vector<1280x1xf32> to vector<1280x1xf32>
    %broadcast_in_dim3A_55 = vector.broadcast %broadcast_in_dim3A_54 : vector<1280x1xf32> to vector<1280x16xf32>
    %slice3A_56 = vector.extract_strided_slice %dot_general3A_52 {offsets = [0, 1], sizes = [1280, 1], strides = [1, 1]} : vector<1280x16xf32> to vector<1280x1xf32>
    %broadcast_in_dim3A_57 = vector.shape_cast %slice3A_56 : vector<1280x1xf32> to vector<1280x1xf32>
    %broadcast_in_dim3A_58 = vector.broadcast %broadcast_in_dim3A_57 : vector<1280x1xf32> to vector<1280x16xf32>
    %concatenate3A = tpu.concatenate %dot_general3A_47, %broadcast_in_dim3A_55 in 1 : vector<1280x16xf32>, vector<1280x16xf32> -> vector<1280x32xf32>
    %swap3A = arith.constant 0 : index
    %swap3A_59 = arith.constant 0 : index
    %swap3A_60 = vector.load %arg5[%swap3A, %swap3A_59] : memref<1280x32xf32, #tpu.memory_space<vmem>>, vector<1280x32xf32>
    tpu.vector_store %arg5[%swap3A, %swap3A_59], %concatenate3A {strides = array<i32>} : memref<1280x32xf32, #tpu.memory_space<vmem>>, vector<1280x32xf32>,
    %swap3A_61 = arith.constant 0 : index
    %swap3A_62 = arith.constant 0 : index
    %swap3A_63 = vector.load %arg6[%swap3A_61, %swap3A_62] : memref<1280x16xf32, #tpu.memory_space<vmem>>, vector<1280x16xf32>
    tpu.vector_store %arg6[%swap3A_61, %swap3A_62], %broadcast_in_dim3A_58 {strides = array<i32>} : memref<1280x16xf32, #tpu.memory_space<vmem>>, vector<1280x16xf32>,
    return
  }
  func.func @transform_0(%arg0: i32) -> (i32, i32) {
    %c0_i32 = arith.constant 0 : i32
    %c0_i32_0 = arith.constant 0 : i32
    return %arg0, %c0_i32 : i32, i32
  }
  func.func @transform_1(%arg0: i32) -> (i32, i32) {
    %c0_i32 = arith.constant 0 : i32
    %c0_i32_0 = arith.constant 0 : i32
    return %arg0, %c0_i32 : i32, i32
  }
  func.func @transform_2(%arg0: i32) -> (i32, i32) {
    %c0_i32 = arith.constant 0 : i32
    %c0_i32_0 = arith.constant 0 : i32
    %c0_i32_1 = arith.constant 0 : i32
    return %c0_i32, %c0_i32_0 : i32, i32
  }
  func.func @transform_3(%arg0: i32) -> (i32, i32) {
    %c0_i32 = arith.constant 0 : i32
    %c0_i32_0 = arith.constant 0 : i32
    %c0_i32_1 = arith.constant 0 : i32
    return %c0_i32, %c0_i32_0 : i32, i32
  }
  func.func @transform_4(%arg0: i32) -> (i32, i32) {
    %c0_i32 = arith.constant 0 : i32
    %c0_i32_0 = arith.constant 0 : i32
    return %arg0, %c0_i32 : i32, i32
  }
  func.func @transform_5(%arg0: i32) -> (i32, i32) {
    %c0_i32 = arith.constant 0 : i32
    %c0_i32_0 = arith.constant 0 : i32
    return %arg0, %c0_i32 : i32, i32
  }
}

module attributes {stable_mosaic.version = 14 : i64} {
  func.func @_tc3_body(%arg0: i32, %arg1: memref<2x1280x32xf32, #tpu.memory_space<vmem>>, %arg2: memref<1280x16xf32, #tpu.memory_space<vmem>>) attributes {dimension_semantics = [#tpu.dimension_semantics<arbitrary>], iteration_bounds = array<i64: 8>, scalar_prefetch = 0 : i64, scratch_operands = 0 : i64, tpu.core_type = #tpu.core_type<tc>, window_params = [{transform_indices = @transform_0, window_bounds = array<i64: 2, 1280, 32>}, {transform_indices = @transform_1, window_bounds = array<i64: 1280, 16>}]} {
    %get3A = arith.constant 0 : index
    %get3A_0 = arith.constant 0 : index
    %get3A_1 = arith.constant 0 : index
    %get3A_2 = vector.load %arg1[%get3A, %get3A_0, %get3A_1] : memref<2x1280x32xf32, #tpu.memory_space<vmem>>, vector<1x1280x16xf32>
    %get3A_3 = vector.shape_cast %get3A_2 : vector<1x1280x16xf32> to vector<1280x16xf32>
    %get3A_4 = arith.constant 1 : index
    %get3A_5 = arith.constant 0 : index
    %get3A_6 = arith.constant 0 : index
    %get3A_7 = vector.load %arg1[%get3A_4, %get3A_5, %get3A_6] : memref<2x1280x32xf32, #tpu.memory_space<vmem>>, vector<1x1280x16xf32>
    %get3A_8 = vector.shape_cast %get3A_7 : vector<1x1280x16xf32> to vector<1280x16xf32>
    %add3A = arith.addf %get3A_3, %get3A_8 : vector<1280x16xf32>
    %get3A_9 = arith.constant 0 : index
    %get3A_10 = arith.constant 0 : index
    %get3A_11 = arith.constant 16 : index
    %get3A_12 = vector.load %arg1[%get3A_9, %get3A_10, %get3A_11] : memref<2x1280x32xf32, #tpu.memory_space<vmem>>, vector<1x1280x16xf32>
    %get3A_13 = vector.shape_cast %get3A_12 : vector<1x1280x16xf32> to vector<1280x16xf32>
    %get3A_14 = arith.constant 1 : index
    %get3A_15 = arith.constant 0 : index
    %get3A_16 = arith.constant 16 : index
    %get3A_17 = vector.load %arg1[%get3A_14, %get3A_15, %get3A_16] : memref<2x1280x32xf32, #tpu.memory_space<vmem>>, vector<1x1280x16xf32>
    %get3A_18 = vector.shape_cast %get3A_17 : vector<1x1280x16xf32> to vector<1280x16xf32>
    %add3A_19 = arith.addf %get3A_13, %get3A_18 : vector<1280x16xf32>
    %slice3A = vector.extract_strided_slice %add3A_19 {offsets = [0, 0], sizes = [1280, 1], strides = [1, 1]} : vector<1280x16xf32> to vector<1280x1xf32>
    %add3A_20 = arith.constant 1.000000e-16 : f32
    %add3A_21 = vector.broadcast %add3A_20 : f32 to vector<1280x1xf32>
    %add3A_22 = arith.addf %slice3A, %add3A_21 : vector<1280x1xf32>
    %div3A = vector.broadcast %add3A_22 : vector<1280x1xf32> to vector<1280x16xf32>
    %div3A_23 = arith.divf %add3A, %div3A : vector<1280x16xf32>
    %gt3A = arith.constant 0.000000e+00 : f32
    %gt3A_24 = vector.broadcast %gt3A : f32 to vector<1280x16xf32>
    %gt3A_25 = arith.cmpf ogt, %div3A_23, %gt3A_24 : vector<1280x16xf32>
    %exp3A = math.exp %div3A_23 : vector<1280x16xf32>
    %sub3A = arith.constant 1.000000e+00 : f32
    %sub3A_26 = vector.broadcast %sub3A : f32 to vector<1280x16xf32>
    %sub3A_27 = arith.subf %exp3A, %sub3A_26 : vector<1280x16xf32>
    %select_n3A = arith.select %gt3A_25, %div3A_23, %sub3A_27 : vector<1280x16xi1>, vector<1280x16xf32>
    %reduce_max3A = arith.constant dense<0xFF800000> : vector<1280xf32>
    %reduce_max3A_28 = vector.multi_reduction <maximumf>, %select_n3A, %reduce_max3A [1] : vector<1280x16xf32> to vector<1280xf32>
    %broadcast_in_dim3A = vector.shape_cast %reduce_max3A_28 : vector<1280xf32> to vector<1280x1xf32>
    %sub3A_29 = vector.broadcast %broadcast_in_dim3A : vector<1280x1xf32> to vector<1280x16xf32>
    %sub3A_30 = arith.subf %select_n3A, %sub3A_29 : vector<1280x16xf32>
    %exp3A_31 = math.exp %sub3A_30 : vector<1280x16xf32>
    %reduce_sum3A = arith.constant dense<0.000000e+00> : vector<1280xf32>
    %reduce_sum3A_32 = vector.multi_reduction <add>, %exp3A_31, %reduce_sum3A [1] : vector<1280x16xf32> to vector<1280xf32>
    %broadcast_in_dim3A_33 = vector.shape_cast %reduce_sum3A_32 : vector<1280xf32> to vector<1280x1xf32>
    %log3A = math.log %broadcast_in_dim3A_33 : vector<1280x1xf32>
    %sub3A_34 = vector.broadcast %log3A : vector<1280x1xf32> to vector<1280x16xf32>
    %sub3A_35 = arith.subf %sub3A_30, %sub3A_34 : vector<1280x16xf32>
    %swap3A = arith.constant 0 : index
    %swap3A_36 = arith.constant 0 : index
    %swap3A_37 = vector.load %arg2[%swap3A, %swap3A_36] : memref<1280x16xf32, #tpu.memory_space<vmem>>, vector<1280x16xf32>
    tpu.vector_store %arg2[%swap3A, %swap3A_36], %sub3A_35 {strides = array<i32>} : memref<1280x16xf32, #tpu.memory_space<vmem>>, vector<1280x16xf32>,
    return
  }
  func.func @transform_0(%arg0: i32) -> (i32, i32, i32) {
    %c0_i32 = arith.constant 0 : i32
    %c0_i32_0 = arith.constant 0 : i32
    %c0_i32_1 = arith.constant 0 : i32
    return %c0_i32, %arg0, %c0_i32_0 : i32, i32, i32
  }
  func.func @transform_1(%arg0: i32) -> (i32, i32) {
    %c0_i32 = arith.constant 0 : i32
    %c0_i32_0 = arith.constant 0 : i32
    return %arg0, %c0_i32 : i32, i32
  }
}

</mosaic_0001>

<sc_bundles>
// kernel: kernel.10.cloned.1.call-start
scs
__scs_entry_jumppad:
0x0: {  	(pc) =	sbr.rel $0x88, $3  }
0x1: {  	(tag) =	ssettag $0x0;
	lr =	simm.s32 $0x1  }
0x2: {  	[smem:$0x3F9B] =	sst lr;
	_ =	strace $0xD0000000  }
0x3: {  	_ = 	snop  }
0x4: {  	_ = 	snop  }
0x5: {  	_ = 	snop  }
0x6: {  	_ = 	snop  }
0x7: {  	_ = 	snop  }
__scs_overlays_trampoline_lowered:
0x8: {  	[smem:$0x3FAA] =	sst s0  }
0x9: {  	[smem:$0x3FAB] =	sst s1  }
0xa: {  	[smem:$0x3FAC] =	sst s2  }
0xb: {  	[smem:$0x3FAD] =	sst s3  }
0xc: {  	[smem:$0x3FAE] =	sst s4  }
0xd: {  	[smem:$0x3FAF] =	sst s5  }
0xe: {  	[smem:$0x3FB0] =	sst s6  }
0xf: {  	[smem:$0x3FB1] =	sst s7  }
0x10: {  	[smem:$0x3FB2] =	sst s8  }
0x11: {  	[smem:$0x3FB3] =	sst s9;
	s0 =	simm.s32 @!p0 $0x0  }
0x12: {  	s1 =	sld [smem:$0x3F99];
	s0 =	simm.s32 @p0 $0x1  }
0x13: {  	[smem:$0x3FB4] =	sst s0;
	s0 =	simm.s32 @!p1 $0x0  }
0x14: {  	s2 =	sld [smem:$0x3F98];
	s0 =	simm.s32 @p1 $0x1  }
0x15: {  	[smem:$0x3FB5] =	sst s0;
	s0 =	simm.s32 @!p2 $0x0  }
0x16: {  	s3 =	sld [smem:$0x3FDB];
	s0 =	simm.s32 @p2 $0x1  }
0x17: {  	s4 =	simm.s32 $0x1BF5;
	[smem:$0x3FB7] =	sst s0  }
0x18: {  	s0 =	sld [smem:$0x3F9A];
	_ =	swait.ge [sflag:s4], $0x0  }
0x19: {  	s7 =	sld [smem:$0x3F9B]  }
0x1a: {  	s8 =	sadd.s32 $0xFFFFE003, lr  }
0x1b: {  	s9 =	sadd.s32 $0xFFFFFEF7, lr;
	s5 =	simm.s32 $0xFFFFFFFF;
	p2 =	slt.u32 s8, $0xFFFFF086  }
0x1c: {  	p1 =	slt.u32 s9, $0xF7A;
	s5 =	simm.s32 @!p2 $0x0  }
0x1d: {  	s5 =	simm.s32 @p1 $0x1;
	p0 =	seq.s32 s7, s2  }
0x1e: {  	s7 =	smul.u32 @!p0 $0xF7A, s2;
	p2 =	seq.s32 @!p0 s5, $0x0  }
0x1f: {  	s9 =	smul.u32 $0xF7A, s1;
	s8 =	simm.s32 @!p0 $0x1BF5;
	p2 =	por !p2, p0  }
0x20: {  	[sflag:s8] =	ssyncset.s32 @!p0 $0xFFFFF086;
	s6 =	sadd.s32 @!p0 s3, s7;
	s7 =	simm.s32 @!p0 $0x108  }
0x21: {  	s3 =	sadd.s32 s3, s9;
	s6 =	sadd.s32 @!p0 $0x88, s6;
	s7 =	simm.s32 @p2 $0x1082  }
0x22: {  	[simem:s7], [sflag:s8] =	dma.local @!p0 [hbm:s6], $0xF7A  }
0x23: {  	s9 =	sor.u32 $0xD0000000, s2;
	s6 =	simm.s32 $0x108;
	_ =	swait.ge @!p0 [sflag:s8], $0x0  }
0x24: {  	s3 =	sadd.s32 $0x88, s3;
	s6 =	simm.s32 @!p1 $0x1082;
	[sflag:s4] =	ssyncset.s32 $0xFFFFF086  }
0x25: {  	[simem:s6], [sflag:s4] =	dma.local [hbm:s3], $0xF7A  }
0x26: {  	[smem:$0x3F9B] =	sst s1;
	(tag) =	ssettag s2;
	_ =	strace s9  }
0x27: {  	s1 =	sld [smem:$0x3FAB]  }
0x28: {  	s2 =	sld [smem:$0x3FAC]  }
0x29: {  	s4 =	sld [smem:$0x3FAE]  }
0x2a: {  	p0 =	seq.s32 s5, $0x0;
	s5 =	sld [smem:$0x3FAF]  }
0x2b: {  	s6 =	sld [smem:$0x3FB0]  }
0x2c: {  	s7 =	sld [smem:$0x3FB1]  }
0x2d: {  	s3 =	simm.s32 $0x108;
	s8 =	sld [smem:$0x3FB2]  }
0x2e: {  	s3 =	simm.s32 @!p0 $0x1082;
	s9 =	sld [smem:$0x3FB3]  }
0x2f: {  	lr =	sadd.s32 s0, s3;
	s0 =	sld [smem:$0x3FAA]  }
0x30: {  	s3 =	sld [smem:$0x3FAD]  }
0x31: {  	[smem:$0x3FB6] =	sst s10  }
0x32: {  	s10 =	sld [smem:$0x3FB4];
	_ =	sdelay $0x3  }
0x33: {  	p0 =	seq.s32 s10, $0x1;
	s10 =	sld [smem:$0x3FB6];
	_ =	sdelay $0x3  }
0x34: {  	[smem:$0x3FB6] =	sst s10  }
0x35: {  	s10 =	sld [smem:$0x3FB5];
	_ =	sdelay $0x3  }
0x36: {  	p1 =	seq.s32 s10, $0x1;
	s10 =	sld [smem:$0x3FB6];
	_ =	sdelay $0x3  }
0x37: {  	[smem:$0x3FB6] =	sst s10  }
0x38: {  	s10 =	sld [smem:$0x3FB7]  }
0x39: {  	_ = 	snop;
	(pc) =	sbr.ind lr, $3  }
0x3a: {  	_ = 	snop  }
0x3b: {  	_ = 	snop  }
0x3c: {  	p2 =	seq.s32 s10, $0x1;
	s10 =	sld [smem:$0x3FB6]  }
0x3d: {  	_ =	shalt  }
0x3e: {  	_ =	shalt  }
0x3f: {  	_ =	shalt  }
0x40: {  	_ =	shalt  }
0x41: {  	_ =	shalt  }
0x42: {  	_ =	shalt  }
0x43: {  	_ =	shalt  }
0x44: {  	_ =	shalt  }
0x45: {  	_ =	shalt  }
0x46: {  	_ =	shalt  }
0x47: {  	_ =	shalt  }
0x48: {  	_ =	shalt  }
0x49: {  	_ =	shalt  }
0x4a: {  	_ =	shalt  }
0x4b: {  	_ =	shalt  }
0x4c: {  	_ =	shalt  }
0x4d: {  	_ =	shalt  }
0x4e: {  	_ =	shalt  }
0x4f: {  	_ =	shalt  }
0x50: {  	_ =	shalt  }
0x51: {  	_ =	shalt  }
0x52: {  	_ =	shalt  }
0x53: {  	_ =	shalt  }
0x54: {  	_ =	shalt  }
0x55: {  	_ =	shalt  }
0x56: {  	_ =	shalt  }
0x57: {  	_ =	shalt  }
0x58: {  	_ =	shalt  }
0x59: {  	_ =	shalt  }
0x5a: {  	_ =	shalt  }
0x5b: {  	_ =	shalt  }
0x5c: {  	_ =	shalt  }
0x5d: {  	_ =	shalt  }
0x5e: {  	_ =	shalt  }
0x5f: {  	_ =	shalt  }
0x60: {  	_ =	shalt  }
0x61: {  	_ =	shalt  }
0x62: {  	_ =	shalt  }
0x63: {  	_ =	shalt  }
0x64: {  	_ =	shalt  }
0x65: {  	_ =	shalt  }
0x66: {  	_ =	shalt  }
0x67: {  	_ =	shalt  }
0x68: {  	_ =	shalt  }
0x69: {  	_ =	shalt  }
0x6a: {  	_ =	shalt  }
0x6b: {  	_ =	shalt  }
0x6c: {  	_ =	shalt  }
0x6d: {  	_ =	shalt  }
0x6e: {  	_ =	shalt  }
0x6f: {  	_ =	shalt  }
0x70: {  	_ =	shalt  }
0x71: {  	_ =	shalt  }
0x72: {  	_ =	shalt  }
0x73: {  	_ =	shalt  }
0x74: {  	_ =	shalt  }
0x75: {  	_ =	shalt  }
0x76: {  	_ =	shalt  }
0x77: {  	_ =	shalt  }
0x78: {  	_ =	shalt  }
0x79: {  	_ =	shalt  }
0x7a: {  	_ =	shalt  }
0x7b: {  	_ =	shalt  }
0x7c: {  	_ =	shalt  }
0x7d: {  	_ =	shalt  }
0x7e: {  	_ =	shalt  }
0x7f: {  	_ =	shalt  }
0x80: {  	_ =	shalt  }
0x81: {  	_ =	shalt  }
0x82: {  	_ =	shalt  }
0x83: {  	_ =	shalt  }
0x84: {  	_ =	shalt  }
0x85: {  	_ =	shalt  }
0x86: {  	_ =	shalt  }
0x87: {  	_ =	shalt  }
.Lfunc_end0:
.L_simem_size_0:
called_computation.1_lowered:
.L_overlay_start_0:
0x88: {  	s2 =	sld [smem:$0x3FD9]  }
0x89: {  	s3 =	sld [smem:$0x3FFE];
	_ =	sdelay $0x1  }
0x8a: {  	s1 =	srdreg.scid  }
0x8b: {  	s0 =	sand.u32 $0x1, s1  }
0x8c: {  	s16 =	sshll.u32 s0, $0xA;
	s2 =	sadd.s32 s3, s2  }
0x8d: {  	s2 =	sadd.s32 s2, s16  }
0x8e: {  	[smem:$0x3FC2] =	sst s2  }
0x8f: {  	_ = 	snop  }
0x90: {  	(tm) =	ssettm $0x1  }
0x91: {  	s17 =	sld [smem:$0x3FFB];
	_ =	sdelay $0x3  }
0x92: {  	_ =	strace s17  }
0x93: {  	s2 =	sld [smem:$0x3FFC];
	_ =	sdelay $0x3  }
0x94: {  	_ =	strace s2  }
0x95: {  	s2 =	sld [smem:$0x3FFD];
	_ =	sdelay $0x3  }
0x96: {  	_ =	strace s2  }
0x97: {  	_ =	strace $0x8FFFFFFF  }
0x98: {  	s18 =	sld [smem:$0x3FDB];
	_ =	sdelay $0x1  }
0x99: {  	s19 =	simm.s32 $_scs_section_size  }
0x9a: {  	s4 =	simm.s32 $_size__tile_overlayer_lowered;
	s5 =	simm.s32 $_tile_overlayer_lowered  }
0x9b: {  	s22 =	simm.s32 $0x1BFF;
	s21 =	sshll.u32 s5, $0x1;
	s2 =	sadd.s32 s19, s18  }
0x9c: {  	s6 =	simm.s32 $0x0;
	s20 =	sshll.u32 s4, $0x1;
	s4 =	sadd.s32 s21, s2  }
0x9d: {  	[timem:s6], [sflag:s22] =	dma.local [hbm:s4], s20  }
0x9e: {  	_ =	swait.ge [sflag:s22], s20  }
0x9f: {  	s3 =	ssub.s32 $0x0, s20;
	[sflag:s22] =	ssyncset.done $0x0  }
0xa0: {  	[sflag:s22] =	ssyncadd.s32 s3;
	_ =	sdelay $0x1  }
0xa1: {  	s23 =	simm.s32 $0x1B8B  }
0xa2: {  	_ =	swait.ge [sflag:s23], $0x1  }
0xa3: {  	[sflag:s23] =	ssyncset.done $0x0  }
0xa4: {  	s25 =	simm.s32 $0x1B8E;
	s24 =	sld [smem:$0x3FFE];
	[sflag:s23] =	ssyncadd.s32 $0xFFFFFFFF  }
0xa5: {  	s26 =	simm.s32 $execute0_lowered;
	[smem:$0x3FD2] =	sst s25  }
0xa6: {  	s4 =	sshll.u32 s26, $0x1;
	_ =	strace $0x80000049;
	[dreg:$0x1] =	wrdreg $0xFFFFFFFF  }
0xa7: {  	s28 =	simm.s32 $_size_execute0_lowered;
	s2 =	sadd.s32 s2, s4;
	[dreg:$0x0] =	wrdreg $0x0  }
0xa8: {  	s4 =	sshll.u32 s28, $0x1;
	[dreg:$0x2] =	wrdreg s2  }
0xa9: {  	[dreg:$0x3] =	wrdreg s4  }
0xaa: {  	[dreg:$0x4] =	wrdreg $0xC0  }
0xab: {  	_ =	task [dreg:s6], $0x5FFFF  }
0xac: {  	[dreg:$0x1] =	wrdreg $0xFFFFFFFF  }
0xad: {  	[dreg:$0x0] =	wrdreg $0x60  }
0xae: {  	[dreg:$0x2] =	wrdreg s24  }
0xaf: {  	[dreg:$0x3] =	wrdreg $0x32000  }
0xb0: {  	[dreg:$0x4] =	wrdreg $0x9  }
0xb1: {  	_ =	task.clear_ibuf [dreg:s6], $0x5FFFF;
	_ =	strace $0x90000049  }
0xb2: {  	s29 =	simm.s32 $0x9;
	_ =	strace $0x8000004B  }
0xb3: {  	_ =	swait.ge [sflag:s29], $0x1  }
0xb4: {  	[sflag:s29] =	ssyncadd.s32 $0xFFFFFFFF  }
0xb5: {  	_ =	strace $0x9000004B  }
0xb6: {  	_ =	sfence  }
0xb7: {  	s30 =	sld [smem:$0x0];
	_ =	sdelay $0x2  }
0xb8: {  	s31 =	sshll.u32 s1, $0xD;
	s1 =	sshrl.u32 s1, $0x2  }
0xb9: {  	s3 =	sand.u32 $0x4000, s31;
	s1 =	sadd.s32 s1, s30  }
0xba: {  	s0 =	sor.u32 s3, s0;
	s1 =	sshll.u32 s1, $0x11  }
0xbb: {  	s0 =	sor.u32 s1, s0  }
0xbc: {  	s0 =	sadd.s32 $0x8F2B, s0  }
0xbd: {  	[sflag:s0] =	ssyncadd.remote.s32 $0x1  }
0xbe: {  	_ =	sfence.sel $0xFFFF  }
0xbf: {  	[dreg:$0x0] =	wrdreg $0xFFFFFFFF;
	(pc) =	sbr.abs _section_cstart, $3  }
0xc0: {  	[dreg:$0x1] =	wrdreg $0xFFFFFFFF  }
0xc1: {  	_ =	task.clear_ibuf [dreg:s6], $0x2FFFF;
	_ =	strace $0x9FFFFFFF  }
0xc2: {  	(tm) =	ssettm $0x7FFFFFFF  }
0xc3: {  	_ =	shalt  }
tec
execute0_lowered:
.L_overlay_start_1:
0x0: {  	(tag) =	ssettag $0x1  }
0x1: {  	s0 =	rddreg [dreg:$0x0]  }
0x2: {  	s2 =	rddreg [dreg:$0x1]  }
0x3: {  	s3 =	simm.s32 $0x0;
	s1 =	srdreg.scid;
	s13 =	stileid.u32  }
0x4: {  	s18 =	simm.s32 $0x200;
	s19 =	simm.s32 $0x5;
	s20 =	simm.s32 $0x80  }
0x5: {  	s28 =	simm.s32 $0x2A00;
	s29 =	simm.s32 $0x3;
	s30 =	simm.s32 $0x4  }
0x6: {  	s31 =	simm.s32 $0x0;
	[smem:$0x7FF] =	sst s3;
	s1 =	sand.u32 $0x1, s1  }
0x7: {  	s9 =	smul.u32 $0x5000, s13;
	s4 =	sadd.s32 $0xA00, s0;
	s5 =	sadd.s32 $0xAA00, s0  }
0x8: {  	s6 =	sadd.s32 $0x40600, s0;
	s7 =	sadd.s32 $0x36800, s0;
	s10 =	smul.u32 $0x14000, s13  }
0x9: {  	s8 =	smul.u32 $0x50000, s1;
	s11 =	sshll.u32 s1, $0x4;
	s1 =	ssub.s32 $0x2, s1  }
0xa: {  	_ =	strace $0x8000004A;
	s21 =	sor.u32 s13, s11;
	s22 =	sshrl.u32 s1, $0x1  }
0xb: {  	s10 =	sshrl.u32 s10, $0x2;
	s8 =	sadd.s32 s9, s8;
	s1 =	ssub.s32 s1, s22  }
0xc: {  	s10 =	sadd.s32 s10, s2;
	s9 =	sadd.s32 s9, s2;
	s22 =	simm.s32 $0x180  }
0xd: {  	s12 =	sshrl.u32 s8, $0x3;
	s8 =	smul.u32 $0x2780, s21;
	s23 =	sadd.s32 $0x1000, s10  }
0xe: {  	s25 =	sadd.s32 $0x2000, s10;
	s26 =	sadd.s32 $0x3000, s10;
	[dreg:$0x3] =	wrdreg s23  }
0xf: {  	s13 =	sadd.s32 $0x4000, s10;
	s17 =	smax.u32 s1, $0x1;
	[dreg:$0x4] =	wrdreg s25  }
0x10: {  	s21 =	simm.s32 $0x100;
	s0 =	sadd.s32 s12, s0;
	[dreg:$0x5] =	wrdreg s26  }
0x11: {  	s23 =	simm.s32 $0x1;
	s25 =	simm.s32 $0x2;
	s24 =	sshrl.u32 s8, $0x3  }
0x12: {  	s26 =	simm.s32 $0x1200;
	s16 =	sadd.s32 $0xFA00, s0;
	s11 =	sadd.s32 $0x4E0, s24  }
0x13: {  	v0 =	vimm.f32 $0.0e+00;
	s24 =	simm.s32 $0x2200;
	s14 =	sadd.s32 s6, s11;
	s15 =	sadd.s32 s7, s11  }
.LBB2_1:
0x14: {  	s0 =	simm.s32 $0x280  }
0x15: {  	[tilespmem:s0+$0xFFFFFF80] =	vst v0  }
0x16: {  	[tilespmem:s0+$0x70] =	vst v0  }
0x17: {  	[tilespmem:s0+$0x60] =	vst v0  }
0x18: {  	[tilespmem:s0+$0x50] =	vst v0  }
0x19: {  	[tilespmem:s0+$0x40] =	vst v0  }
0x1a: {  	[tilespmem:s0+$0x30] =	vst v0  }
0x1b: {  	[tilespmem:s0+$0x20] =	vst v0  }
0x1c: {  	[tilespmem:s0+$0x10] =	vst v0  }
0x1d: {  	[tilespmem:s0+$0x0] =	vst v0  }
0x1e: {  	[tilespmem:s0+$0xFFFFFFF0] =	vst v0  }
0x1f: {  	[tilespmem:s0+$0xFFFFFFE0] =	vst v0  }
0x20: {  	[tilespmem:s0+$0xFFFFFFD0] =	vst v0  }
0x21: {  	[tilespmem:s0+$0xFFFFFFC0] =	vst v0  }
0x22: {  	[tilespmem:s0+$0xFFFFFFB0] =	vst v0  }
0x23: {  	s1 =	simm.s32 $0x0;
	[tilespmem:s0+$0xFFFFFFA0] =	vst v0  }
.LBB2_2:
0x24: {  	s1 =	sadd.s32 $0x8, s1;
	[tilespmem:s0+$0xFFFFFF90] =	vst v0;
	s0 =	sadd.s32 $0x100, s0  }
0x25: {  	[tilespmem:s0+$0xFFFFFF80] =	vst v0;
	p0 =	slt.u32 s1, $0x78  }
0x26: {  	[tilespmem:s0+$0x70] =	vst v0  }
0x27: {  	[tilespmem:s0+$0x60] =	vst v0  }
0x28: {  	[tilespmem:s0+$0x50] =	vst v0  }
0x29: {  	[tilespmem:s0+$0x40] =	vst v0  }
0x2a: {  	[tilespmem:s0+$0x30] =	vst v0  }
0x2b: {  	[tilespmem:s0+$0x20] =	vst v0  }
0x2c: {  	[tilespmem:s0+$0x10] =	vst v0  }
0x2d: {  	[tilespmem:s0+$0x0] =	vst v0  }
0x2e: {  	[tilespmem:s0+$0xFFFFFFF0] =	vst v0  }
.Ltmp0:
0x2f: {  	[tilespmem:s0+$0xFFFFFFE0] =	vst v0;
	(pc) =	sbr.rel @p0 .LBB2_2-.Ltmp0, $4  }
0x30: {  	[tilespmem:s0+$0xFFFFFFD0] =	vst v0  }
0x31: {  	[tilespmem:s0+$0xFFFFFFC0] =	vst v0  }
0x32: {  	[tilespmem:s0+$0xFFFFFFB0] =	vst v0  }
0x33: {  	[tilespmem:s0+$0xFFFFFFA0] =	vst v0  }
0x34: {  	[tilespmem:s0+$0xFFFFFF90] =	vst v0  }
0x35: {  	[spmem:s9] =	stream.linear.scatter [tilespmem:s18], [sflag:$0x5], $0x1000, $0x38;
	[tilespmem:$0x8200] =	vst v63  }
0x36: {  	_ =	swait.ge [sflag:s19], $0x1000  }
0x37: {  	[sflag:s19] =	ssyncset.done $0x0  }
0x38: {  	s10 =	rddreg [dreg:$0x3];
	[sflag:s19] =	ssyncadd.s32 $0xFFFFF000  }
0x39: {  	[spmem:s10] =	stream.linear.scatter [tilespmem:s18], [sflag:$0x5], $0x1000, $0x38;
	[tilespmem:$0x8200] =	vst v63  }
0x3a: {  	_ =	swait.ge [sflag:s19], $0x1000  }
0x3b: {  	[sflag:s19] =	ssyncset.done $0x0  }
0x3c: {  	s11 =	rddreg [dreg:$0x4];
	[sflag:s19] =	ssyncadd.s32 $0xFFFFF000  }
0x3d: {  	[spmem:s11] =	stream.linear.scatter [tilespmem:s18], [sflag:$0x5], $0x1000, $0x38;
	[tilespmem:$0x8200] =	vst v63  }
0x3e: {  	_ =	swait.ge [sflag:s19], $0x1000  }
0x3f: {  	[sflag:s19] =	ssyncset.done $0x0  }
0x40: {  	s12 =	rddreg [dreg:$0x5];
	[sflag:s19] =	ssyncadd.s32 $0xFFFFF000  }
0x41: {  	[spmem:s12] =	stream.linear.scatter [tilespmem:s18], [sflag:$0x5], $0x1000, $0x38;
	[tilespmem:$0x8200] =	vst v63  }
0x42: {  	_ =	swait.ge [sflag:s19], $0x1000  }
0x43: {  	[sflag:s19] =	ssyncset.done $0x0  }
0x44: {  	[sflag:s19] =	ssyncadd.s32 $0xFFFFF000  }
0x45: {  	[spmem:s13] =	stream.linear.scatter [tilespmem:s18], [sflag:$0x5], $0x1000, $0x38;
	[tilespmem:$0x8200] =	vst v63  }
0x46: {  	_ =	swait.ge [sflag:s19], $0x1000  }
0x47: {  	[sflag:s19] =	ssyncset.done $0x0  }
0x48: {  	[sflag:s19] =	ssyncadd.s32 $0xFFFFF000  }
0x49: {  	s0 =	simm.s32 $0x0;
	[bflag:$0x0] =	sbarrier.arrive $0xFFFF  }
.LBB2_4:
0x4a: {  	s1 =	sshll.u32 s0, $0x8  }
0x4b: {  	s1 =	sadd.s32 s8, s1  }
0x4c: {  	s1 =	sshrl.u32 s1, $0x3  }
0x4d: {  	s10 =	sadd.s32 s6, s1  }
0x4e: {  	[tilespmem:s3], [sflag:$0x1] =	stream.linear.gather [hbm4b:s10+s3], $0x80, $0x38;
	[tilespmem:$0x8200] =	vst v63  }
0x4f: {  	s11 =	sadd.s32 s7, s1;
	s1 =	sadd.s32 $0x10, s1  }
0x50: {  	[tilespmem:s20], [sflag:$0x1] =	stream.linear.gather [hbm4b:s11+s3], $0x80, $0x38;
	[tilespmem:$0x8200] =	vst v63  }
0x51: {  	s12 =	sadd.s32 s6, s1  }
0x52: {  	[tilespmem:s21], [sflag:$0x2] =	stream.linear.gather [hbm4b:s12+s3], $0x80, $0x38;
	[tilespmem:$0x8200] =	vst v63  }
0x53: {  	s1 =	sadd.s32 s7, s1  }
0x54: {  	[tilespmem:s22], [sflag:$0x2] =	stream.linear.gather [hbm4b:s1+s3], $0x80, $0x38;
	[tilespmem:$0x8200] =	vst v63  }
0x55: {  	_ =	swait.ge [sflag:s23], $0x80  }
0x56: {  	[sflag:s23] =	ssyncset.done $0x0  }
0x57: {  	[sflag:s23] =	ssyncadd.s32 $0xFFFFFF80  }
0x58: {  	_ =	swait.ge [sflag:s23], $0x80  }
0x59: {  	[sflag:s23] =	ssyncset.done $0x0  }
0x5a: {  	[sflag:s23] =	ssyncadd.s32 $0xFFFFFF80  }
0x5b: {  	[tilespmem:s18], [sflag:$0x3] =	stream.indirect.gather [hbm4b:s4+s20], $0x20, s3, s20, $0xb8;
	[tilespmem:$0x8200] =	vst v63  }
0x5c: {  	_ = 	snop  }
0x5d: {  	[tilespmem:s24], [sflag:$0x3] =	stream.indirect.gather [hbm4b:s5+s20], $0x10, s20, s20, $0xb8;
	[tilespmem:$0x8200] =	vst v63  }
0x5e: {  	_ =	swait.ge [sflag:s25], $0x80  }
0x5f: {  	[sflag:s25] =	ssyncset.done $0x0  }
0x60: {  	[sflag:s25] =	ssyncadd.s32 $0xFFFFFF80  }
0x61: {  	_ =	swait.ge [sflag:s25], $0x80  }
0x62: {  	[sflag:s25] =	ssyncset.done $0x0  }
0x63: {  	[sflag:s25] =	ssyncadd.s32 $0xFFFFFF80  }
0x64: {  	[tilespmem:s26], [sflag:$0x4] =	stream.indirect.gather [hbm4b:s4+s20], $0x20, s21, s20, $0xb8;
	[tilespmem:$0x8200] =	vst v63  }
0x65: {  	_ = 	snop  }
0x66: {  	[tilespmem:s28], [sflag:$0x4] =	stream.indirect.gather [hbm4b:s5+s20], $0x10, s22, s20, $0xb8;
	[tilespmem:$0x8200] =	vst v63  }
0x67: {  	_ =	swait.ge [sflag:s29], $0x1000  }
0x68: {  	[sflag:s29] =	ssyncset.done $0x0  }
0x69: {  	[sflag:s29] =	ssyncadd.s32 $0xFFFFF000  }
0x6a: {  	_ =	swait.ge [sflag:s29], $0x800  }
0x6b: {  	[sflag:s29] =	ssyncset.done $0x0  }
0x6c: {  	s1 =	simm.s32 $0x280;
	[sflag:s29] =	ssyncadd.s32 $0xFFFFF800  }
0x6d: {  	s10 =	simm.s32 $0x2240;
	v1 =	vld [tilespmem:s1+$0x70]  }
0x6e: {  	v2 =	vld [tilespmem:s10+$0x30]  }
0x6f: {  	v4 =	vld [tilespmem:s10+$0xFFFFFFC0]  }
0x70: {  	v3 =	vld [tilespmem:s1+$0xFFFFFFB0]  }
0x71: {  	v5 =	vld [tilespmem:s10+$0xFFFFFFD0]  }
0x72: {  	v6 =	vld [tilespmem:s1+$0xFFFFFFD0]  }
0x73: {  	v7 =	vld [tilespmem:s10+$0xFFFFFFE0];
	v1 =	vadd.f32 v2, v1  }
0x74: {  	v8 =	vld [tilespmem:s10+$0xFFFFFFF0]  }
0x75: {  	v2 =	vld [tilespmem:s1+$0xFFFFFFF0];
	v9 =	vmul.f32 $2.000000030e-01, v1  }
0x76: {  	v10 =	vld [tilespmem:s1+$0x10]  }
0x77: {  	v3 =	vadd.f32 v5, v3;
	v5 =	vld [tilespmem:s10+$0x0];
	v1 =	vmax.f32 v1, v9  }
0x78: {  	v11 =	vld [tilespmem:s10+$0x10];
	v6 =	vadd.f32 v7, v6;
	v1 =	vmul.f32 $1.442695020e+00, v1  }
0x79: {  	v7 =	vld [tilespmem:s1+$0x30];
	v9 =	vmul.f32 $2.000000030e-01, v3  }
0x7a: {  	v12 =	vmul.f32 $2.000000030e-01, v6;
	v2 =	vadd.f32 v8, v2;
	v8 =	vld [tilespmem:s1+$0x50];
	(erf) = vpow2.f32 v1  }
0x7b: {  	v3 =	vmax.f32 v3, v9;
	v9 =	vld [tilespmem:s10+$0x20]  }
0x7c: {  	v13 =	vld [tilespmem:s1+$0xFFFFFF90];
	v6 =	vmax.f32 v6, v12;
	v10 =	vadd.f32 v5, v10;
	v12 =	vmul.f32 $2.000000030e-01, v2  }
0x7d: {  	v14 =	vld [tilespmem:s1+$0x60];
	v6 =	vmul.f32 $1.442695020e+00, v6;
	v5 =	vmul.f32 $1.442695020e+00, v3  }
0x7e: {  	v11 =	vadd.f32 v11, v7;
	v7 =	vld [tilespmem:s1+$0xFFFFFFE0];
	v2 =	vmax.f32 v2, v12;
	v12 =	vmul.f32 $2.000000030e-01, v10  }
0x7f: {  	v1 =	vld [tilespmem:s1+$0xFFFFFF80];
	(erf) = vpow2.f32 v5;
	v2 =	vmul.f32 $1.442695020e+00, v2  }
0x80: {  	v3 =	vld [tilespmem:s1+$0xFFFFFFA0];
	v10 =	vmax.f32 v10, v12;
	v12 =	vmul.f32 $2.000000030e-01, v11;
	v15 =	vadd.f32 v9, v8  }
0x81: {  	v5 =	vld [tilespmem:s1+$0xFFFFFFC0];
	(erf) = vpow2.f32 v6;
	v8 =	vadd.f32 v4, v13;
	v13 =	vmul.f32 $1.442695020e+00, v10  }
0x82: {  	v4 =	vld [tilespmem:s1+$0x0];
	(erf) = vpow2.f32 v2;
	v6 =	vmax.f32 v11, v12;
	v10 =	vmul.f32 $2.000000030e-01, v15  }
0x83: {  	v2 =	vld [tilespmem:s1+$0x40];
	v11 =	vmul.f32 $2.000000030e-01, v8;
	v9 =	vmul.f32 $1.442695020e+00, v6;
	v16 =	vpop (erf)  }
0x84: {  	s11 =	simm.s32 $0x0;
	s12 =	simm.s32 $0x380;
	v6 =	vld [tilespmem:s1+$0x20];
	v12 =	vmax.f32 v15, v10;
	(erf) = vpow2.f32 v13;
	v10 =	vmul.f32 v16, v14;
	[tilespmem:s1+$0x70] =	vst v16  }
.LBB2_5:
0x85: {  	v13 =	vld [tilespmem:s12+$0x70];
	v8 =	vmax.f32 v8, v11;
	v11 =	vmul.f32 $1.442695020e+00, v12;
	s10 =	sadd.s32 $0x80, s10;
	(erf) = vpow2.f32 v9  }
0x86: {  	s11 =	sadd.s32 $0x8, s11;
	v9 =	vld [tilespmem:s10+$0x30];
	v12 =	vmul.f32 $1.442695020e+00, v8;
	[tilespmem:s1+$0x60] =	vst v10  }
0x87: {  	p0 =	slt.u32 s11, $0x78;
	v10 =	vld [tilespmem:s10+$0xFFFFFFC0];
	(erf) = vpow2.f32 v11  }
0x88: {  	v11 =	vld [tilespmem:s12+$0xFFFFFFB0];
	(erf) = vpow2.f32 v12;
	v8 =	vpop (erf)  }
0x89: {  	v12 =	vld [tilespmem:s10+$0xFFFFFFD0];
	v3 =	vmul.f32 v8, v3;
	[tilespmem:s1+$0xFFFFFFB0] =	vst v8  }
0x8a: {  	v8 =	vld [tilespmem:s12+$0xFFFFFFD0];
	v14 =	vpop (erf)  }
0x8b: {  	v15 =	vld [tilespmem:s10+$0xFFFFFFE0];
	v9 =	vadd.f32 v9, v13;
	[tilespmem:s1+$0xFFFFFFA0] =	vst v3;
	v17 =	vmul.f32 v14, v5;
	v5 =	vpop (erf)  }
0x8c: {  	v13 =	vld [tilespmem:s12+$0xFFFFFFF0];
	[tilespmem:s1+$0xFFFFFFD0] =	vst v14;
	v18 =	vmul.f32 v5, v7  }
0x8d: {  	v14 =	vld [tilespmem:s10+$0xFFFFFFF0];
	v16 =	vmul.f32 $2.000000030e-01, v9;
	[tilespmem:s1+$0xFFFFFFC0] =	vst v17;
	v3 =	vpop (erf)  }
0x8e: {  	v11 =	vadd.f32 v12, v11;
	v12 =	vld [tilespmem:s12+$0x10];
	[tilespmem:s1+$0xFFFFFFE0] =	vst v18;
	v18 =	vmul.f32 v3, v4;
	v7 =	vpop (erf)  }
0x8f: {  	v17 =	vld [tilespmem:s10+$0x0];
	v9 =	vmax.f32 v9, v16;
	[tilespmem:s1+$0xFFFFFFF0] =	vst v5;
	v19 =	vmul.f32 v7, v6  }
0x90: {  	v6 =	vmul.f32 $2.000000030e-01, v11;
	v8 =	vadd.f32 v15, v8;
	v15 =	vld [tilespmem:s12+$0x30];
	v9 =	vmul.f32 $1.442695020e+00, v9;
	[tilespmem:s1+$0x0] =	vst v18;
	v4 =	vpop (erf)  }
0x91: {  	v16 =	vld [tilespmem:s10+$0x10];
	[tilespmem:s1+$0x20] =	vst v19;
	v2 =	vmul.f32 v4, v2;
	v5 =	vpop (erf)  }
0x92: {  	v18 =	vmul.f32 $2.000000030e-01, v8;
	v13 =	vadd.f32 v14, v13;
	v14 =	vld [tilespmem:s12+$0x50];
	(erf) = vpow2.f32 v9;
	[tilespmem:s1+$0xFFFFFF90] =	vst v5  }
0x93: {  	v6 =	vmax.f32 v11, v6;
	v5 =	vmul.f32 v5, v1;
	v9 =	vld [tilespmem:s10+$0x20];
	[tilespmem:s1+$0x40] =	vst v2  }
0x94: {  	v2 =	vld [tilespmem:s12+$0xFFFFFF90];
	v8 =	vmax.f32 v8, v18;
	v11 =	vmul.f32 $2.000000030e-01, v13;
	v12 =	vadd.f32 v17, v12;
	[tilespmem:s1+$0x10] =	vst v3  }
0x95: {  	v6 =	vmul.f32 $1.442695020e+00, v6;
	v1 =	vld [tilespmem:s12+$0xFFFFFF80];
	v17 =	vmul.f32 $1.442695020e+00, v8;
	[tilespmem:s1+$0xFFFFFF80] =	vst v5  }
0x96: {  	v3 =	vld [tilespmem:s12+$0xFFFFFFA0];
	v5 =	vmax.f32 v13, v11;
	v8 =	vmul.f32 $2.000000030e-01, v12;
	v11 =	vadd.f32 v16, v15;
	[tilespmem:s1+$0x30] =	vst v7  }
0x97: {  	v13 =	vmul.f32 $1.442695020e+00, v5;
	v15 =	vld [tilespmem:s12+$0x60];
	(erf) = vpow2.f32 v6;
	[tilespmem:s1+$0x50] =	vst v4;
	s1 =	smov.u32 s12  }
.Ltmp1:
0x98: {  	v5 =	vld [tilespmem:s12+$0xFFFFFFC0];
	v4 =	vmax.f32 v12, v8;
	v6 =	vmul.f32 $2.000000030e-01, v11;
	v12 =	vadd.f32 v9, v14;
	(pc) =	sbr.rel @p0 .LBB2_5-.Ltmp1, $4  }
0x99: {  	v8 =	vadd.f32 v10, v2;
	v7 =	vld [tilespmem:s12+$0xFFFFFFE0];
	v14 =	vmul.f32 $1.442695020e+00, v4;
	(erf) = vpow2.f32 v17  }
0x9a: {  	v4 =	vld [tilespmem:s12+$0x0];
	v2 =	vmax.f32 v11, v6;
	v10 =	vmul.f32 $2.000000030e-01, v12;
	(erf) = vpow2.f32 v13  }
0x9b: {  	v11 =	vmul.f32 $2.000000030e-01, v8;
	v9 =	vmul.f32 $1.442695020e+00, v2;
	v6 =	vld [tilespmem:s12+$0x20];
	v13 =	vpop (erf)  }
0x9c: {  	s12 =	sadd.s32 $0x100, s12;
	v12 =	vmax.f32 v12, v10;
	v2 =	vld [tilespmem:s1+$0x40];
	v10 =	vmul.f32 v13, v15;
	[tilespmem:s1+$0x70] =	vst v13;
	(erf) = vpow2.f32 v14  }
0x9d: {  	v8 =	vmax.f32 v8, v11  }
0x9e: {  	v8 =	vmul.f32 $1.442695020e+00, v8  }
0x9f: {  	v11 =	vmul.f32 $1.442695020e+00, v12  }
0xa0: {  	(erf) = vpow2.f32 v9  }
0xa1: {  	(erf) = vpow2.f32 v11  }
0xa2: {  	(erf) = vpow2.f32 v8;
	v8 =	vpop (erf)  }
0xa3: {  	v3 =	vmul.f32 v8, v3  }
0xa4: {  	[tilespmem:s1+$0xFFFFFFB0] =	vst v8;
	v8 =	vpop (erf)  }
0xa5: {  	[tilespmem:s1+$0xFFFFFFA0] =	vst v3;
	v3 =	vmul.f32 v8, v5;
	v5 =	vpop (erf)  }
0xa6: {  	[tilespmem:s1+$0x60] =	vst v10;
	v7 =	vmul.f32 v5, v7  }
0xa7: {  	[tilespmem:s1+$0xFFFFFFD0] =	vst v8  }
0xa8: {  	[tilespmem:s1+$0xFFFFFFF0] =	vst v5  }
0xa9: {  	[tilespmem:s1+$0xFFFFFFC0] =	vst v3;
	v3 =	vpop (erf)  }
0xaa: {  	[tilespmem:s1+$0xFFFFFFE0] =	vst v7;
	v4 =	vmul.f32 v3, v4;
	v7 =	vpop (erf)  }
0xab: {  	[tilespmem:s1+$0x10] =	vst v3;
	v5 =	vmul.f32 v7, v6  }
0xac: {  	[tilespmem:s1+$0x30] =	vst v7  }
0xad: {  	[tilespmem:s1+$0x0] =	vst v4  }
0xae: {  	[tilespmem:s1+$0x20] =	vst v5;
	v4 =	vpop (erf)  }
0xaf: {  	v2 =	vmul.f32 v4, v2;
	v5 =	vpop (erf);
	[tilespmem:s1+$0x50] =	vst v4  }
0xb0: {  	[tilespmem:s1+$0xFFFFFF90] =	vst v5;
	v1 =	vmul.f32 v5, v1  }
0xb1: {  	[tilespmem:s1+$0x40] =	vst v2  }
0xb2: {  	[tilespmem:s1+$0xFFFFFF80] =	vst v1  }
0xb3: {  	[spmem:s2] =	stream.indirect.scatter.add.f32 [tilespmem:s18], [sflag:$0x5], $0x20, s20, s20, $0xb8;
	[tilespmem:$0x8200] =	vst v63  }
0xb4: {  	_ =	swait.ge [sflag:s19], $0x1000  }
0xb5: {  	[sflag:s19] =	ssyncset.done $0x0  }
0xb6: {  	[sflag:s19] =	ssyncadd.s32 $0xFFFFF000  }
0xb7: {  	_ =	swait.ge [sflag:s30], $0x1000  }
0xb8: {  	[sflag:s30] =	ssyncset.done $0x0  }
0xb9: {  	[sflag:s30] =	ssyncadd.s32 $0xFFFFF000  }
0xba: {  	_ =	swait.ge [sflag:s30], $0x800  }
0xbb: {  	[sflag:s30] =	ssyncset.done $0x0  }
0xbc: {  	s1 =	simm.s32 $0x1280;
	[sflag:s30] =	ssyncadd.s32 $0xFFFFF800  }
0xbd: {  	s10 =	simm.s32 $0x2A40;
	v1 =	vld [tilespmem:s1+$0x70]  }
0xbe: {  	v2 =	vld [tilespmem:s10+$0x30]  }
0xbf: {  	v4 =	vld [tilespmem:s10+$0xFFFFFFC0]  }
0xc0: {  	v3 =	vld [tilespmem:s1+$0xFFFFFFB0]  }
0xc1: {  	v5 =	vld [tilespmem:s10+$0xFFFFFFD0]  }
0xc2: {  	v6 =	vld [tilespmem:s1+$0xFFFFFFD0]  }
0xc3: {  	v7 =	vld [tilespmem:s10+$0xFFFFFFE0];
	v1 =	vadd.f32 v2, v1  }
0xc4: {  	v8 =	vld [tilespmem:s10+$0xFFFFFFF0]  }
0xc5: {  	v2 =	vld [tilespmem:s1+$0xFFFFFFF0];
	v9 =	vmul.f32 $2.000000030e-01, v1  }
0xc6: {  	v10 =	vld [tilespmem:s1+$0x10]  }
0xc7: {  	v3 =	vadd.f32 v5, v3;
	v5 =	vld [tilespmem:s10+$0x0];
	v1 =	vmax.f32 v1, v9  }
0xc8: {  	v11 =	vld [tilespmem:s10+$0x10];
	v6 =	vadd.f32 v7, v6;
	v1 =	vmul.f32 $1.442695020e+00, v1  }
0xc9: {  	v7 =	vld [tilespmem:s1+$0x30];
	v9 =	vmul.f32 $2.000000030e-01, v3  }
0xca: {  	v12 =	vmul.f32 $2.000000030e-01, v6;
	v2 =	vadd.f32 v8, v2;
	v8 =	vld [tilespmem:s1+$0x50];
	(erf) = vpow2.f32 v1  }
0xcb: {  	v3 =	vmax.f32 v3, v9;
	v9 =	vld [tilespmem:s10+$0x20]  }
0xcc: {  	v13 =	vld [tilespmem:s1+$0xFFFFFF90];
	v6 =	vmax.f32 v6, v12;
	v10 =	vadd.f32 v5, v10;
	v12 =	vmul.f32 $2.000000030e-01, v2  }
0xcd: {  	v14 =	vld [tilespmem:s1+$0x60];
	v6 =	vmul.f32 $1.442695020e+00, v6;
	v5 =	vmul.f32 $1.442695020e+00, v3  }
0xce: {  	v11 =	vadd.f32 v11, v7;
	v7 =	vld [tilespmem:s1+$0xFFFFFFE0];
	v2 =	vmax.f32 v2, v12;
	v12 =	vmul.f32 $2.000000030e-01, v10  }
0xcf: {  	v1 =	vld [tilespmem:s1+$0xFFFFFF80];
	(erf) = vpow2.f32 v5;
	v2 =	vmul.f32 $1.442695020e+00, v2  }
0xd0: {  	v3 =	vld [tilespmem:s1+$0xFFFFFFA0];
	v10 =	vmax.f32 v10, v12;
	v12 =	vmul.f32 $2.000000030e-01, v11;
	v15 =	vadd.f32 v9, v8  }
0xd1: {  	v5 =	vld [tilespmem:s1+$0xFFFFFFC0];
	(erf) = vpow2.f32 v6;
	v8 =	vadd.f32 v4, v13;
	v13 =	vmul.f32 $1.442695020e+00, v10  }
0xd2: {  	v4 =	vld [tilespmem:s1+$0x0];
	(erf) = vpow2.f32 v2;
	v6 =	vmax.f32 v11, v12;
	v10 =	vmul.f32 $2.000000030e-01, v15  }
0xd3: {  	v2 =	vld [tilespmem:s1+$0x40];
	v11 =	vmul.f32 $2.000000030e-01, v8;
	v9 =	vmul.f32 $1.442695020e+00, v6;
	v16 =	vpop (erf)  }
0xd4: {  	s11 =	simm.s32 $0x0;
	s12 =	simm.s32 $0x1380;
	v6 =	vld [tilespmem:s1+$0x20];
	v12 =	vmax.f32 v15, v10;
	(erf) = vpow2.f32 v13;
	v10 =	vmul.f32 v16, v14;
	[tilespmem:s1+$0x70] =	vst v16  }
.LBB2_7:
0xd5: {  	v13 =	vld [tilespmem:s12+$0x70];
	v8 =	vmax.f32 v8, v11;
	v11 =	vmul.f32 $1.442695020e+00, v12;
	s10 =	sadd.s32 $0x80, s10;
	(erf) = vpow2.f32 v9  }
0xd6: {  	s11 =	sadd.s32 $0x8, s11;
	v9 =	vld [tilespmem:s10+$0x30];
	v12 =	vmul.f32 $1.442695020e+00, v8;
	[tilespmem:s1+$0x60] =	vst v10  }
0xd7: {  	p0 =	slt.u32 s11, $0x78;
	v10 =	vld [tilespmem:s10+$0xFFFFFFC0];
	(erf) = vpow2.f32 v11  }
0xd8: {  	v11 =	vld [tilespmem:s12+$0xFFFFFFB0];
	(erf) = vpow2.f32 v12;
	v8 =	vpop (erf)  }
0xd9: {  	v12 =	vld [tilespmem:s10+$0xFFFFFFD0];
	v3 =	vmul.f32 v8, v3;
	[tilespmem:s1+$0xFFFFFFB0] =	vst v8  }
0xda: {  	v8 =	vld [tilespmem:s12+$0xFFFFFFD0];
	v14 =	vpop (erf)  }
0xdb: {  	v15 =	vld [tilespmem:s10+$0xFFFFFFE0];
	v9 =	vadd.f32 v9, v13;
	[tilespmem:s1+$0xFFFFFFA0] =	vst v3;
	v17 =	vmul.f32 v14, v5;
	v5 =	vpop (erf)  }
0xdc: {  	v13 =	vld [tilespmem:s12+$0xFFFFFFF0];
	[tilespmem:s1+$0xFFFFFFD0] =	vst v14;
	v18 =	vmul.f32 v5, v7  }
0xdd: {  	v14 =	vld [tilespmem:s10+$0xFFFFFFF0];
	v16 =	vmul.f32 $2.000000030e-01, v9;
	[tilespmem:s1+$0xFFFFFFC0] =	vst v17;
	v3 =	vpop (erf)  }
0xde: {  	v11 =	vadd.f32 v12, v11;
	v12 =	vld [tilespmem:s12+$0x10];
	[tilespmem:s1+$0xFFFFFFE0] =	vst v18;
	v18 =	vmul.f32 v3, v4;
	v7 =	vpop (erf)  }
0xdf: {  	v17 =	vld [tilespmem:s10+$0x0];
	v9 =	vmax.f32 v9, v16;
	[tilespmem:s1+$0xFFFFFFF0] =	vst v5;
	v19 =	vmul.f32 v7, v6  }
0xe0: {  	v6 =	vmul.f32 $2.000000030e-01, v11;
	v8 =	vadd.f32 v15, v8;
	v15 =	vld [tilespmem:s12+$0x30];
	v9 =	vmul.f32 $1.442695020e+00, v9;
	[tilespmem:s1+$0x0] =	vst v18;
	v4 =	vpop (erf)  }
0xe1: {  	v16 =	vld [tilespmem:s10+$0x10];
	[tilespmem:s1+$0x20] =	vst v19;
	v2 =	vmul.f32 v4, v2;
	v5 =	vpop (erf)  }
0xe2: {  	v18 =	vmul.f32 $2.000000030e-01, v8;
	v13 =	vadd.f32 v14, v13;
	v14 =	vld [tilespmem:s12+$0x50];
	(erf) = vpow2.f32 v9;
	[tilespmem:s1+$0xFFFFFF90] =	vst v5  }
0xe3: {  	v6 =	vmax.f32 v11, v6;
	v5 =	vmul.f32 v5, v1;
	v9 =	vld [tilespmem:s10+$0x20];
	[tilespmem:s1+$0x40] =	vst v2  }
0xe4: {  	v2 =	vld [tilespmem:s12+$0xFFFFFF90];
	v8 =	vmax.f32 v8, v18;
	v11 =	vmul.f32 $2.000000030e-01, v13;
	v12 =	vadd.f32 v17, v12;
	[tilespmem:s1+$0x10] =	vst v3  }
0xe5: {  	v6 =	vmul.f32 $1.442695020e+00, v6;
	v1 =	vld [tilespmem:s12+$0xFFFFFF80];
	v17 =	vmul.f32 $1.442695020e+00, v8;
	[tilespmem:s1+$0xFFFFFF80] =	vst v5  }
0xe6: {  	v3 =	vld [tilespmem:s12+$0xFFFFFFA0];
	v5 =	vmax.f32 v13, v11;
	v8 =	vmul.f32 $2.000000030e-01, v12;
	v11 =	vadd.f32 v16, v15;
	[tilespmem:s1+$0x30] =	vst v7  }
0xe7: {  	v13 =	vmul.f32 $1.442695020e+00, v5;
	v15 =	vld [tilespmem:s12+$0x60];
	(erf) = vpow2.f32 v6;
	[tilespmem:s1+$0x50] =	vst v4;
	s1 =	smov.u32 s12  }
.Ltmp2:
0xe8: {  	v5 =	vld [tilespmem:s12+$0xFFFFFFC0];
	v4 =	vmax.f32 v12, v8;
	v6 =	vmul.f32 $2.000000030e-01, v11;
	v12 =	vadd.f32 v9, v14;
	(pc) =	sbr.rel @p0 .LBB2_7-.Ltmp2, $4  }
0xe9: {  	v8 =	vadd.f32 v10, v2;
	v7 =	vld [tilespmem:s12+$0xFFFFFFE0];
	v14 =	vmul.f32 $1.442695020e+00, v4;
	(erf) = vpow2.f32 v17  }
0xea: {  	v4 =	vld [tilespmem:s12+$0x0];
	v2 =	vmax.f32 v11, v6;
	v10 =	vmul.f32 $2.000000030e-01, v12;
	(erf) = vpow2.f32 v13  }
0xeb: {  	v11 =	vmul.f32 $2.000000030e-01, v8;
	v9 =	vmul.f32 $1.442695020e+00, v2;
	v6 =	vld [tilespmem:s12+$0x20];
	v13 =	vpop (erf)  }
0xec: {  	s12 =	sadd.s32 $0x100, s12;
	v12 =	vmax.f32 v12, v10;
	v2 =	vld [tilespmem:s1+$0x40];
	v10 =	vmul.f32 v13, v15;
	[tilespmem:s1+$0x70] =	vst v13;
	(erf) = vpow2.f32 v14  }
0xed: {  	_ =	sdelay $0x1  }
0xee: {  	v8 =	vmax.f32 v8, v11;
	v56 =	vmul.f32 $1.442695020e+00, v12;
	(erf) = vpow2.f32 v9  }
0xef: {  	v8 =	vmul.f32 $1.442695020e+00, v8;
	v57 =	vpop (erf)  }
0xf0: {  	[tilespmem:s1+$0x60] =	vst v10;
	(erf) = vpow2.f32 v56;
	v3 =	vmul.f32 v57, v3  }
0xf1: {  	[tilespmem:s1+$0xFFFFFFB0] =	vst v57;
	v58 =	vpop (erf)  }
0xf2: {  	(erf) = vpow2.f32 v8;
	[tilespmem:s1+$0xFFFFFFA0] =	vst v3;
	v3 =	vmul.f32 v58, v5  }
0xf3: {  	v59 =	vpop (erf);
	[tilespmem:s1+$0xFFFFFFD0] =	vst v58  }
0xf4: {  	v7 =	vmul.f32 v59, v7;
	[tilespmem:s1+$0xFFFFFFF0] =	vst v59  }
0xf5: {  	[tilespmem:s1+$0xFFFFFFC0] =	vst v3  }
0xf6: {  	[tilespmem:s1+$0xFFFFFFE0] =	vst v7;
	v3 =	vpop (erf)  }
0xf7: {  	v4 =	vmul.f32 v3, v4;
	v60 =	vpop (erf);
	[tilespmem:s1+$0x10] =	vst v3  }
0xf8: {  	[tilespmem:s1+$0x30] =	vst v60  }
0xf9: {  	v61 =	vmul.f32 v60, v6;
	v62 =	vpop (erf);
	[tilespmem:s1+$0x0] =	vst v4  }
0xfa: {  	[tilespmem:s1+$0x50] =	vst v62  }
0xfb: {  	v2 =	vmul.f32 v62, v2;
	v63 =	vpop (erf);
	[tilespmem:s1+$0x20] =	vst v61  }
0xfc: {  	s0 =	sadd.s32 $0x1, s0;
	[tilespmem:s1+$0xFFFFFF90] =	vst v63;
	v1 =	vmul.f32 v63, v1  }
0xfd: {  	p0 =	sne.s32 s0, $0x27;
	[tilespmem:s1+$0x40] =	vst v2  }
.Ltmp3:
0xfe: {  	[tilespmem:s1+$0xFFFFFF80] =	vst v1;
	(pc) =	sbr.rel @p0 .LBB2_4-.Ltmp3, $4  }
0xff: {  	[spmem:s2] =	stream.indirect.scatter.add.f32 [tilespmem:s26], [sflag:$0x5], $0x20, s22, s20, $0xb8;
	[tilespmem:$0x8200] =	vst v63  }
0x100: {  	_ =	swait.ge [sflag:s19], $0x1000  }
0x101: {  	[sflag:s19] =	ssyncset.done $0x0  }
0x102: {  	[sflag:s19] =	ssyncadd.s32 $0xFFFFF000  }
0x103: {  	[tilespmem:s3], [sflag:$0x5] =	stream.linear.gather [hbm4b:s14+s3], $0x80, $0x38;
	[tilespmem:$0x8200] =	vst v63  }
0x104: {  	_ =	swait.ge [sflag:s19], $0x80  }
0x105: {  	[sflag:s19] =	ssyncset.done $0x0  }
0x106: {  	[sflag:s19] =	ssyncadd.s32 $0xFFFFFF80  }
0x107: {  	[tilespmem:s20], [sflag:$0x5] =	stream.linear.gather [hbm4b:s15+s3], $0x80, $0x38;
	[tilespmem:$0x8200] =	vst v63  }
0x108: {  	_ =	swait.ge [sflag:s19], $0x80  }
0x109: {  	[sflag:s19] =	ssyncset.done $0x0  }
0x10a: {  	[sflag:s19] =	ssyncadd.s32 $0xFFFFFF80  }
0x10b: {  	[tilespmem:s18], [sflag:$0x3] =	stream.indirect.gather [hbm4b:s4+s20], $0x20, s3, s20, $0xb8;
	[tilespmem:$0x8200] =	vst v63  }
0x10c: {  	_ = 	snop  }
0x10d: {  	[tilespmem:s24], [sflag:$0x3] =	stream.indirect.gather [hbm4b:s5+s20], $0x10, s20, s20, $0xb8;
	[tilespmem:$0x8200] =	vst v63  }
0x10e: {  	_ =	swait.ge [sflag:s29], $0x1000  }
0x10f: {  	[sflag:s29] =	ssyncset.done $0x0  }
0x110: {  	[sflag:s29] =	ssyncadd.s32 $0xFFFFF000  }
0x111: {  	_ =	swait.ge [sflag:s29], $0x800  }
0x112: {  	[sflag:s29] =	ssyncset.done $0x0  }
0x113: {  	s0 =	simm.s32 $0x280;
	[sflag:s29] =	ssyncadd.s32 $0xFFFFF800  }
0x114: {  	s1 =	simm.s32 $0x2240;
	v1 =	vld [tilespmem:s0+$0x70]  }
0x115: {  	v2 =	vld [tilespmem:s1+$0x30]  }
0x116: {  	v4 =	vld [tilespmem:s1+$0xFFFFFFC0]  }
0x117: {  	v3 =	vld [tilespmem:s0+$0xFFFFFFB0]  }
0x118: {  	v5 =	vld [tilespmem:s1+$0xFFFFFFD0]  }
0x119: {  	v6 =	vld [tilespmem:s0+$0xFFFFFFD0]  }
0x11a: {  	v7 =	vld [tilespmem:s1+$0xFFFFFFE0];
	v1 =	vadd.f32 v2, v1  }
0x11b: {  	v8 =	vld [tilespmem:s1+$0xFFFFFFF0]  }
0x11c: {  	v2 =	vld [tilespmem:s0+$0xFFFFFFF0];
	v9 =	vmul.f32 $2.000000030e-01, v1  }
0x11d: {  	v10 =	vld [tilespmem:s0+$0x10]  }
0x11e: {  	v3 =	vadd.f32 v5, v3;
	v5 =	vld [tilespmem:s1+$0x0];
	v1 =	vmax.f32 v1, v9  }
0x11f: {  	v11 =	vld [tilespmem:s1+$0x10];
	v6 =	vadd.f32 v7, v6;
	v1 =	vmul.f32 $1.442695020e+00, v1  }
0x120: {  	v7 =	vld [tilespmem:s0+$0x30];
	v9 =	vmul.f32 $2.000000030e-01, v3  }
0x121: {  	v12 =	vmul.f32 $2.000000030e-01, v6;
	v2 =	vadd.f32 v8, v2;
	v8 =	vld [tilespmem:s0+$0x50];
	(erf) = vpow2.f32 v1  }
0x122: {  	v3 =	vmax.f32 v3, v9;
	v9 =	vld [tilespmem:s1+$0x20]  }
0x123: {  	v13 =	vld [tilespmem:s0+$0xFFFFFF90];
	v6 =	vmax.f32 v6, v12;
	v10 =	vadd.f32 v5, v10;
	v12 =	vmul.f32 $2.000000030e-01, v2  }
0x124: {  	v14 =	vld [tilespmem:s0+$0x60];
	v6 =	vmul.f32 $1.442695020e+00, v6;
	v5 =	vmul.f32 $1.442695020e+00, v3  }
0x125: {  	v11 =	vadd.f32 v11, v7;
	v7 =	vld [tilespmem:s0+$0xFFFFFFE0];
	v2 =	vmax.f32 v2, v12;
	v12 =	vmul.f32 $2.000000030e-01, v10  }
0x126: {  	v1 =	vld [tilespmem:s0+$0xFFFFFF80];
	(erf) = vpow2.f32 v5;
	v2 =	vmul.f32 $1.442695020e+00, v2  }
0x127: {  	v3 =	vld [tilespmem:s0+$0xFFFFFFA0];
	v10 =	vmax.f32 v10, v12;
	v12 =	vmul.f32 $2.000000030e-01, v11;
	v15 =	vadd.f32 v9, v8  }
0x128: {  	v5 =	vld [tilespmem:s0+$0xFFFFFFC0];
	(erf) = vpow2.f32 v6;
	v8 =	vadd.f32 v4, v13;
	v13 =	vmul.f32 $1.442695020e+00, v10  }
0x129: {  	v4 =	vld [tilespmem:s0+$0x0];
	(erf) = vpow2.f32 v2;
	v6 =	vmax.f32 v11, v12;
	v10 =	vmul.f32 $2.000000030e-01, v15  }
0x12a: {  	v2 =	vld [tilespmem:s0+$0x40];
	v11 =	vmul.f32 $2.000000030e-01, v8;
	v9 =	vmul.f32 $1.442695020e+00, v6;
	v16 =	vpop (erf)  }
0x12b: {  	s10 =	simm.s32 $0x0;
	s11 =	simm.s32 $0x380;
	v6 =	vld [tilespmem:s0+$0x20];
	v12 =	vmax.f32 v15, v10;
	(erf) = vpow2.f32 v13;
	v10 =	vmul.f32 v16, v14;
	[tilespmem:s0+$0x70] =	vst v16  }
.LBB2_10:
0x12c: {  	v13 =	vld [tilespmem:s11+$0x70];
	v8 =	vmax.f32 v8, v11;
	v11 =	vmul.f32 $1.442695020e+00, v12;
	s1 =	sadd.s32 $0x80, s1;
	(erf) = vpow2.f32 v9  }
0x12d: {  	s10 =	sadd.s32 $0x8, s10;
	v9 =	vld [tilespmem:s1+$0x30];
	v12 =	vmul.f32 $1.442695020e+00, v8;
	[tilespmem:s0+$0x60] =	vst v10  }
0x12e: {  	p0 =	slt.u32 s10, $0x78;
	v10 =	vld [tilespmem:s1+$0xFFFFFFC0];
	(erf) = vpow2.f32 v11  }
0x12f: {  	v11 =	vld [tilespmem:s11+$0xFFFFFFB0];
	(erf) = vpow2.f32 v12;
	v8 =	vpop (erf)  }
0x130: {  	v12 =	vld [tilespmem:s1+$0xFFFFFFD0];
	v3 =	vmul.f32 v8, v3;
	[tilespmem:s0+$0xFFFFFFB0] =	vst v8  }
0x131: {  	v8 =	vld [tilespmem:s11+$0xFFFFFFD0];
	v14 =	vpop (erf)  }
0x132: {  	v15 =	vld [tilespmem:s1+$0xFFFFFFE0];
	v9 =	vadd.f32 v9, v13;
	[tilespmem:s0+$0xFFFFFFA0] =	vst v3;
	v17 =	vmul.f32 v14, v5;
	v5 =	vpop (erf)  }
0x133: {  	v13 =	vld [tilespmem:s11+$0xFFFFFFF0];
	[tilespmem:s0+$0xFFFFFFD0] =	vst v14;
	v18 =	vmul.f32 v5, v7  }
0x134: {  	v14 =	vld [tilespmem:s1+$0xFFFFFFF0];
	v16 =	vmul.f32 $2.000000030e-01, v9;
	[tilespmem:s0+$0xFFFFFFC0] =	vst v17;
	v3 =	vpop (erf)  }
0x135: {  	v11 =	vadd.f32 v12, v11;
	v12 =	vld [tilespmem:s11+$0x10];
	[tilespmem:s0+$0xFFFFFFE0] =	vst v18;
	v18 =	vmul.f32 v3, v4;
	v7 =	vpop (erf)  }
0x136: {  	v17 =	vld [tilespmem:s1+$0x0];
	v9 =	vmax.f32 v9, v16;
	[tilespmem:s0+$0xFFFFFFF0] =	vst v5;
	v19 =	vmul.f32 v7, v6  }
0x137: {  	v6 =	vmul.f32 $2.000000030e-01, v11;
	v8 =	vadd.f32 v15, v8;
	v15 =	vld [tilespmem:s11+$0x30];
	v9 =	vmul.f32 $1.442695020e+00, v9;
	[tilespmem:s0+$0x0] =	vst v18;
	v4 =	vpop (erf)  }
0x138: {  	v16 =	vld [tilespmem:s1+$0x10];
	[tilespmem:s0+$0x20] =	vst v19;
	v2 =	vmul.f32 v4, v2;
	v5 =	vpop (erf)  }
0x139: {  	v18 =	vmul.f32 $2.000000030e-01, v8;
	v13 =	vadd.f32 v14, v13;
	v14 =	vld [tilespmem:s11+$0x50];
	(erf) = vpow2.f32 v9;
	[tilespmem:s0+$0xFFFFFF90] =	vst v5  }
0x13a: {  	v6 =	vmax.f32 v11, v6;
	v5 =	vmul.f32 v5, v1;
	v9 =	vld [tilespmem:s1+$0x20];
	[tilespmem:s0+$0x40] =	vst v2  }
0x13b: {  	v2 =	vld [tilespmem:s11+$0xFFFFFF90];
	v8 =	vmax.f32 v8, v18;
	v11 =	vmul.f32 $2.000000030e-01, v13;
	v12 =	vadd.f32 v17, v12;
	[tilespmem:s0+$0x10] =	vst v3  }
0x13c: {  	v6 =	vmul.f32 $1.442695020e+00, v6;
	v1 =	vld [tilespmem:s11+$0xFFFFFF80];
	v17 =	vmul.f32 $1.442695020e+00, v8;
	[tilespmem:s0+$0xFFFFFF80] =	vst v5  }
0x13d: {  	v3 =	vld [tilespmem:s11+$0xFFFFFFA0];
	v5 =	vmax.f32 v13, v11;
	v8 =	vmul.f32 $2.000000030e-01, v12;
	v11 =	vadd.f32 v16, v15;
	[tilespmem:s0+$0x30] =	vst v7  }
0x13e: {  	v13 =	vmul.f32 $1.442695020e+00, v5;
	v15 =	vld [tilespmem:s11+$0x60];
	(erf) = vpow2.f32 v6;
	[tilespmem:s0+$0x50] =	vst v4;
	s0 =	smov.u32 s11  }
.Ltmp4:
0x13f: {  	v5 =	vld [tilespmem:s11+$0xFFFFFFC0];
	v4 =	vmax.f32 v12, v8;
	v6 =	vmul.f32 $2.000000030e-01, v11;
	v12 =	vadd.f32 v9, v14;
	(pc) =	sbr.rel @p0 .LBB2_10-.Ltmp4, $4  }
0x140: {  	v8 =	vadd.f32 v10, v2;
	v7 =	vld [tilespmem:s11+$0xFFFFFFE0];
	v14 =	vmul.f32 $1.442695020e+00, v4;
	(erf) = vpow2.f32 v17  }
0x141: {  	v4 =	vld [tilespmem:s11+$0x0];
	v2 =	vmax.f32 v11, v6;
	v10 =	vmul.f32 $2.000000030e-01, v12;
	(erf) = vpow2.f32 v13  }
0x142: {  	v11 =	vmul.f32 $2.000000030e-01, v8;
	v9 =	vmul.f32 $1.442695020e+00, v2;
	v6 =	vld [tilespmem:s11+$0x20];
	v13 =	vpop (erf)  }
0x143: {  	s11 =	sadd.s32 $0x100, s11;
	v12 =	vmax.f32 v12, v10;
	v2 =	vld [tilespmem:s0+$0x40];
	v10 =	vmul.f32 v13, v15;
	[tilespmem:s0+$0x70] =	vst v13;
	(erf) = vpow2.f32 v14  }
0x144: {  	_ =	sdelay $0x1  }
0x145: {  	v8 =	vmax.f32 v8, v11;
	v56 =	vmul.f32 $1.442695020e+00, v12;
	(erf) = vpow2.f32 v9  }
0x146: {  	v8 =	vmul.f32 $1.442695020e+00, v8;
	v57 =	vpop (erf)  }
0x147: {  	[tilespmem:s0+$0x60] =	vst v10;
	(erf) = vpow2.f32 v56;
	v3 =	vmul.f32 v57, v3  }
0x148: {  	[tilespmem:s0+$0xFFFFFFB0] =	vst v57;
	v58 =	vpop (erf)  }
0x149: {  	(erf) = vpow2.f32 v8;
	[tilespmem:s0+$0xFFFFFFA0] =	vst v3;
	v3 =	vmul.f32 v58, v5  }
0x14a: {  	v59 =	vpop (erf);
	[tilespmem:s0+$0xFFFFFFD0] =	vst v58  }
0x14b: {  	v7 =	vmul.f32 v59, v7;
	[tilespmem:s0+$0xFFFFFFF0] =	vst v59  }
0x14c: {  	[tilespmem:s0+$0xFFFFFFC0] =	vst v3  }
0x14d: {  	[tilespmem:s0+$0xFFFFFFE0] =	vst v7;
	v3 =	vpop (erf)  }
0x14e: {  	v4 =	vmul.f32 v3, v4;
	v60 =	vpop (erf);
	[tilespmem:s0+$0x10] =	vst v3  }
0x14f: {  	[tilespmem:s0+$0x30] =	vst v60  }
0x150: {  	v61 =	vmul.f32 v60, v6;
	v62 =	vpop (erf);
	[tilespmem:s0+$0x0] =	vst v4  }
0x151: {  	[tilespmem:s0+$0x50] =	vst v62  }
0x152: {  	v2 =	vmul.f32 v62, v2;
	v63 =	vpop (erf);
	[tilespmem:s0+$0x20] =	vst v61  }
0x153: {  	[tilespmem:s0+$0xFFFFFF90] =	vst v63;
	v1 =	vmul.f32 v63, v1  }
0x154: {  	[tilespmem:s0+$0x40] =	vst v2  }
0x155: {  	[tilespmem:s0+$0xFFFFFF80] =	vst v1  }
0x156: {  	[spmem:s2] =	stream.indirect.scatter.add.f32 [tilespmem:s18], [sflag:$0x5], $0x20, s20, s20, $0xb8;
	[tilespmem:$0x8200] =	vst v63  }
0x157: {  	s12 =	stileid.u32;
	_ =	swait.ge [sflag:s19], $0x1000  }
0x158: {  	s1 =	sshrl.u32 s9, $0x3;
	s31 =	sadd.s32 $0x1, s31;
	[sflag:s19] =	ssyncset.done $0x0  }
0x159: {  	p0 =	sne.s32 s31, s17;
	s0 =	sshll.u32 s12, $0x6;
	[sflag:s19] =	ssyncadd.s32 $0xFFFFF000  }
.Ltmp5:
0x15a: {  	s0 =	sor.u32 $0x1C05, s0;
	[bflag:$0x0] =	sbarrier.arrive $0xFFFF;
	(pc) =	sbr.rel @p0 .LBB2_1-.Ltmp5, $4  }
0x15b: {  	[hbm:s16], [sflag:s0] =	dma.local [spmem:s1], $0xA00  }
0x15c: {  	_ =	swait.ge [sflag:s19], $0xA00  }
0x15d: {  	[sflag:s19] =	ssyncset.done $0x0  }
0x15e: {  	[sflag:s19] =	ssyncadd.s32 $0xFFFFF600  }
0x15f: {  	_ =	sfence.sel $0x180000  }
0x160: {  	[bflag:$0x0] =	sbarrier.arrive $0xFFFF  }
0x161: {  	_ =	strace $0x9000004A  }
0x162: {  	s0 =	stileid.u32;
	[bflag:$0x2] =	sbarrier.arrive $0xFFFF  }
0x163: {  	p0 =	sne.s32 s0, $0x0;
	s0 =	rddreg [dreg:$0x2]  }
0x164: {  	s0 =	sadd.s32 @!p0 $0x100000, s0  }
0x165: {  	[sflag:s0] =	ssyncadd.tile.s32 @!p0 $0x1;
	_ =	shalt  }
.Lfunc_end2:
_tile_overlayer_lowered:
.L_overlay_start_2:
0x166: {  	(tag) =	ssettag $0x2  }
0x167: {  	s0 =	rddreg [dreg:$0x0];
	s2 =	stileid.u32  }
0x168: {  	s1 =	rddreg [dreg:$0x1];
	p0 =	sne.s32 s2, $0x0  }
0x169: {  	s3 =	rddreg [dreg:$0x2];
	[bflag:$0x3] =	sbarrier.arrive $0xFFFF;
	s2 =	simm.s32 @!p0 $0x1C05  }
0x16a: {  	[timem:s3], [sflag:s2] =	dma.local @!p0 [hbm:s0], s1  }
0x16b: {  	s0 =	simm.s32 @!p0 $0x5  }
0x16c: {  	_ =	swait.ge @!p0 [sflag:s0], s1  }
0x16d: {  	s1 =	ssub.s32 @!p0 $0x0, s1;
	[sflag:s0] =	ssyncset.done @!p0 $0x0  }
0x16e: {  	[sflag:s0] =	ssyncadd.s32 @!p0 s1  }
0x16f: {  	[bflag:$0x3] =	sbarrier.arrive $0xFFFF  }
0x170: {  	_ =	shalt  }

// kernel: kernel.7.cloned.1.call-start
scs
__scs_entry_jumppad:
0x0: {  	(pc) =	sbr.rel $0x88, $3  }
0x1: {  	(tag) =	ssettag $0x0;
	lr =	simm.s32 $0x1  }
0x2: {  	[smem:$0x3F9B] =	sst lr;
	_ =	strace $0xD0000000  }
0x3: {  	_ = 	snop  }
0x4: {  	_ = 	snop  }
0x5: {  	_ = 	snop  }
0x6: {  	_ = 	snop  }
0x7: {  	_ = 	snop  }
__scs_overlays_trampoline_lowered:
0x8: {  	[smem:$0x3FAA] =	sst s0  }
0x9: {  	[smem:$0x3FAB] =	sst s1  }
0xa: {  	[smem:$0x3FAC] =	sst s2  }
0xb: {  	[smem:$0x3FAD] =	sst s3  }
0xc: {  	[smem:$0x3FAE] =	sst s4  }
0xd: {  	[smem:$0x3FAF] =	sst s5  }
0xe: {  	[smem:$0x3FB0] =	sst s6  }
0xf: {  	[smem:$0x3FB1] =	sst s7  }
0x10: {  	[smem:$0x3FB2] =	sst s8  }
0x11: {  	[smem:$0x3FB3] =	sst s9;
	s0 =	simm.s32 @!p0 $0x0  }
0x12: {  	s1 =	sld [smem:$0x3F99];
	s0 =	simm.s32 @p0 $0x1  }
0x13: {  	[smem:$0x3FB4] =	sst s0;
	s0 =	simm.s32 @!p1 $0x0  }
0x14: {  	s2 =	sld [smem:$0x3F98];
	s0 =	simm.s32 @p1 $0x1  }
0x15: {  	[smem:$0x3FB5] =	sst s0;
	s0 =	simm.s32 @!p2 $0x0  }
0x16: {  	s3 =	sld [smem:$0x3FDB];
	s0 =	simm.s32 @p2 $0x1  }
0x17: {  	s4 =	simm.s32 $0x1BF5;
	[smem:$0x3FB7] =	sst s0  }
0x18: {  	s0 =	sld [smem:$0x3F9A];
	_ =	swait.ge [sflag:s4], $0x0  }
0x19: {  	s7 =	sld [smem:$0x3F9B]  }
0x1a: {  	s8 =	sadd.s32 $0xFFFFE003, lr  }
0x1b: {  	s9 =	sadd.s32 $0xFFFFFEF7, lr;
	s5 =	simm.s32 $0xFFFFFFFF;
	p2 =	slt.u32 s8, $0xFFFFF086  }
0x1c: {  	p1 =	slt.u32 s9, $0xF7A;
	s5 =	simm.s32 @!p2 $0x0  }
0x1d: {  	s5 =	simm.s32 @p1 $0x1;
	p0 =	seq.s32 s7, s2  }
0x1e: {  	s7 =	smul.u32 @!p0 $0xF7A, s2;
	p2 =	seq.s32 @!p0 s5, $0x0  }
0x1f: {  	s9 =	smul.u32 $0xF7A, s1;
	s8 =	simm.s32 @!p0 $0x1BF5;
	p2 =	por !p2, p0  }
0x20: {  	[sflag:s8] =	ssyncset.s32 @!p0 $0xFFFFF086;
	s6 =	sadd.s32 @!p0 s3, s7;
	s7 =	simm.s32 @!p0 $0x108  }
0x21: {  	s3 =	sadd.s32 s3, s9;
	s6 =	sadd.s32 @!p0 $0x88, s6;
	s7 =	simm.s32 @p2 $0x1082  }
0x22: {  	[simem:s7], [sflag:s8] =	dma.local @!p0 [hbm:s6], $0xF7A  }
0x23: {  	s9 =	sor.u32 $0xD0000000, s2;
	s6 =	simm.s32 $0x108;
	_ =	swait.ge @!p0 [sflag:s8], $0x0  }
0x24: {  	s3 =	sadd.s32 $0x88, s3;
	s6 =	simm.s32 @!p1 $0x1082;
	[sflag:s4] =	ssyncset.s32 $0xFFFFF086  }
0x25: {  	[simem:s6], [sflag:s4] =	dma.local [hbm:s3], $0xF7A  }
0x26: {  	[smem:$0x3F9B] =	sst s1;
	(tag) =	ssettag s2;
	_ =	strace s9  }
0x27: {  	s1 =	sld [smem:$0x3FAB]  }
0x28: {  	s2 =	sld [smem:$0x3FAC]  }
0x29: {  	s4 =	sld [smem:$0x3FAE]  }
0x2a: {  	p0 =	seq.s32 s5, $0x0;
	s5 =	sld [smem:$0x3FAF]  }
0x2b: {  	s6 =	sld [smem:$0x3FB0]  }
0x2c: {  	s7 =	sld [smem:$0x3FB1]  }
0x2d: {  	s3 =	simm.s32 $0x108;
	s8 =	sld [smem:$0x3FB2]  }
0x2e: {  	s3 =	simm.s32 @!p0 $0x1082;
	s9 =	sld [smem:$0x3FB3]  }
0x2f: {  	lr =	sadd.s32 s0, s3;
	s0 =	sld [smem:$0x3FAA]  }
0x30: {  	s3 =	sld [smem:$0x3FAD]  }
0x31: {  	[smem:$0x3FB6] =	sst s10  }
0x32: {  	s10 =	sld [smem:$0x3FB4];
	_ =	sdelay $0x3  }
0x33: {  	p0 =	seq.s32 s10, $0x1;
	s10 =	sld [smem:$0x3FB6];
	_ =	sdelay $0x3  }
0x34: {  	[smem:$0x3FB6] =	sst s10  }
0x35: {  	s10 =	sld [smem:$0x3FB5];
	_ =	sdelay $0x3  }
0x36: {  	p1 =	seq.s32 s10, $0x1;
	s10 =	sld [smem:$0x3FB6];
	_ =	sdelay $0x3  }
0x37: {  	[smem:$0x3FB6] =	sst s10  }
0x38: {  	s10 =	sld [smem:$0x3FB7]  }
0x39: {  	_ = 	snop;
	(pc) =	sbr.ind lr, $3  }
0x3a: {  	_ = 	snop  }
0x3b: {  	_ = 	snop  }
0x3c: {  	p2 =	seq.s32 s10, $0x1;
	s10 =	sld [smem:$0x3FB6]  }
0x3d: {  	_ =	shalt  }
0x3e: {  	_ =	shalt  }
0x3f: {  	_ =	shalt  }
0x40: {  	_ =	shalt  }
0x41: {  	_ =	shalt  }
0x42: {  	_ =	shalt  }
0x43: {  	_ =	shalt  }
0x44: {  	_ =	shalt  }
0x45: {  	_ =	shalt  }
0x46: {  	_ =	shalt  }
0x47: {  	_ =	shalt  }
0x48: {  	_ =	shalt  }
0x49: {  	_ =	shalt  }
0x4a: {  	_ =	shalt  }
0x4b: {  	_ =	shalt  }
0x4c: {  	_ =	shalt  }
0x4d: {  	_ =	shalt  }
0x4e: {  	_ =	shalt  }
0x4f: {  	_ =	shalt  }
0x50: {  	_ =	shalt  }
0x51: {  	_ =	shalt  }
0x52: {  	_ =	shalt  }
0x53: {  	_ =	shalt  }
0x54: {  	_ =	shalt  }
0x55: {  	_ =	shalt  }
0x56: {  	_ =	shalt  }
0x57: {  	_ =	shalt  }
0x58: {  	_ =	shalt  }
0x59: {  	_ =	shalt  }
0x5a: {  	_ =	shalt  }
0x5b: {  	_ =	shalt  }
0x5c: {  	_ =	shalt  }
0x5d: {  	_ =	shalt  }
0x5e: {  	_ =	shalt  }
0x5f: {  	_ =	shalt  }
0x60: {  	_ =	shalt  }
0x61: {  	_ =	shalt  }
0x62: {  	_ =	shalt  }
0x63: {  	_ =	shalt  }
0x64: {  	_ =	shalt  }
0x65: {  	_ =	shalt  }
0x66: {  	_ =	shalt  }
0x67: {  	_ =	shalt  }
0x68: {  	_ =	shalt  }
0x69: {  	_ =	shalt  }
0x6a: {  	_ =	shalt  }
0x6b: {  	_ =	shalt  }
0x6c: {  	_ =	shalt  }
0x6d: {  	_ =	shalt  }
0x6e: {  	_ =	shalt  }
0x6f: {  	_ =	shalt  }
0x70: {  	_ =	shalt  }
0x71: {  	_ =	shalt  }
0x72: {  	_ =	shalt  }
0x73: {  	_ =	shalt  }
0x74: {  	_ =	shalt  }
0x75: {  	_ =	shalt  }
0x76: {  	_ =	shalt  }
0x77: {  	_ =	shalt  }
0x78: {  	_ =	shalt  }
0x79: {  	_ =	shalt  }
0x7a: {  	_ =	shalt  }
0x7b: {  	_ =	shalt  }
0x7c: {  	_ =	shalt  }
0x7d: {  	_ =	shalt  }
0x7e: {  	_ =	shalt  }
0x7f: {  	_ =	shalt  }
0x80: {  	_ =	shalt  }
0x81: {  	_ =	shalt  }
0x82: {  	_ =	shalt  }
0x83: {  	_ =	shalt  }
0x84: {  	_ =	shalt  }
0x85: {  	_ =	shalt  }
0x86: {  	_ =	shalt  }
0x87: {  	_ =	shalt  }
.Lfunc_end0:
.L_simem_size_0:
called_computation_lowered:
.L_overlay_start_0:
0x88: {  	s2 =	sld [smem:$0x3FD9]  }
0x89: {  	s3 =	sld [smem:$0x3FFE];
	_ =	sdelay $0x1  }
0x8a: {  	s1 =	srdreg.scid  }
0x8b: {  	s0 =	sand.u32 $0x1, s1  }
0x8c: {  	s16 =	sshll.u32 s0, $0xA;
	s2 =	sadd.s32 s3, s2  }
0x8d: {  	s2 =	sadd.s32 s2, s16  }
0x8e: {  	[smem:$0x3FC2] =	sst s2  }
0x8f: {  	_ = 	snop  }
0x90: {  	(tm) =	ssettm $0x1  }
0x91: {  	s17 =	sld [smem:$0x3FFB];
	_ =	sdelay $0x3  }
0x92: {  	_ =	strace s17  }
0x93: {  	s2 =	sld [smem:$0x3FFC];
	_ =	sdelay $0x3  }
0x94: {  	_ =	strace s2  }
0x95: {  	s2 =	sld [smem:$0x3FFD];
	_ =	sdelay $0x3  }
0x96: {  	_ =	strace s2  }
0x97: {  	_ =	strace $0x8FFFFFFF  }
0x98: {  	s18 =	sld [smem:$0x3FDB];
	_ =	sdelay $0x1  }
0x99: {  	s19 =	simm.s32 $_scs_section_size  }
0x9a: {  	s4 =	simm.s32 $_size__tile_overlayer_lowered;
	s5 =	simm.s32 $_tile_overlayer_lowered  }
0x9b: {  	s22 =	simm.s32 $0x1BFF;
	s21 =	sshll.u32 s5, $0x1;
	s2 =	sadd.s32 s19, s18  }
0x9c: {  	s6 =	simm.s32 $0x0;
	s20 =	sshll.u32 s4, $0x1;
	s4 =	sadd.s32 s21, s2  }
0x9d: {  	[timem:s6], [sflag:s22] =	dma.local [hbm:s4], s20  }
0x9e: {  	_ =	swait.ge [sflag:s22], s20  }
0x9f: {  	s3 =	ssub.s32 $0x0, s20;
	[sflag:s22] =	ssyncset.done $0x0  }
0xa0: {  	[sflag:s22] =	ssyncadd.s32 s3;
	_ =	sdelay $0x1  }
0xa1: {  	s23 =	simm.s32 $0x1B8B  }
0xa2: {  	_ =	swait.ge [sflag:s23], $0x1  }
0xa3: {  	[sflag:s23] =	ssyncset.done $0x0  }
0xa4: {  	s25 =	simm.s32 $0x1B8E;
	s24 =	sld [smem:$0x3FFE];
	[sflag:s23] =	ssyncadd.s32 $0xFFFFFFFF  }
0xa5: {  	s26 =	simm.s32 $execute0_lowered;
	[smem:$0x3FD2] =	sst s25  }
0xa6: {  	s4 =	sshll.u32 s26, $0x1;
	_ =	strace $0x80000046;
	[dreg:$0x1] =	wrdreg $0xFFFFFFFF  }
0xa7: {  	s28 =	simm.s32 $_size_execute0_lowered;
	s2 =	sadd.s32 s2, s4;
	[dreg:$0x0] =	wrdreg $0x0  }
0xa8: {  	s4 =	sshll.u32 s28, $0x1;
	[dreg:$0x2] =	wrdreg s2  }
0xa9: {  	[dreg:$0x3] =	wrdreg s4  }
0xaa: {  	[dreg:$0x4] =	wrdreg $0xC0  }
0xab: {  	_ =	task [dreg:s6], $0x5FFFF  }
0xac: {  	[dreg:$0x1] =	wrdreg $0xFFFFFFFF  }
0xad: {  	[dreg:$0x0] =	wrdreg $0x60  }
0xae: {  	[dreg:$0x2] =	wrdreg s24  }
0xaf: {  	[dreg:$0x3] =	wrdreg $0x62000  }
0xb0: {  	[dreg:$0x4] =	wrdreg $0x9  }
0xb1: {  	_ =	task.clear_ibuf [dreg:s6], $0x5FFFF;
	_ =	strace $0x90000046  }
0xb2: {  	s29 =	simm.s32 $0x9;
	_ =	strace $0x80000048  }
0xb3: {  	_ =	swait.ge [sflag:s29], $0x1  }
0xb4: {  	[sflag:s29] =	ssyncadd.s32 $0xFFFFFFFF  }
0xb5: {  	_ =	strace $0x90000048  }
0xb6: {  	_ =	sfence  }
0xb7: {  	s30 =	sld [smem:$0x0];
	_ =	sdelay $0x2  }
0xb8: {  	s31 =	sshll.u32 s1, $0xD;
	s1 =	sshrl.u32 s1, $0x2  }
0xb9: {  	s3 =	sand.u32 $0x4000, s31;
	s1 =	sadd.s32 s1, s30  }
0xba: {  	s0 =	sor.u32 s3, s0;
	s1 =	sshll.u32 s1, $0x11  }
0xbb: {  	s0 =	sor.u32 s1, s0  }
0xbc: {  	s0 =	sadd.s32 $0x8F2B, s0  }
0xbd: {  	[sflag:s0] =	ssyncadd.remote.s32 $0x1  }
0xbe: {  	_ =	sfence.sel $0xFFFF  }
0xbf: {  	[dreg:$0x0] =	wrdreg $0xFFFFFFFF;
	(pc) =	sbr.abs _section_cstart, $3  }
0xc0: {  	[dreg:$0x1] =	wrdreg $0xFFFFFFFF  }
0xc1: {  	_ =	task.clear_ibuf [dreg:s6], $0x2FFFF;
	_ =	strace $0x9FFFFFFF  }
0xc2: {  	(tm) =	ssettm $0x7FFFFFFF  }
0xc3: {  	_ =	shalt  }
tec
execute0_lowered:
.L_overlay_start_1:
0x0: {  	(tag) =	ssettag $0x1  }
0x1: {  	s0 =	rddreg [dreg:$0x0]  }
0x2: {  	s2 =	rddreg [dreg:$0x1]  }
0x3: {  	s3 =	simm.s32 $0x0;
	s1 =	srdreg.scid;
	s12 =	stileid.u32  }
0x4: {  	s16 =	simm.s32 $0x200;
	s18 =	simm.s32 $0x80;
	s19 =	simm.s32 $0x100  }
0x5: {  	s22 =	simm.s32 $0x5200;
	s24 =	simm.s32 $0x2A00;
	s25 =	simm.s32 $0x5A00  }
0x6: {  	s26 =	simm.s32 $0x3;
	s28 =	simm.s32 $0x4;
	s29 =	simm.s32 $0x0  }
0x7: {  	[smem:$0x7FF] =	sst s3;
	s1 =	sand.u32 $0x1, s1;
	s8 =	smul.u32 $0xC800, s12  }
0x8: {  	s4 =	sadd.s32 $0xA00, s0;
	s5 =	sadd.s32 $0x31800, s0;
	s10 =	smul.u32 $0x32000, s12  }
0x9: {  	s6 =	sadd.s32 $0x40600, s0;
	s7 =	sadd.s32 $0x36800, s0;
	s12 =	smul.u32 $0x4F00, s12  }
0xa: {  	_ =	strace $0x80000047;
	s9 =	smul.u32 $0xC8000, s1;
	s11 =	ssub.s32 $0x2, s1  }
0xb: {  	s20 =	smul.u32 $0x2710, s1;
	s17 =	sshll.u32 s1, $0x2;
	s1 =	sshllo.u32 s1, $0x2  }
0xc: {  	s10 =	sshrl.u32 s10, $0x2;
	s31 =	sshrl.u32 s11, $0x1;
	s21 =	sor.u32 $0x1, s17  }
0xd: {  	s23 =	sor.u32 $0x2, s17;
	v1 =	vmov s17;
	s17 =	simm.s32 $0x5;
	s9 =	sadd.s32 s8, s9  }
0xe: {  	s13 =	sadd.s32 s10, s2;
	s8 =	sadd.s32 s8, s2;
	v0 =	vmov s20;
	s20 =	simm.s32 $0x180  }
0xf: {  	v2 =	vmov s21;
	s21 =	simm.s32 $0x1;
	v3 =	vmov s23;
	s23 =	simm.s32 $0x2;
	s9 =	sshrl.u32 s9, $0x3  }
0x10: {  	v4 =	vmov s1;
	s10 =	sadd.s32 $0x2800, s13;
	s0 =	sadd.s32 s9, s0;
	s9 =	ssub.s32 s11, s31  }
0x11: {  	v1 =	vbroadcast v1, $0x0;
	v4 =	vbroadcast v4, $0x0;
	[dreg:$0x3] =	wrdreg s10;
	s10 =	sadd.s32 $0x5000, s13;
	s11 =	sadd.s32 $0x7800, s13  }
0x12: {  	v5 =	vimm.f32 $0.0e+00;
	v2 =	vbroadcast v2, $0x0;
	v3 =	vbroadcast v3, $0x0;
	s13 =	sadd.s32 $0xA000, s13;
	s14 =	sadd.s32 $0x4A400, s0;
	s15 =	smax.u32 s9, $0x1  }
.LBB2_1:
0x13: {  	s0 =	simm.s32 $0x340  }
0x14: {  	[tilespmem:s0+$0xFFFFFEC0] =	vst v5  }
0x15: {  	[tilespmem:s0+$0x130] =	vst v5  }
0x16: {  	[tilespmem:s0+$0x120] =	vst v5  }
0x17: {  	[tilespmem:s0+$0x110] =	vst v5  }
0x18: {  	[tilespmem:s0+$0x100] =	vst v5  }
0x19: {  	[tilespmem:s0+$0xF0] =	vst v5  }
0x1a: {  	[tilespmem:s0+$0xE0] =	vst v5  }
0x1b: {  	[tilespmem:s0+$0xD0] =	vst v5  }
0x1c: {  	[tilespmem:s0+$0xC0] =	vst v5  }
0x1d: {  	[tilespmem:s0+$0xB0] =	vst v5  }
0x1e: {  	[tilespmem:s0+$0xA0] =	vst v5  }
0x1f: {  	[tilespmem:s0+$0x90] =	vst v5  }
0x20: {  	[tilespmem:s0+$0x80] =	vst v5  }
0x21: {  	[tilespmem:s0+$0x70] =	vst v5  }
0x22: {  	[tilespmem:s0+$0x60] =	vst v5  }
0x23: {  	[tilespmem:s0+$0x50] =	vst v5  }
0x24: {  	[tilespmem:s0+$0x40] =	vst v5  }
0x25: {  	[tilespmem:s0+$0x30] =	vst v5  }
0x26: {  	[tilespmem:s0+$0x20] =	vst v5  }
0x27: {  	[tilespmem:s0+$0x10] =	vst v5  }
0x28: {  	[tilespmem:s0+$0x0] =	vst v5  }
0x29: {  	[tilespmem:s0+$0xFFFFFFF0] =	vst v5  }
0x2a: {  	[tilespmem:s0+$0xFFFFFFE0] =	vst v5  }
0x2b: {  	[tilespmem:s0+$0xFFFFFFD0] =	vst v5  }
0x2c: {  	[tilespmem:s0+$0xFFFFFFC0] =	vst v5  }
0x2d: {  	[tilespmem:s0+$0xFFFFFFB0] =	vst v5  }
0x2e: {  	[tilespmem:s0+$0xFFFFFFA0] =	vst v5  }
0x2f: {  	[tilespmem:s0+$0xFFFFFF90] =	vst v5  }
0x30: {  	[tilespmem:s0+$0xFFFFFF80] =	vst v5  }
0x31: {  	[tilespmem:s0+$0xFFFFFF70] =	vst v5  }
0x32: {  	[tilespmem:s0+$0xFFFFFF60] =	vst v5  }
0x33: {  	[tilespmem:s0+$0xFFFFFF50] =	vst v5  }
0x34: {  	[tilespmem:s0+$0xFFFFFF40] =	vst v5  }
0x35: {  	[tilespmem:s0+$0xFFFFFF30] =	vst v5  }
0x36: {  	[tilespmem:s0+$0xFFFFFF20] =	vst v5  }
0x37: {  	[tilespmem:s0+$0xFFFFFF10] =	vst v5  }
0x38: {  	[tilespmem:s0+$0xFFFFFF00] =	vst v5  }
0x39: {  	[tilespmem:s0+$0xFFFFFEF0] =	vst v5  }
0x3a: {  	s1 =	simm.s32 $0x0;
	[tilespmem:s0+$0xFFFFFEE0] =	vst v5  }
.LBB2_2:
0x3b: {  	s1 =	sadd.s32 $0x8, s1;
	[tilespmem:s0+$0xFFFFFED0] =	vst v5;
	s0 =	sadd.s32 $0x280, s0  }
0x3c: {  	[tilespmem:s0+$0xFFFFFEC0] =	vst v5;
	p0 =	slt.u32 s1, $0x78  }
0x3d: {  	[tilespmem:s0+$0x130] =	vst v5  }
0x3e: {  	[tilespmem:s0+$0x120] =	vst v5  }
0x3f: {  	[tilespmem:s0+$0x110] =	vst v5  }
0x40: {  	[tilespmem:s0+$0x100] =	vst v5  }
0x41: {  	[tilespmem:s0+$0xF0] =	vst v5  }
0x42: {  	[tilespmem:s0+$0xE0] =	vst v5  }
0x43: {  	[tilespmem:s0+$0xD0] =	vst v5  }
0x44: {  	[tilespmem:s0+$0xC0] =	vst v5  }
0x45: {  	[tilespmem:s0+$0xB0] =	vst v5  }
0x46: {  	[tilespmem:s0+$0xA0] =	vst v5  }
0x47: {  	[tilespmem:s0+$0x90] =	vst v5  }
0x48: {  	[tilespmem:s0+$0x80] =	vst v5  }
0x49: {  	[tilespmem:s0+$0x70] =	vst v5  }
0x4a: {  	[tilespmem:s0+$0x60] =	vst v5  }
0x4b: {  	[tilespmem:s0+$0x50] =	vst v5  }
0x4c: {  	[tilespmem:s0+$0x40] =	vst v5  }
0x4d: {  	[tilespmem:s0+$0x30] =	vst v5  }
0x4e: {  	[tilespmem:s0+$0x20] =	vst v5  }
0x4f: {  	[tilespmem:s0+$0x10] =	vst v5  }
0x50: {  	[tilespmem:s0+$0x0] =	vst v5  }
0x51: {  	[tilespmem:s0+$0xFFFFFFF0] =	vst v5  }
0x52: {  	[tilespmem:s0+$0xFFFFFFE0] =	vst v5  }
0x53: {  	[tilespmem:s0+$0xFFFFFFD0] =	vst v5  }
0x54: {  	[tilespmem:s0+$0xFFFFFFC0] =	vst v5  }
0x55: {  	[tilespmem:s0+$0xFFFFFFB0] =	vst v5  }
0x56: {  	[tilespmem:s0+$0xFFFFFFA0] =	vst v5  }
0x57: {  	[tilespmem:s0+$0xFFFFFF90] =	vst v5  }
0x58: {  	[tilespmem:s0+$0xFFFFFF80] =	vst v5  }
0x59: {  	[tilespmem:s0+$0xFFFFFF70] =	vst v5  }
0x5a: {  	[tilespmem:s0+$0xFFFFFF60] =	vst v5  }
0x5b: {  	[tilespmem:s0+$0xFFFFFF50] =	vst v5  }
0x5c: {  	[tilespmem:s0+$0xFFFFFF40] =	vst v5  }
0x5d: {  	[tilespmem:s0+$0xFFFFFF30] =	vst v5  }
.Ltmp0:
0x5e: {  	[tilespmem:s0+$0xFFFFFF20] =	vst v5;
	(pc) =	sbr.rel @p0 .LBB2_2-.Ltmp0, $4  }
0x5f: {  	[tilespmem:s0+$0xFFFFFF10] =	vst v5  }
0x60: {  	[tilespmem:s0+$0xFFFFFF00] =	vst v5  }
0x61: {  	[tilespmem:s0+$0xFFFFFEF0] =	vst v5  }
0x62: {  	[tilespmem:s0+$0xFFFFFEE0] =	vst v5  }
0x63: {  	[tilespmem:s0+$0xFFFFFED0] =	vst v5  }
0x64: {  	[spmem:s8] =	stream.linear.scatter [tilespmem:s16], [sflag:$0x5], $0x2800, $0x38;
	[tilespmem:$0x12A00] =	vst v63  }
0x65: {  	_ =	swait.ge [sflag:s17], $0x2800  }
0x66: {  	[sflag:s17] =	ssyncset.done $0x0  }
0x67: {  	s31 =	rddreg [dreg:$0x3];
	[sflag:s17] =	ssyncadd.s32 $0xFFFFD800  }
0x68: {  	[spmem:s31] =	stream.linear.scatter [tilespmem:s16], [sflag:$0x5], $0x2800, $0x38;
	[tilespmem:$0x12A00] =	vst v63  }
0x69: {  	_ =	swait.ge [sflag:s17], $0x2800  }
0x6a: {  	[sflag:s17] =	ssyncset.done $0x0  }
0x6b: {  	[sflag:s17] =	ssyncadd.s32 $0xFFFFD800  }
0x6c: {  	[spmem:s10] =	stream.linear.scatter [tilespmem:s16], [sflag:$0x5], $0x2800, $0x38;
	[tilespmem:$0x12A00] =	vst v63  }
0x6d: {  	_ =	swait.ge [sflag:s17], $0x2800  }
0x6e: {  	[sflag:s17] =	ssyncset.done $0x0  }
0x6f: {  	[sflag:s17] =	ssyncadd.s32 $0xFFFFD800  }
0x70: {  	[spmem:s11] =	stream.linear.scatter [tilespmem:s16], [sflag:$0x5], $0x2800, $0x38;
	[tilespmem:$0x12A00] =	vst v63  }
0x71: {  	_ =	swait.ge [sflag:s17], $0x2800  }
0x72: {  	[sflag:s17] =	ssyncset.done $0x0  }
0x73: {  	[sflag:s17] =	ssyncadd.s32 $0xFFFFD800  }
0x74: {  	[spmem:s13] =	stream.linear.scatter [tilespmem:s16], [sflag:$0x5], $0x2800, $0x38;
	[tilespmem:$0x12A00] =	vst v63  }
0x75: {  	_ =	swait.ge [sflag:s17], $0x2800  }
0x76: {  	[sflag:s17] =	ssyncset.done $0x0  }
0x77: {  	[sflag:s17] =	ssyncadd.s32 $0xFFFFD800  }
0x78: {  	s30 =	simm.s32 $0x0;
	[bflag:$0x0] =	sbarrier.arrive $0xFFFF  }
.LBB2_4:
0x79: {  	s0 =	sshll.u32 s30, $0x8  }
0x7a: {  	s0 =	sadd.s32 s12, s0  }
0x7b: {  	s0 =	sshrl.u32 s0, $0x3  }
0x7c: {  	s1 =	sadd.s32 s6, s0  }
0x7d: {  	[tilespmem:s3], [sflag:$0x1] =	stream.linear.gather [hbm4b:s1+s3], $0x80, $0x38;
	[tilespmem:$0x12A00] =	vst v63  }
0x7e: {  	s9 =	sadd.s32 s7, s0;
	s0 =	sor.u32 $0x10, s0  }
0x7f: {  	[tilespmem:s18], [sflag:$0x1] =	stream.linear.gather [hbm4b:s9+s3], $0x80, $0x38;
	[tilespmem:$0x12A00] =	vst v63  }
0x80: {  	s9 =	sadd.s32 s6, s0  }
0x81: {  	[tilespmem:s19], [sflag:$0x2] =	stream.linear.gather [hbm4b:s9+s3], $0x80, $0x38;
	[tilespmem:$0x12A00] =	vst v63  }
0x82: {  	s0 =	sadd.s32 s7, s0  }
0x83: {  	[tilespmem:s20], [sflag:$0x2] =	stream.linear.gather [hbm4b:s0+s3], $0x80, $0x38;
	[tilespmem:$0x12A00] =	vst v63  }
0x84: {  	_ =	swait.ge [sflag:s21], $0x80  }
0x85: {  	[sflag:s21] =	ssyncset.done $0x0  }
0x86: {  	[sflag:s21] =	ssyncadd.s32 $0xFFFFFF80  }
0x87: {  	_ =	swait.ge [sflag:s21], $0x80  }
0x88: {  	[sflag:s21] =	ssyncset.done $0x0  }
0x89: {  	[sflag:s21] =	ssyncadd.s32 $0xFFFFFF80  }
0x8a: {  	v6 =	vld [tilespmem:$0x0]  }
0x8b: {  	v7 =	vld [tilespmem:$0x10]  }
0x8c: {  	v8 =	vld [tilespmem:$0x20]  }
0x8d: {  	v9 =	vld [tilespmem:$0x30]  }
0x8e: {  	v10 =	vld [tilespmem:$0x40]  }
0x8f: {  	v11 =	vld [tilespmem:$0x50];
	v6 =	vadd.s32 v0, v6  }
0x90: {  	[tilespmem:$0x0] =	vst v6;
	v6 =	vadd.s32 v0, v7;
	v7 =	vld [tilespmem:$0x60]  }
0x91: {  	[tilespmem:$0x10] =	vst v6;
	v6 =	vadd.s32 v0, v8;
	v8 =	vld [tilespmem:$0x70]  }
0x92: {  	[tilespmem:$0x20] =	vst v6;
	v6 =	vadd.s32 v0, v9  }
0x93: {  	[tilespmem:$0x30] =	vst v6;
	v6 =	vadd.s32 v0, v10  }
0x94: {  	[tilespmem:$0x40] =	vst v6;
	v6 =	vadd.s32 v0, v11  }
0x95: {  	[tilespmem:$0x50] =	vst v6;
	v6 =	vadd.s32 v0, v7  }
0x96: {  	[tilespmem:$0x60] =	vst v6;
	v6 =	vadd.s32 v0, v8  }
0x97: {  	[tilespmem:$0x70] =	vst v6  }
0x98: {  	[tilespmem:s16], [sflag:$0x3] =	stream.indirect.gather [hbm4b:s4+s18], $0x50, s3, s18, $0xb8;
	[tilespmem:$0x12A00] =	vst v63  }
0x99: {  	_ = 	snop  }
0x9a: {  	[tilespmem:s22], [sflag:$0x3] =	stream.indirect.gather [hbm4b:s5+s18], $0x10, s18, s18, $0xb8;
	[tilespmem:$0x12A00] =	vst v63  }
0x9b: {  	_ =	swait.ge [sflag:s23], $0x80  }
0x9c: {  	[sflag:s23] =	ssyncset.done $0x0  }
0x9d: {  	[sflag:s23] =	ssyncadd.s32 $0xFFFFFF80  }
0x9e: {  	_ =	swait.ge [sflag:s23], $0x80  }
0x9f: {  	[sflag:s23] =	ssyncset.done $0x0  }
0xa0: {  	[sflag:s23] =	ssyncadd.s32 $0xFFFFFF80  }
0xa1: {  	v6 =	vld [tilespmem:$0x100]  }
0xa2: {  	v7 =	vld [tilespmem:$0x110]  }
0xa3: {  	v8 =	vld [tilespmem:$0x120]  }
0xa4: {  	v9 =	vld [tilespmem:$0x130]  }
0xa5: {  	v10 =	vld [tilespmem:$0x140]  }
0xa6: {  	v11 =	vld [tilespmem:$0x150];
	v6 =	vadd.s32 v0, v6  }
0xa7: {  	[tilespmem:$0x100] =	vst v6;
	v6 =	vadd.s32 v0, v7;
	v7 =	vld [tilespmem:$0x160]  }
0xa8: {  	[tilespmem:$0x110] =	vst v6;
	v6 =	vadd.s32 v0, v8;
	v8 =	vld [tilespmem:$0x170]  }
0xa9: {  	[tilespmem:$0x120] =	vst v6;
	v6 =	vadd.s32 v0, v9  }
0xaa: {  	[tilespmem:$0x130] =	vst v6;
	v6 =	vadd.s32 v0, v10  }
0xab: {  	[tilespmem:$0x140] =	vst v6;
	v6 =	vadd.s32 v0, v11  }
0xac: {  	[tilespmem:$0x150] =	vst v6;
	v6 =	vadd.s32 v0, v7  }
0xad: {  	[tilespmem:$0x160] =	vst v6;
	v6 =	vadd.s32 v0, v8  }
0xae: {  	[tilespmem:$0x170] =	vst v6  }
0xaf: {  	[tilespmem:s24], [sflag:$0x4] =	stream.indirect.gather [hbm4b:s4+s18], $0x50, s19, s18, $0xb8;
	[tilespmem:$0x12A00] =	vst v63  }
0xb0: {  	_ = 	snop  }
0xb1: {  	[tilespmem:s25], [sflag:$0x4] =	stream.indirect.gather [hbm4b:s5+s18], $0x10, s20, s18, $0xb8;
	[tilespmem:$0x12A00] =	vst v63  }
0xb2: {  	_ =	swait.ge [sflag:s26], $0x2800  }
0xb3: {  	[sflag:s26] =	ssyncset.done $0x0  }
0xb4: {  	[sflag:s26] =	ssyncadd.s32 $0xFFFFD800  }
0xb5: {  	_ =	swait.ge [sflag:s26], $0x800  }
0xb6: {  	[sflag:s26] =	ssyncset.done $0x0  }
0xb7: {  	s31 =	simm.s32 $0x340;
	[sflag:s26] =	ssyncadd.s32 $0xFFFFF800  }
0xb8: {  	s0 =	simm.s32 $0x5240;
	v6 =	vld [tilespmem:s31+$0x130]  }
0xb9: {  	v7 =	vld [tilespmem:s0+$0x30]  }
0xba: {  	v8 =	vld [tilespmem:s0+$0xFFFFFFC0]  }
0xbb: {  	v9 =	vld [tilespmem:s31+$0xFFFFFF50]  }
0xbc: {  	v10 =	vld [tilespmem:s0+$0xFFFFFFD0]  }
0xbd: {  	v11 =	vld [tilespmem:s31+$0xFFFFFFA0]  }
0xbe: {  	v12 =	vld [tilespmem:s0+$0xFFFFFFE0]  }
0xbf: {  	v13 =	vld [tilespmem:s0+$0xFFFFFFF0]  }
0xc0: {  	v6 =	vadd.f32 v7, v6;
	v7 =	vld [tilespmem:s31+$0xFFFFFFF0]  }
0xc1: {  	v15 =	vld [tilespmem:s31+$0x40]  }
0xc2: {  	v16 =	vld [tilespmem:s0+$0x0];
	v9 =	vadd.f32 v10, v9;
	v14 =	vmul.f32 $2.000000030e-01, v6  }
0xc3: {  	v10 =	vld [tilespmem:s31+$0x90]  }
0xc4: {  	v11 =	vadd.f32 v12, v11;
	v12 =	vld [tilespmem:s0+$0x10];
	v6 =	vmax.f32 v6, v14;
	v14 =	vmul.f32 $2.000000030e-01, v9  }
0xc5: {  	v6 =	vmul.f32 $1.442695020e+00, v6;
	v7 =	vadd.f32 v13, v7;
	v13 =	vld [tilespmem:s31+$0xE0]  }
0xc6: {  	v9 =	vmax.f32 v9, v14;
	v14 =	vld [tilespmem:s31+$0xFFFFFF00]  }
0xc7: {  	v15 =	vadd.f32 v16, v15;
	v17 =	vmul.f32 $2.000000030e-01, v11;
	(erf) = vpow2.f32 v6;
	v6 =	vld [tilespmem:s0+$0x20]  }
0xc8: {  	v18 =	vmul.f32 $2.000000030e-01, v7;
	v9 =	vmul.f32 $1.442695020e+00, v9  }
0xc9: {  	v28 =	vld [tilespmem:s31+$0xFFFFFEC0];
	v16 =	vmul.f32 $2.000000030e-01, v15;
	v11 =	vmax.f32 v11, v17;
	v10 =	vadd.f32 v12, v10  }
0xca: {  	v38 =	vld [tilespmem:s31+$0xFFFFFED0];
	v11 =	vmul.f32 $1.442695020e+00, v11;
	v7 =	vmax.f32 v7, v18;
	(erf) = vpow2.f32 v9  }
0xcb: {  	v41 =	vld [tilespmem:s31+$0xFFFFFEE0];
	v12 =	vmul.f32 $2.000000030e-01, v10;
	v7 =	vmul.f32 $1.442695020e+00, v7;
	v8 =	vadd.f32 v8, v14  }
0xcc: {  	v42 =	vld [tilespmem:s31+$0xFFFFFEF0];
	v9 =	vmax.f32 v15, v16;
	(erf) = vpow2.f32 v11;
	v6 =	vadd.f32 v6, v13  }
0xcd: {  	v44 =	vld [tilespmem:s31+$0xFFFFFF10];
	(erf) = vpow2.f32 v7;
	v7 =	vmax.f32 v10, v12;
	v12 =	vmul.f32 $2.000000030e-01, v8  }
0xce: {  	v9 =	vmul.f32 $1.442695020e+00, v9;
	v11 =	vld [tilespmem:s31+$0x120];
	v10 =	vmul.f32 $2.000000030e-01, v6  }
0xcf: {  	v45 =	vld [tilespmem:s31+$0xFFFFFF20];
	v7 =	vmul.f32 $1.442695020e+00, v7;
	v8 =	vmax.f32 v8, v12  }
0xd0: {  	v47 =	vld [tilespmem:s31+$0xFFFFFF30];
	v46 =	vpop (erf);
	(erf) = vpow2.f32 v9;
	v6 =	vmax.f32 v6, v10;
	v8 =	vmul.f32 $1.442695020e+00, v8  }
0xd1: {  	v48 =	vld [tilespmem:s31+$0xFFFFFF40];
	v9 =	vperm.xlane v46, v4;
	v10 =	vmul.f32 $1.442695020e+00, v6  }
0xd2: {  	v53 =	vld [tilespmem:s31+$0xFFFFFF60];
	(erf) = vpow2.f32 v7;
	v6 =	vperm.xlane v46, v1  }
0xd3: {  	v54 =	vld [tilespmem:s31+$0xFFFFFF70];
	v7 =	vperm.xlane v46, v2;
	v30 =	vpop (erf);
	v29 =	vmul.f32 v11, v9  }
0xd4: {  	v55 =	vld [tilespmem:s31+$0xFFFFFF80];
	(erf) = vpow2.f32 v10;
	v49 =	vperm.xlane v30, v1  }
0xd5: {  	v19 =	vld [tilespmem:s31+$0x10];
	v50 =	vperm.xlane v30, v2;
	v56 =	vperm.xlane v30, v3  }
0xd6: {  	v24 =	vld [tilespmem:s31+$0x20];
	v34 =	vpop (erf);
	v57 =	vperm.xlane v30, v4;
	(erf) = vpow2.f32 v8  }
0xd7: {  	v27 =	vld [tilespmem:s31+$0x30];
	v58 =	vperm.xlane v34, v1;
	v59 =	vperm.xlane v34, v2  }
0xd8: {  	v31 =	vld [tilespmem:s31+$0x50];
	v60 =	vperm.xlane v34, v3;
	v18 =	vperm.xlane v34, v4;
	v13 =	vpop (erf)  }
0xd9: {  	v33 =	vld [tilespmem:s31+$0x60];
	v25 =	vperm.xlane v13, v1;
	v15 =	vperm.xlane v13, v2  }
0xda: {  	v39 =	vld [tilespmem:s31+$0x70];
	[tilespmem:s31+$0xFFFFFFF0] =	vst v13;
	v22 =	vperm.xlane v13, v3;
	v13 =	vperm.xlane v13, v4;
	v17 =	vpop (erf)  }
0xdb: {  	v37 =	vld [tilespmem:s31+$0x80];
	v23 =	vperm.xlane v17, v1;
	v16 =	vperm.xlane v17, v2  }
0xdc: {  	v40 =	vld [tilespmem:s31+$0xA0];
	[tilespmem:s31+$0x40] =	vst v17;
	v32 =	vpop (erf);
	v21 =	vperm.xlane v17, v3;
	v17 =	vperm.xlane v17, v4  }
0xdd: {  	v14 =	vld [tilespmem:s31+$0x0];
	[tilespmem:s31+$0xFFFFFF50] =	vst v30;
	v26 =	vperm.xlane v32, v1;
	v20 =	vperm.xlane v32, v2  }
0xde: {  	v12 =	vld [tilespmem:s31+$0xFFFFFFE0];
	[tilespmem:s31+$0x90] =	vst v32;
	v35 =	vperm.xlane v32, v3;
	v32 =	vperm.xlane v32, v4;
	v43 =	vpop (erf)  }
0xdf: {  	v9 =	vld [tilespmem:s31+$0xFFFFFFC0];
	[tilespmem:s31+$0xFFFFFFA0] =	vst v34;
	v36 =	vperm.xlane v43, v1;
	v30 =	vperm.xlane v43, v2  }
0xe0: {  	v10 =	vld [tilespmem:s31+$0xFFFFFF90];
	[tilespmem:s31+$0x120] =	vst v29;
	v51 =	vpop (erf);
	v34 =	vperm.xlane v43, v3;
	v29 =	vperm.xlane v43, v4  }
0xe1: {  	v11 =	vld [tilespmem:s31+$0xFFFFFFD0];
	v52 =	vperm.xlane v51, v1;
	v61 =	vperm.xlane v51, v2  }
0xe2: {  	v8 =	vld [tilespmem:s31+$0xFFFFFFB0];
	[tilespmem:s31+$0xE0] =	vst v43;
	v62 =	vperm.xlane v51, v3;
	v63 =	vperm.xlane v51, v4  }
0xe3: {  	v43 =	vld [tilespmem:s31+$0xB0];
	[tilespmem:s31+$0xFFFFFF00] =	vst v51;
	v51 =	vmul.f32 v45, v50;
	v52 =	vmul.f32 v28, v52  }
0xe4: {  	[tilespmem:s31+$0x130] =	vst v46;
	v45 =	vld [tilespmem:s31+$0x110];
	v28 =	vperm.xlane v46, v3;
	v46 =	vmul.f32 v38, v61  }
0xe5: {  	v50 =	vmul.f32 v48, v57;
	v61 =	vmul.f32 v41, v62;
	v38 =	vld [tilespmem:s31+$0xC0];
	[tilespmem:s31+$0xFFFFFEC0] =	vst v52  }
0xe6: {  	v48 =	vmul.f32 v54, v59;
	v62 =	vmul.f32 v42, v63;
	v41 =	vld [tilespmem:s31+$0xD0];
	[tilespmem:s31+$0xFFFFFED0] =	vst v46  }
0xe7: {  	v42 =	vld [tilespmem:s31+$0xF0];
	v52 =	vmul.f32 v44, v49;
	v49 =	vmul.f32 v47, v56;
	[tilespmem:s31+$0xFFFFFEE0] =	vst v61  }
0xe8: {  	s1 =	simm.s32 $0x0;
	s9 =	simm.s32 $0x5C0;
	v47 =	vmul.f32 v53, v58;
	v44 =	vld [tilespmem:s31+$0x100];
	[tilespmem:s31+$0xFFFFFEF0] =	vst v62;
	v46 =	vmul.f32 v55, v60  }
.LBB2_5:
0xe9: {  	v53 =	vld [tilespmem:s9+$0x130];
	[tilespmem:s31+$0xFFFFFF10] =	vst v52;
	v10 =	vmul.f32 v10, v18;
	v8 =	vmul.f32 v8, v25;
	s0 =	sadd.s32 $0x80, s0  }
0xea: {  	s1 =	sadd.s32 $0x8, s1;
	v9 =	vmul.f32 v9, v15;
	v11 =	vmul.f32 v11, v22;
	v18 =	vld [tilespmem:s0+$0x30];
	[tilespmem:s31+$0xFFFFFF20] =	vst v51  }
0xeb: {  	v12 =	vmul.f32 v12, v13;
	v13 =	vmul.f32 v14, v23;
	p0 =	slt.u32 s1, $0x78;
	v15 =	vld [tilespmem:s0+$0xFFFFFFC0];
	[tilespmem:s31+$0xFFFFFF30] =	vst v49  }
0xec: {  	v16 =	vmul.f32 v19, v16;
	v19 =	vmul.f32 v24, v21;
	v14 =	vld [tilespmem:s9+$0xFFFFFF50];
	[tilespmem:s31+$0xFFFFFF40] =	vst v50  }
0xed: {  	v17 =	vmul.f32 v27, v17;
	v22 =	vmul.f32 v31, v26;
	v21 =	vld [tilespmem:s0+$0xFFFFFFD0];
	[tilespmem:s31+$0xFFFFFF60] =	vst v47  }
0xee: {  	v20 =	vmul.f32 v33, v20;
	v24 =	vmul.f32 v39, v35;
	v23 =	vld [tilespmem:s9+$0xFFFFFFA0];
	[tilespmem:s31+$0xFFFFFF70] =	vst v48  }
0xef: {  	v26 =	vmul.f32 v37, v32;
	v27 =	vmul.f32 v40, v36;
	v25 =	vld [tilespmem:s0+$0xFFFFFFE0];
	v18 =	vadd.f32 v18, v53;
	[tilespmem:s31+$0xFFFFFF80] =	vst v46  }
0xf0: {  	v31 =	vld [tilespmem:s9+$0xFFFFFFF0];
	[tilespmem:s31+$0xFFFFFF90] =	vst v10;
	v10 =	vmul.f32 v43, v30;
	v30 =	vmul.f32 v38, v34  }
0xf1: {  	v32 =	vld [tilespmem:s0+$0xFFFFFFF0];
	v33 =	vmul.f32 $2.000000030e-01, v18;
	[tilespmem:s31+$0xFFFFFFB0] =	vst v8;
	v8 =	vmul.f32 v41, v29  }
0xf2: {  	v6 =	vmul.f32 v42, v6;
	v7 =	vmul.f32 v44, v7;
	v14 =	vadd.f32 v21, v14;
	v21 =	vld [tilespmem:s9+$0x40];
	[tilespmem:s31+$0xFFFFFFC0] =	vst v9  }
0xf3: {  	v9 =	vld [tilespmem:s0+$0x0];
	v18 =	vmax.f32 v18, v33;
	[tilespmem:s31+$0xFFFFFFD0] =	vst v11;
	v11 =	vmul.f32 v45, v28  }
0xf4: {  	v28 =	vmul.f32 $2.000000030e-01, v14;
	v23 =	vadd.f32 v25, v23;
	v25 =	vld [tilespmem:s9+$0x90];
	v18 =	vmul.f32 $1.442695020e+00, v18;
	[tilespmem:s31+$0xFFFFFFE0] =	vst v12  }
0xf5: {  	v12 =	vld [tilespmem:s0+$0x10];
	[tilespmem:s31+$0x0] =	vst v13  }
0xf6: {  	v13 =	vmul.f32 $2.000000030e-01, v23;
	v29 =	vadd.f32 v32, v31;
	v31 =	vld [tilespmem:s9+$0xE0];
	(erf) = vpow2.f32 v18;
	[tilespmem:s31+$0x10] =	vst v16  }
0xf7: {  	v14 =	vmax.f32 v14, v28;
	v16 =	vld [tilespmem:s0+$0x20];
	[tilespmem:s31+$0x20] =	vst v19  }
0xf8: {  	v18 =	vld [tilespmem:s9+$0xFFFFFF00];
	v13 =	vmax.f32 v23, v13;
	v19 =	vmul.f32 $2.000000030e-01, v29;
	v9 =	vadd.f32 v9, v21;
	[tilespmem:s31+$0x30] =	vst v17  }
0xf9: {  	v14 =	vmul.f32 $1.442695020e+00, v14;
	v28 =	vld [tilespmem:s9+$0xFFFFFEC0];
	v13 =	vmul.f32 $1.442695020e+00, v13;
	[tilespmem:s31+$0x50] =	vst v22  }
0xfa: {  	v38 =	vld [tilespmem:s9+$0xFFFFFED0];
	v17 =	vmax.f32 v29, v19;
	v19 =	vmul.f32 $2.000000030e-01, v9;
	v12 =	vadd.f32 v12, v25;
	[tilespmem:s31+$0x60] =	vst v20  }
0xfb: {  	v41 =	vld [tilespmem:s9+$0xFFFFFEE0];
	v17 =	vmul.f32 $1.442695020e+00, v17;
	(erf) = vpow2.f32 v14;
	[tilespmem:s31+$0x70] =	vst v24  }
0xfc: {  	v42 =	vld [tilespmem:s9+$0xFFFFFEF0];
	v9 =	vmax.f32 v9, v19;
	v14 =	vmul.f32 $2.000000030e-01, v12;
	v16 =	vadd.f32 v16, v31;
	[tilespmem:s31+$0x80] =	vst v26  }
0xfd: {  	v15 =	vadd.f32 v15, v18;
	v9 =	vmul.f32 $1.442695020e+00, v9;
	v18 =	vld [tilespmem:s9+$0x120];
	(erf) = vpow2.f32 v13;
	[tilespmem:s31+$0xA0] =	vst v27  }
0xfe: {  	v44 =	vld [tilespmem:s9+$0xFFFFFF10];
	v12 =	vmax.f32 v12, v14;
	v13 =	vmul.f32 $2.000000030e-01, v16;
	(erf) = vpow2.f32 v17;
	[tilespmem:s31+$0xB0] =	vst v10  }
0xff: {  	v10 =	vmul.f32 $2.000000030e-01, v15;
	v45 =	vld [tilespmem:s9+$0xFFFFFF20];
	v12 =	vmul.f32 $1.442695020e+00, v12;
	v46 =	vpop (erf);
	[tilespmem:s31+$0xC0] =	vst v30  }
0x100: {  	v47 =	vld [tilespmem:s9+$0xFFFFFF30];
	v13 =	vmax.f32 v16, v13;
	v14 =	vperm.xlane v46, v4;
	(erf) = vpow2.f32 v9;
	[tilespmem:s31+$0xD0] =	vst v8  }
0x101: {  	v8 =	vmax.f32 v15, v10;
	v48 =	vld [tilespmem:s9+$0xFFFFFF40];
	v9 =	vmul.f32 $1.442695020e+00, v13;
	(erf) = vpow2.f32 v12;
	[tilespmem:s31+$0xF0] =	vst v6  }
0x102: {  	v12 =	vmul.f32 $1.442695020e+00, v8;
	v53 =	vld [tilespmem:s9+$0xFFFFFF60];
	v10 =	vmul.f32 v18, v14;
	[tilespmem:s31+$0x100] =	vst v7  }
0x103: {  	v6 =	vperm.xlane v46, v1;
	v54 =	vld [tilespmem:s9+$0xFFFFFF70];
	(erf) = vpow2.f32 v9;
	[tilespmem:s31+$0x110] =	vst v11;
	s31 =	smov.u32 s9  }
0x104: {  	v7 =	vperm.xlane v46, v2;
	v55 =	vld [tilespmem:s9+$0xFFFFFF80];
	[tilespmem:s9+$0x120] =	vst v10;
	(erf) = vpow2.f32 v12;
	v8 =	vpop (erf)  }
0x105: {  	[tilespmem:s9+$0xFFFFFF50] =	vst v8;
	v49 =	vperm.xlane v8, v1;
	v50 =	vperm.xlane v8, v2;
	v10 =	vld [tilespmem:s9+$0xFFFFFF90]  }
0x106: {  	v56 =	vperm.xlane v8, v3;
	v57 =	vperm.xlane v8, v4;
	v8 =	vld [tilespmem:s9+$0xFFFFFFB0];
	[tilespmem:s9+$0x130] =	vst v46;
	v11 =	vpop (erf)  }
0x107: {  	[tilespmem:s9+$0xFFFFFFA0] =	vst v11;
	v58 =	vperm.xlane v11, v1;
	v59 =	vperm.xlane v11, v2;
	v9 =	vld [tilespmem:s9+$0xFFFFFFC0];
	v13 =	vpop (erf)  }
0x108: {  	v60 =	vperm.xlane v11, v3;
	v18 =	vperm.xlane v11, v4;
	[tilespmem:s9+$0xFFFFFFF0] =	vst v13;
	v11 =	vld [tilespmem:s9+$0xFFFFFFD0]  }
0x109: {  	v25 =	vperm.xlane v13, v1;
	v15 =	vperm.xlane v13, v2;
	v12 =	vld [tilespmem:s9+$0xFFFFFFE0];
	v17 =	vpop (erf)  }
0x10a: {  	v22 =	vperm.xlane v13, v3;
	v13 =	vperm.xlane v13, v4;
	[tilespmem:s9+$0x40] =	vst v17;
	v14 =	vld [tilespmem:s9+$0x0];
	v29 =	vpop (erf)  }
0x10b: {  	v23 =	vperm.xlane v17, v1;
	v16 =	vperm.xlane v17, v2;
	v19 =	vld [tilespmem:s9+$0x10];
	[tilespmem:s9+$0x90] =	vst v29  }
0x10c: {  	v21 =	vperm.xlane v17, v3;
	v17 =	vperm.xlane v17, v4;
	v24 =	vld [tilespmem:s9+$0x20];
	v43 =	vpop (erf)  }
0x10d: {  	v26 =	vperm.xlane v29, v1;
	v20 =	vperm.xlane v29, v2;
	v27 =	vld [tilespmem:s9+$0x30];
	[tilespmem:s9+$0xE0] =	vst v43;
	v30 =	vpop (erf)  }
0x10e: {  	[tilespmem:s9+$0xFFFFFF00] =	vst v30;
	v51 =	vperm.xlane v30, v1;
	v52 =	vperm.xlane v30, v2;
	v31 =	vld [tilespmem:s9+$0x50]  }
0x10f: {  	v61 =	vperm.xlane v30, v3;
	v62 =	vperm.xlane v30, v4;
	v33 =	vld [tilespmem:s9+$0x60]  }
0x110: {  	v35 =	vperm.xlane v29, v3;
	v32 =	vperm.xlane v29, v4;
	v39 =	vld [tilespmem:s9+$0x70]  }
0x111: {  	v36 =	vperm.xlane v43, v1;
	v30 =	vperm.xlane v43, v2;
	v37 =	vld [tilespmem:s9+$0x80]  }
0x112: {  	v34 =	vperm.xlane v43, v3;
	v29 =	vperm.xlane v43, v4;
	v40 =	vld [tilespmem:s9+$0xA0]  }
0x113: {  	v51 =	vmul.f32 v28, v51;
	v28 =	vperm.xlane v46, v3;
	v43 =	vld [tilespmem:s9+$0xB0]  }
.Ltmp1:
0x114: {  	v46 =	vmul.f32 v38, v52;
	v61 =	vmul.f32 v41, v61;
	v38 =	vld [tilespmem:s9+$0xC0];
	(pc) =	sbr.rel @p0 .LBB2_5-.Ltmp1, $4  }
0x115: {  	v62 =	vmul.f32 v42, v62;
	v52 =	vmul.f32 v44, v49;
	[tilespmem:s9+$0xFFFFFEC0] =	vst v51;
	v41 =	vld [tilespmem:s9+$0xD0]  }
0x116: {  	v49 =	vmul.f32 v47, v56;
	v51 =	vmul.f32 v45, v50;
	[tilespmem:s9+$0xFFFFFED0] =	vst v46;
	v42 =	vld [tilespmem:s9+$0xF0]  }
0x117: {  	v47 =	vmul.f32 v53, v58;
	v50 =	vmul.f32 v48, v57;
	[tilespmem:s9+$0xFFFFFEE0] =	vst v61;
	v44 =	vld [tilespmem:s9+$0x100]  }
0x118: {  	v48 =	vmul.f32 v54, v59;
	v46 =	vmul.f32 v55, v60;
	s9 =	sadd.s32 $0x280, s9;
	[tilespmem:s31+$0xFFFFFEF0] =	vst v62;
	v45 =	vld [tilespmem:s31+$0x110]  }
0x119: {  	[tilespmem:s31+$0xFFFFFF10] =	vst v52  }
0x11a: {  	[tilespmem:s31+$0xFFFFFF20] =	vst v51  }
0x11b: {  	[tilespmem:s31+$0xFFFFFF30] =	vst v49  }
0x11c: {  	[tilespmem:s31+$0xFFFFFF40] =	vst v50  }
0x11d: {  	[tilespmem:s31+$0xFFFFFF60] =	vst v47  }
0x11e: {  	v10 =	vmul.f32 v10, v18;
	[tilespmem:s31+$0xFFFFFF70] =	vst v48  }
0x11f: {  	v8 =	vmul.f32 v8, v25;
	[tilespmem:s31+$0xFFFFFF80] =	vst v46  }
0x120: {  	v9 =	vmul.f32 v9, v15;
	[tilespmem:s31+$0xFFFFFF90] =	vst v10  }
0x121: {  	v10 =	vmul.f32 v11, v22;
	[tilespmem:s31+$0xFFFFFFB0] =	vst v8  }
0x122: {  	v8 =	vmul.f32 v12, v13;
	[tilespmem:s31+$0xFFFFFFC0] =	vst v9  }
0x123: {  	v9 =	vmul.f32 v14, v23;
	[tilespmem:s31+$0xFFFFFFD0] =	vst v10  }
0x124: {  	v6 =	vmul.f32 v42, v6;
	[tilespmem:s31+$0xFFFFFFE0] =	vst v8  }
0x125: {  	v7 =	vmul.f32 v44, v7;
	[tilespmem:s31+$0x0] =	vst v9  }
0x126: {  	v10 =	vmul.f32 v19, v16;
	[tilespmem:s31+$0xF0] =	vst v6  }
0x127: {  	v8 =	vmul.f32 v24, v21;
	[tilespmem:s31+$0x100] =	vst v7  }
0x128: {  	v9 =	vmul.f32 v27, v17;
	[tilespmem:s31+$0x10] =	vst v10  }
0x129: {  	v10 =	vmul.f32 v31, v26;
	[tilespmem:s31+$0x20] =	vst v8  }
0x12a: {  	v8 =	vmul.f32 v33, v20;
	[tilespmem:s31+$0x30] =	vst v9  }
0x12b: {  	v9 =	vmul.f32 v39, v35;
	[tilespmem:s31+$0x50] =	vst v10  }
0x12c: {  	v10 =	vmul.f32 v37, v32;
	[tilespmem:s31+$0x60] =	vst v8  }
0x12d: {  	v8 =	vmul.f32 v40, v36;
	[tilespmem:s31+$0x70] =	vst v9  }
0x12e: {  	v9 =	vmul.f32 v43, v30;
	[tilespmem:s31+$0x80] =	vst v10  }
0x12f: {  	[tilespmem:s31+$0xA0] =	vst v8;
	v8 =	vmul.f32 v41, v29  }
0x130: {  	v10 =	vmul.f32 v38, v34;
	[tilespmem:s31+$0xB0] =	vst v9  }
0x131: {  	[tilespmem:s31+$0xD0] =	vst v8;
	v8 =	vmul.f32 v45, v28  }
0x132: {  	[tilespmem:s31+$0xC0] =	vst v10  }
0x133: {  	[tilespmem:s31+$0x110] =	vst v8  }
0x134: {  	[spmem:s2] =	stream.indirect.scatter.add.f32 [tilespmem:s16], [sflag:$0x5], $0x50, s18, s18, $0xb8;
	[tilespmem:$0x12A00] =	vst v63  }
0x135: {  	_ =	swait.ge [sflag:s17], $0x2800  }
0x136: {  	[sflag:s17] =	ssyncset.done $0x0  }
0x137: {  	[sflag:s17] =	ssyncadd.s32 $0xFFFFD800  }
0x138: {  	_ =	swait.ge [sflag:s28], $0x2800  }
0x139: {  	[sflag:s28] =	ssyncset.done $0x0  }
0x13a: {  	[sflag:s28] =	ssyncadd.s32 $0xFFFFD800  }
0x13b: {  	_ =	swait.ge [sflag:s28], $0x800  }
0x13c: {  	[sflag:s28] =	ssyncset.done $0x0  }
0x13d: {  	s31 =	simm.s32 $0x2B40;
	[sflag:s28] =	ssyncadd.s32 $0xFFFFF800  }
0x13e: {  	s0 =	simm.s32 $0x5A40;
	v6 =	vld [tilespmem:s31+$0x130]  }
0x13f: {  	v7 =	vld [tilespmem:s0+$0x30]  }
0x140: {  	v8 =	vld [tilespmem:s0+$0xFFFFFFC0]  }
0x141: {  	v9 =	vld [tilespmem:s31+$0xFFFFFF50]  }
0x142: {  	v10 =	vld [tilespmem:s0+$0xFFFFFFD0]  }
0x143: {  	v11 =	vld [tilespmem:s31+$0xFFFFFFA0]  }
0x144: {  	v12 =	vld [tilespmem:s0+$0xFFFFFFE0]  }
0x145: {  	v13 =	vld [tilespmem:s0+$0xFFFFFFF0]  }
0x146: {  	v6 =	vadd.f32 v7, v6;
	v7 =	vld [tilespmem:s31+$0xFFFFFFF0]  }
0x147: {  	v15 =	vld [tilespmem:s31+$0x40]  }
0x148: {  	v16 =	vld [tilespmem:s0+$0x0];
	v9 =	vadd.f32 v10, v9;
	v14 =	vmul.f32 $2.000000030e-01, v6  }
0x149: {  	v10 =	vld [tilespmem:s31+$0x90]  }
0x14a: {  	v11 =	vadd.f32 v12, v11;
	v12 =	vld [tilespmem:s0+$0x10];
	v6 =	vmax.f32 v6, v14;
	v14 =	vmul.f32 $2.000000030e-01, v9  }
0x14b: {  	v6 =	vmul.f32 $1.442695020e+00, v6;
	v7 =	vadd.f32 v13, v7;
	v13 =	vld [tilespmem:s31+$0xE0]  }
0x14c: {  	v9 =	vmax.f32 v9, v14;
	v14 =	vld [tilespmem:s31+$0xFFFFFF00]  }
0x14d: {  	v15 =	vadd.f32 v16, v15;
	v17 =	vmul.f32 $2.000000030e-01, v11;
	(erf) = vpow2.f32 v6;
	v6 =	vld [tilespmem:s0+$0x20]  }
0x14e: {  	v18 =	vmul.f32 $2.000000030e-01, v7;
	v9 =	vmul.f32 $1.442695020e+00, v9  }
0x14f: {  	v28 =	vld [tilespmem:s31+$0xFFFFFEC0];
	v16 =	vmul.f32 $2.000000030e-01, v15;
	v11 =	vmax.f32 v11, v17;
	v10 =	vadd.f32 v12, v10  }
0x150: {  	v38 =	vld [tilespmem:s31+$0xFFFFFED0];
	v11 =	vmul.f32 $1.442695020e+00, v11;
	v7 =	vmax.f32 v7, v18;
	(erf) = vpow2.f32 v9  }
0x151: {  	v41 =	vld [tilespmem:s31+$0xFFFFFEE0];
	v12 =	vmul.f32 $2.000000030e-01, v10;
	v7 =	vmul.f32 $1.442695020e+00, v7;
	v8 =	vadd.f32 v8, v14  }
0x152: {  	v42 =	vld [tilespmem:s31+$0xFFFFFEF0];
	v9 =	vmax.f32 v15, v16;
	(erf) = vpow2.f32 v11;
	v6 =	vadd.f32 v6, v13  }
0x153: {  	v44 =	vld [tilespmem:s31+$0xFFFFFF10];
	(erf) = vpow2.f32 v7;
	v7 =	vmax.f32 v10, v12;
	v12 =	vmul.f32 $2.000000030e-01, v8  }
0x154: {  	v9 =	vmul.f32 $1.442695020e+00, v9;
	v11 =	vld [tilespmem:s31+$0x120];
	v10 =	vmul.f32 $2.000000030e-01, v6  }
0x155: {  	v45 =	vld [tilespmem:s31+$0xFFFFFF20];
	v7 =	vmul.f32 $1.442695020e+00, v7;
	v8 =	vmax.f32 v8, v12  }
0x156: {  	v47 =	vld [tilespmem:s31+$0xFFFFFF30];
	v46 =	vpop (erf);
	(erf) = vpow2.f32 v9;
	v6 =	vmax.f32 v6, v10;
	v8 =	vmul.f32 $1.442695020e+00, v8  }
0x157: {  	v48 =	vld [tilespmem:s31+$0xFFFFFF40];
	v9 =	vperm.xlane v46, v4;
	v10 =	vmul.f32 $1.442695020e+00, v6  }
0x158: {  	v53 =	vld [tilespmem:s31+$0xFFFFFF60];
	(erf) = vpow2.f32 v7;
	v6 =	vperm.xlane v46, v1  }
0x159: {  	v54 =	vld [tilespmem:s31+$0xFFFFFF70];
	v7 =	vperm.xlane v46, v2;
	v30 =	vpop (erf);
	v29 =	vmul.f32 v11, v9  }
0x15a: {  	v55 =	vld [tilespmem:s31+$0xFFFFFF80];
	(erf) = vpow2.f32 v10;
	v49 =	vperm.xlane v30, v1  }
0x15b: {  	v19 =	vld [tilespmem:s31+$0x10];
	v50 =	vperm.xlane v30, v2;
	v56 =	vperm.xlane v30, v3  }
0x15c: {  	v24 =	vld [tilespmem:s31+$0x20];
	v34 =	vpop (erf);
	v57 =	vperm.xlane v30, v4;
	(erf) = vpow2.f32 v8  }
0x15d: {  	v27 =	vld [tilespmem:s31+$0x30];
	v58 =	vperm.xlane v34, v1;
	v59 =	vperm.xlane v34, v2  }
0x15e: {  	v31 =	vld [tilespmem:s31+$0x50];
	v60 =	vperm.xlane v34, v3;
	v18 =	vperm.xlane v34, v4;
	v13 =	vpop (erf)  }
0x15f: {  	v33 =	vld [tilespmem:s31+$0x60];
	v25 =	vperm.xlane v13, v1;
	v15 =	vperm.xlane v13, v2  }
0x160: {  	v39 =	vld [tilespmem:s31+$0x70];
	[tilespmem:s31+$0xFFFFFFF0] =	vst v13;
	v22 =	vperm.xlane v13, v3;
	v13 =	vperm.xlane v13, v4;
	v17 =	vpop (erf)  }
0x161: {  	v37 =	vld [tilespmem:s31+$0x80];
	v23 =	vperm.xlane v17, v1;
	v16 =	vperm.xlane v17, v2  }
0x162: {  	v40 =	vld [tilespmem:s31+$0xA0];
	[tilespmem:s31+$0x40] =	vst v17;
	v32 =	vpop (erf);
	v21 =	vperm.xlane v17, v3;
	v17 =	vperm.xlane v17, v4  }
0x163: {  	v14 =	vld [tilespmem:s31+$0x0];
	[tilespmem:s31+$0xFFFFFF50] =	vst v30;
	v26 =	vperm.xlane v32, v1;
	v20 =	vperm.xlane v32, v2  }
0x164: {  	v12 =	vld [tilespmem:s31+$0xFFFFFFE0];
	[tilespmem:s31+$0x90] =	vst v32;
	v35 =	vperm.xlane v32, v3;
	v32 =	vperm.xlane v32, v4;
	v43 =	vpop (erf)  }
0x165: {  	v9 =	vld [tilespmem:s31+$0xFFFFFFC0];
	[tilespmem:s31+$0xFFFFFFA0] =	vst v34;
	v36 =	vperm.xlane v43, v1;
	v30 =	vperm.xlane v43, v2  }
0x166: {  	v10 =	vld [tilespmem:s31+$0xFFFFFF90];
	[tilespmem:s31+$0x120] =	vst v29;
	v51 =	vpop (erf);
	v34 =	vperm.xlane v43, v3;
	v29 =	vperm.xlane v43, v4  }
0x167: {  	v11 =	vld [tilespmem:s31+$0xFFFFFFD0];
	v52 =	vperm.xlane v51, v1;
	v61 =	vperm.xlane v51, v2  }
0x168: {  	v8 =	vld [tilespmem:s31+$0xFFFFFFB0];
	[tilespmem:s31+$0xE0] =	vst v43;
	v62 =	vperm.xlane v51, v3;
	v63 =	vperm.xlane v51, v4  }
0x169: {  	v43 =	vld [tilespmem:s31+$0xB0];
	[tilespmem:s31+$0xFFFFFF00] =	vst v51;
	v51 =	vmul.f32 v45, v50;
	v52 =	vmul.f32 v28, v52  }
0x16a: {  	[tilespmem:s31+$0x130] =	vst v46;
	v45 =	vld [tilespmem:s31+$0x110];
	v28 =	vperm.xlane v46, v3;
	v46 =	vmul.f32 v38, v61  }
0x16b: {  	v50 =	vmul.f32 v48, v57;
	v61 =	vmul.f32 v41, v62;
	v38 =	vld [tilespmem:s31+$0xC0];
	[tilespmem:s31+$0xFFFFFEC0] =	vst v52  }
0x16c: {  	v48 =	vmul.f32 v54, v59;
	v62 =	vmul.f32 v42, v63;
	v41 =	vld [tilespmem:s31+$0xD0];
	[tilespmem:s31+$0xFFFFFED0] =	vst v46  }
0x16d: {  	v42 =	vld [tilespmem:s31+$0xF0];
	v52 =	vmul.f32 v44, v49;
	v49 =	vmul.f32 v47, v56;
	[tilespmem:s31+$0xFFFFFEE0] =	vst v61  }
0x16e: {  	s1 =	simm.s32 $0x0;
	s9 =	simm.s32 $0x2DC0;
	v47 =	vmul.f32 v53, v58;
	v44 =	vld [tilespmem:s31+$0x100];
	[tilespmem:s31+$0xFFFFFEF0] =	vst v62;
	v46 =	vmul.f32 v55, v60  }
.LBB2_7:
0x16f: {  	v53 =	vld [tilespmem:s9+$0x130];
	[tilespmem:s31+$0xFFFFFF10] =	vst v52;
	v10 =	vmul.f32 v10, v18;
	v8 =	vmul.f32 v8, v25;
	s0 =	sadd.s32 $0x80, s0  }
0x170: {  	s1 =	sadd.s32 $0x8, s1;
	v9 =	vmul.f32 v9, v15;
	v11 =	vmul.f32 v11, v22;
	v18 =	vld [tilespmem:s0+$0x30];
	[tilespmem:s31+$0xFFFFFF20] =	vst v51  }
0x171: {  	v12 =	vmul.f32 v12, v13;
	v13 =	vmul.f32 v14, v23;
	p0 =	slt.u32 s1, $0x78;
	v15 =	vld [tilespmem:s0+$0xFFFFFFC0];
	[tilespmem:s31+$0xFFFFFF30] =	vst v49  }
0x172: {  	v16 =	vmul.f32 v19, v16;
	v19 =	vmul.f32 v24, v21;
	v14 =	vld [tilespmem:s9+$0xFFFFFF50];
	[tilespmem:s31+$0xFFFFFF40] =	vst v50  }
0x173: {  	v17 =	vmul.f32 v27, v17;
	v22 =	vmul.f32 v31, v26;
	v21 =	vld [tilespmem:s0+$0xFFFFFFD0];
	[tilespmem:s31+$0xFFFFFF60] =	vst v47  }
0x174: {  	v20 =	vmul.f32 v33, v20;
	v24 =	vmul.f32 v39, v35;
	v23 =	vld [tilespmem:s9+$0xFFFFFFA0];
	[tilespmem:s31+$0xFFFFFF70] =	vst v48  }
0x175: {  	v26 =	vmul.f32 v37, v32;
	v27 =	vmul.f32 v40, v36;
	v25 =	vld [tilespmem:s0+$0xFFFFFFE0];
	v18 =	vadd.f32 v18, v53;
	[tilespmem:s31+$0xFFFFFF80] =	vst v46  }
0x176: {  	v31 =	vld [tilespmem:s9+$0xFFFFFFF0];
	[tilespmem:s31+$0xFFFFFF90] =	vst v10;
	v10 =	vmul.f32 v43, v30;
	v30 =	vmul.f32 v38, v34  }
0x177: {  	v32 =	vld [tilespmem:s0+$0xFFFFFFF0];
	v33 =	vmul.f32 $2.000000030e-01, v18;
	[tilespmem:s31+$0xFFFFFFB0] =	vst v8;
	v8 =	vmul.f32 v41, v29  }
0x178: {  	v6 =	vmul.f32 v42, v6;
	v7 =	vmul.f32 v44, v7;
	v14 =	vadd.f32 v21, v14;
	v21 =	vld [tilespmem:s9+$0x40];
	[tilespmem:s31+$0xFFFFFFC0] =	vst v9  }
0x179: {  	v9 =	vld [tilespmem:s0+$0x0];
	v18 =	vmax.f32 v18, v33;
	[tilespmem:s31+$0xFFFFFFD0] =	vst v11;
	v11 =	vmul.f32 v45, v28  }
0x17a: {  	v28 =	vmul.f32 $2.000000030e-01, v14;
	v23 =	vadd.f32 v25, v23;
	v25 =	vld [tilespmem:s9+$0x90];
	v18 =	vmul.f32 $1.442695020e+00, v18;
	[tilespmem:s31+$0xFFFFFFE0] =	vst v12  }
0x17b: {  	v12 =	vld [tilespmem:s0+$0x10];
	[tilespmem:s31+$0x0] =	vst v13  }
0x17c: {  	v13 =	vmul.f32 $2.000000030e-01, v23;
	v29 =	vadd.f32 v32, v31;
	v31 =	vld [tilespmem:s9+$0xE0];
	(erf) = vpow2.f32 v18;
	[tilespmem:s31+$0x10] =	vst v16  }
0x17d: {  	v14 =	vmax.f32 v14, v28;
	v16 =	vld [tilespmem:s0+$0x20];
	[tilespmem:s31+$0x20] =	vst v19  }
0x17e: {  	v18 =	vld [tilespmem:s9+$0xFFFFFF00];
	v13 =	vmax.f32 v23, v13;
	v19 =	vmul.f32 $2.000000030e-01, v29;
	v9 =	vadd.f32 v9, v21;
	[tilespmem:s31+$0x30] =	vst v17  }
0x17f: {  	v14 =	vmul.f32 $1.442695020e+00, v14;
	v28 =	vld [tilespmem:s9+$0xFFFFFEC0];
	v13 =	vmul.f32 $1.442695020e+00, v13;
	[tilespmem:s31+$0x50] =	vst v22  }
0x180: {  	v38 =	vld [tilespmem:s9+$0xFFFFFED0];
	v17 =	vmax.f32 v29, v19;
	v19 =	vmul.f32 $2.000000030e-01, v9;
	v12 =	vadd.f32 v12, v25;
	[tilespmem:s31+$0x60] =	vst v20  }
0x181: {  	v41 =	vld [tilespmem:s9+$0xFFFFFEE0];
	v17 =	vmul.f32 $1.442695020e+00, v17;
	(erf) = vpow2.f32 v14;
	[tilespmem:s31+$0x70] =	vst v24  }
0x182: {  	v42 =	vld [tilespmem:s9+$0xFFFFFEF0];
	v9 =	vmax.f32 v9, v19;
	v14 =	vmul.f32 $2.000000030e-01, v12;
	v16 =	vadd.f32 v16, v31;
	[tilespmem:s31+$0x80] =	vst v26  }
0x183: {  	v15 =	vadd.f32 v15, v18;
	v9 =	vmul.f32 $1.442695020e+00, v9;
	v18 =	vld [tilespmem:s9+$0x120];
	(erf) = vpow2.f32 v13;
	[tilespmem:s31+$0xA0] =	vst v27  }
0x184: {  	v44 =	vld [tilespmem:s9+$0xFFFFFF10];
	v12 =	vmax.f32 v12, v14;
	v13 =	vmul.f32 $2.000000030e-01, v16;
	(erf) = vpow2.f32 v17;
	[tilespmem:s31+$0xB0] =	vst v10  }
0x185: {  	v10 =	vmul.f32 $2.000000030e-01, v15;
	v45 =	vld [tilespmem:s9+$0xFFFFFF20];
	v12 =	vmul.f32 $1.442695020e+00, v12;
	v46 =	vpop (erf);
	[tilespmem:s31+$0xC0] =	vst v30  }
0x186: {  	v47 =	vld [tilespmem:s9+$0xFFFFFF30];
	v13 =	vmax.f32 v16, v13;
	v14 =	vperm.xlane v46, v4;
	(erf) = vpow2.f32 v9;
	[tilespmem:s31+$0xD0] =	vst v8  }
0x187: {  	v8 =	vmax.f32 v15, v10;
	v48 =	vld [tilespmem:s9+$0xFFFFFF40];
	v9 =	vmul.f32 $1.442695020e+00, v13;
	(erf) = vpow2.f32 v12;
	[tilespmem:s31+$0xF0] =	vst v6  }
0x188: {  	v12 =	vmul.f32 $1.442695020e+00, v8;
	v53 =	vld [tilespmem:s9+$0xFFFFFF60];
	v10 =	vmul.f32 v18, v14;
	[tilespmem:s31+$0x100] =	vst v7  }
0x189: {  	v6 =	vperm.xlane v46, v1;
	v54 =	vld [tilespmem:s9+$0xFFFFFF70];
	(erf) = vpow2.f32 v9;
	[tilespmem:s31+$0x110] =	vst v11;
	s31 =	smov.u32 s9  }
0x18a: {  	v7 =	vperm.xlane v46, v2;
	v55 =	vld [tilespmem:s9+$0xFFFFFF80];
	[tilespmem:s9+$0x120] =	vst v10;
	(erf) = vpow2.f32 v12;
	v8 =	vpop (erf)  }
0x18b: {  	[tilespmem:s9+$0xFFFFFF50] =	vst v8;
	v49 =	vperm.xlane v8, v1;
	v50 =	vperm.xlane v8, v2;
	v10 =	vld [tilespmem:s9+$0xFFFFFF90]  }
0x18c: {  	v56 =	vperm.xlane v8, v3;
	v57 =	vperm.xlane v8, v4;
	v8 =	vld [tilespmem:s9+$0xFFFFFFB0];
	[tilespmem:s9+$0x130] =	vst v46;
	v11 =	vpop (erf)  }
0x18d: {  	[tilespmem:s9+$0xFFFFFFA0] =	vst v11;
	v58 =	vperm.xlane v11, v1;
	v59 =	vperm.xlane v11, v2;
	v9 =	vld [tilespmem:s9+$0xFFFFFFC0];
	v13 =	vpop (erf)  }
0x18e: {  	v60 =	vperm.xlane v11, v3;
	v18 =	vperm.xlane v11, v4;
	[tilespmem:s9+$0xFFFFFFF0] =	vst v13;
	v11 =	vld [tilespmem:s9+$0xFFFFFFD0]  }
0x18f: {  	v25 =	vperm.xlane v13, v1;
	v15 =	vperm.xlane v13, v2;
	v12 =	vld [tilespmem:s9+$0xFFFFFFE0];
	v17 =	vpop (erf)  }
0x190: {  	v22 =	vperm.xlane v13, v3;
	v13 =	vperm.xlane v13, v4;
	[tilespmem:s9+$0x40] =	vst v17;
	v14 =	vld [tilespmem:s9+$0x0];
	v29 =	vpop (erf)  }
0x191: {  	v23 =	vperm.xlane v17, v1;
	v16 =	vperm.xlane v17, v2;
	v19 =	vld [tilespmem:s9+$0x10];
	[tilespmem:s9+$0x90] =	vst v29  }
0x192: {  	v21 =	vperm.xlane v17, v3;
	v17 =	vperm.xlane v17, v4;
	v24 =	vld [tilespmem:s9+$0x20];
	v43 =	vpop (erf)  }
0x193: {  	v26 =	vperm.xlane v29, v1;
	v20 =	vperm.xlane v29, v2;
	v27 =	vld [tilespmem:s9+$0x30];
	[tilespmem:s9+$0xE0] =	vst v43;
	v30 =	vpop (erf)  }
0x194: {  	[tilespmem:s9+$0xFFFFFF00] =	vst v30;
	v51 =	vperm.xlane v30, v1;
	v52 =	vperm.xlane v30, v2;
	v31 =	vld [tilespmem:s9+$0x50]  }
0x195: {  	v61 =	vperm.xlane v30, v3;
	v62 =	vperm.xlane v30, v4;
	v33 =	vld [tilespmem:s9+$0x60]  }
0x196: {  	v35 =	vperm.xlane v29, v3;
	v32 =	vperm.xlane v29, v4;
	v39 =	vld [tilespmem:s9+$0x70]  }
0x197: {  	v36 =	vperm.xlane v43, v1;
	v30 =	vperm.xlane v43, v2;
	v37 =	vld [tilespmem:s9+$0x80]  }
0x198: {  	v34 =	vperm.xlane v43, v3;
	v29 =	vperm.xlane v43, v4;
	v40 =	vld [tilespmem:s9+$0xA0]  }
0x199: {  	v51 =	vmul.f32 v28, v51;
	v28 =	vperm.xlane v46, v3;
	v43 =	vld [tilespmem:s9+$0xB0]  }
.Ltmp2:
0x19a: {  	v46 =	vmul.f32 v38, v52;
	v61 =	vmul.f32 v41, v61;
	v38 =	vld [tilespmem:s9+$0xC0];
	(pc) =	sbr.rel @p0 .LBB2_7-.Ltmp2, $4  }
0x19b: {  	v62 =	vmul.f32 v42, v62;
	v52 =	vmul.f32 v44, v49;
	[tilespmem:s9+$0xFFFFFEC0] =	vst v51;
	v41 =	vld [tilespmem:s9+$0xD0]  }
0x19c: {  	v49 =	vmul.f32 v47, v56;
	v51 =	vmul.f32 v45, v50;
	[tilespmem:s9+$0xFFFFFED0] =	vst v46;
	v42 =	vld [tilespmem:s9+$0xF0]  }
0x19d: {  	v47 =	vmul.f32 v53, v58;
	v50 =	vmul.f32 v48, v57;
	[tilespmem:s9+$0xFFFFFEE0] =	vst v61;
	v44 =	vld [tilespmem:s9+$0x100]  }
0x19e: {  	v48 =	vmul.f32 v54, v59;
	v46 =	vmul.f32 v55, v60;
	s9 =	sadd.s32 $0x280, s9;
	[tilespmem:s31+$0xFFFFFEF0] =	vst v62;
	v45 =	vld [tilespmem:s31+$0x110]  }
0x19f: {  	[tilespmem:s31+$0xFFFFFF10] =	vst v52  }
0x1a0: {  	[tilespmem:s31+$0xFFFFFF20] =	vst v51  }
0x1a1: {  	[tilespmem:s31+$0xFFFFFF30] =	vst v49  }
0x1a2: {  	[tilespmem:s31+$0xFFFFFF40] =	vst v50  }
0x1a3: {  	[tilespmem:s31+$0xFFFFFF60] =	vst v47  }
0x1a4: {  	v10 =	vmul.f32 v10, v18;
	[tilespmem:s31+$0xFFFFFF70] =	vst v48  }
0x1a5: {  	v8 =	vmul.f32 v8, v25;
	[tilespmem:s31+$0xFFFFFF80] =	vst v46  }
0x1a6: {  	v9 =	vmul.f32 v9, v15;
	[tilespmem:s31+$0xFFFFFF90] =	vst v10  }
0x1a7: {  	v49 =	vmul.f32 v11, v22;
	[tilespmem:s31+$0xFFFFFFB0] =	vst v8  }
0x1a8: {  	v50 =	vmul.f32 v12, v13;
	[tilespmem:s31+$0xFFFFFFC0] =	vst v9  }
0x1a9: {  	v51 =	vmul.f32 v14, v23;
	[tilespmem:s31+$0xFFFFFFD0] =	vst v49  }
0x1aa: {  	v52 =	vmul.f32 v19, v16;
	[tilespmem:s31+$0xFFFFFFE0] =	vst v50  }
0x1ab: {  	v53 =	vmul.f32 v24, v21;
	[tilespmem:s31+$0x0] =	vst v51  }
0x1ac: {  	v54 =	vmul.f32 v27, v17;
	[tilespmem:s31+$0x10] =	vst v52  }
0x1ad: {  	v55 =	vmul.f32 v31, v26;
	[tilespmem:s31+$0x20] =	vst v53  }
0x1ae: {  	v56 =	vmul.f32 v33, v20;
	[tilespmem:s31+$0x30] =	vst v54  }
0x1af: {  	v57 =	vmul.f32 v39, v35;
	[tilespmem:s31+$0x50] =	vst v55  }
0x1b0: {  	v58 =	vmul.f32 v37, v32;
	[tilespmem:s31+$0x60] =	vst v56  }
0x1b1: {  	v59 =	vmul.f32 v40, v36;
	[tilespmem:s31+$0x70] =	vst v57  }
0x1b2: {  	v60 =	vmul.f32 v43, v30;
	[tilespmem:s31+$0x80] =	vst v58  }
0x1b3: {  	v61 =	vmul.f32 v38, v34;
	[tilespmem:s31+$0xA0] =	vst v59  }
0x1b4: {  	v62 =	vmul.f32 v41, v29;
	[tilespmem:s31+$0xB0] =	vst v60  }
0x1b5: {  	v6 =	vmul.f32 v42, v6;
	[tilespmem:s31+$0xC0] =	vst v61  }
0x1b6: {  	v7 =	vmul.f32 v44, v7;
	[tilespmem:s31+$0xD0] =	vst v62  }
0x1b7: {  	s30 =	sadd.s32 $0x1, s30;
	v63 =	vmul.f32 v45, v28;
	[tilespmem:s31+$0xF0] =	vst v6  }
0x1b8: {  	p0 =	sne.s32 s30, $0x4F;
	[tilespmem:s31+$0x100] =	vst v7  }
.Ltmp3:
0x1b9: {  	[tilespmem:s31+$0x110] =	vst v63;
	(pc) =	sbr.rel @p0 .LBB2_4-.Ltmp3, $4  }
0x1ba: {  	[spmem:s2] =	stream.indirect.scatter.add.f32 [tilespmem:s24], [sflag:$0x5], $0x50, s20, s18, $0xb8;
	[tilespmem:$0x12A00] =	vst v63  }
0x1bb: {  	_ =	swait.ge [sflag:s17], $0x2800  }
0x1bc: {  	[sflag:s17] =	ssyncset.done $0x0  }
0x1bd: {  	[sflag:s17] =	ssyncadd.s32 $0xFFFFD800  }
0x1be: {  	s0 =	stileid.u32;
	s29 =	sadd.s32 $0x1, s29  }
0x1bf: {  	[bflag:$0x0] =	sbarrier.arrive $0xFFFF;
	s0 =	sshll.u32 s0, $0x6;
	p0 =	sne.s32 s29, s15  }
.Ltmp4:
0x1c0: {  	s1 =	sshrl.u32 s8, $0x3;
	s0 =	sor.u32 $0x1C05, s0;
	(pc) =	sbr.rel @p0 .LBB2_1-.Ltmp4, $4  }
0x1c1: {  	[hbm:s14], [sflag:s0] =	dma.local [spmem:s1], $0x1900  }
0x1c2: {  	_ =	swait.ge [sflag:s17], $0x1900  }
0x1c3: {  	[sflag:s17] =	ssyncset.done $0x0  }
0x1c4: {  	[sflag:s17] =	ssyncadd.s32 $0xFFFFE700  }
0x1c5: {  	_ =	sfence.sel $0x180000  }
0x1c6: {  	[bflag:$0x0] =	sbarrier.arrive $0xFFFF  }
0x1c7: {  	_ =	strace $0x90000047  }
0x1c8: {  	s0 =	stileid.u32;
	[bflag:$0x2] =	sbarrier.arrive $0xFFFF  }
0x1c9: {  	p0 =	sne.s32 s0, $0x0;
	s0 =	rddreg [dreg:$0x2]  }
0x1ca: {  	s0 =	sadd.s32 @!p0 $0x100000, s0  }
0x1cb: {  	[sflag:s0] =	ssyncadd.tile.s32 @!p0 $0x1;
	_ =	shalt  }
.Lfunc_end2:
_tile_overlayer_lowered:
.L_overlay_start_2:
0x1cc: {  	(tag) =	ssettag $0x2  }
0x1cd: {  	s0 =	rddreg [dreg:$0x0];
	s2 =	stileid.u32  }
0x1ce: {  	s1 =	rddreg [dreg:$0x1];
	p0 =	sne.s32 s2, $0x0  }
0x1cf: {  	s3 =	rddreg [dreg:$0x2];
	[bflag:$0x3] =	sbarrier.arrive $0xFFFF;
	s2 =	simm.s32 @!p0 $0x1C05  }
0x1d0: {  	[timem:s3], [sflag:s2] =	dma.local @!p0 [hbm:s0], s1  }
0x1d1: {  	s0 =	simm.s32 @!p0 $0x5  }
0x1d2: {  	_ =	swait.ge @!p0 [sflag:s0], s1  }
0x1d3: {  	s1 =	ssub.s32 @!p0 $0x0, s1;
	[sflag:s0] =	ssyncset.done @!p0 $0x0  }
0x1d4: {  	[sflag:s0] =	ssyncadd.s32 @!p0 s1  }
0x1d5: {  	[bflag:$0x3] =	sbarrier.arrive $0xFFFF  }
0x1d6: {  	_ =	shalt  }

</sc_bundles>
